<compile_context>
chip_gen: v7x
topology: tpu7x:2x2x1
jax: 0.10.2.dev20260603
libtpu: 0.0.44.dev20260713+nightly
codegen_flags: <defaults>
</compile_context>

<pallas_src>
import functools

import jax
import jax.numpy as jnp
from jax import lax
from jax.experimental import pallas as pl
from jax.experimental.pallas import tpu as pltpu
from jax.experimental.pallas import tpu_sc as plsc

N = 10000
E = 320000
D_FEAT = 128
D_HID = 128
N_CLASSES = 64

CHUNK = 128
N_CHUNKS = 2560
E_PAD = N_CHUNKS * CHUNK
CPT = N_CHUNKS // 32
IBLK = 40
ROW_SPLIT = 624
ACC_ROWS = 10016
DEG_SLOTS = 10016

_MESH = plsc.VectorSubcoreMesh(
    core_axis_name="c", subcore_axis_name="s", num_cores=2, num_subcores=16)


def _deg_body(dst_hbm, out_hbm, idx_v, hist):
    c = lax.axis_index("c")
    s = lax.axis_index("s")
    wid = c * 16 + s
    zero16 = jnp.zeros((16,), jnp.float32)

    def zstep(i, _):
        hist[pl.ds(16 * i, 16)] = zero16
        return 0

    lax.fori_loop(0, DEG_SLOTS // 16, zstep, 0)
    row0 = wid * CPT
    pltpu.sync_copy(dst_hbm.at[pl.ds(row0, CPT), :], idx_v)

    ones16 = jnp.ones((16,), jnp.float32)

    def step(g, _):
        for j in range(0, CHUNK, 16):
            plsc.addupdate_scatter(hist, [idx_v[g, pl.ds(j, 16)]], ones16)
        return 0

    lax.fori_loop(0, CPT, step, 0)
    pltpu.sync_copy(hist, out_hbm.at[wid])


_deg_kernel = functools.partial(
    pl.kernel,
    out_type=jax.ShapeDtypeStruct((32, DEG_SLOTS), jnp.float32),
    mesh=_MESH,
    compiler_params=pltpu.CompilerParams(needs_layout_passes=False),
    scratch_types=[
        pltpu.VMEM((CPT, CHUNK), jnp.int32),
        pltpu.VMEM((DEG_SLOTS,), jnp.float32),
    ],
)(_deg_body)


def _agg_body(src_hbm, dst_hbm, hp, out_hbm,
              src_idx, dst_idx, rows, acc, g0, g1, s0, s1):
    c = lax.axis_index("c")
    s = lax.axis_index("s")
    off = s * ROW_SPLIT
    pl.when(s < 15)(lambda: pltpu.sync_copy(
        hp.at[pl.ds(off, ROW_SPLIT), :], acc.at[pl.ds(off, ROW_SPLIT), :]))
    pl.when(s == 15)(lambda: pltpu.sync_copy(
        hp.at[pl.ds(15 * ROW_SPLIT, 640), :],
        acc.at[pl.ds(15 * ROW_SPLIT, 640), :]))
    row0 = c * (16 * CPT) + s * CPT
    plsc.subcore_barrier()

    def gather(k, buf, sem):
        pltpu.async_copy(hp.at[src_idx.at[k]], rows.at[buf], sem)

    def gwait(k, buf, sem):
        pltpu.make_async_copy(hp.at[src_idx.at[k]], rows.at[buf], sem).wait()

    def scat(k, buf, sem):
        pltpu.async_copy(rows.at[buf], acc.at[dst_idx.at[k]], sem, add=True)

    def swait(k, buf, sem):
        pltpu.make_async_copy(rows.at[buf], acc.at[dst_idx.at[k]],
                              sem).wait()

    for blk in range(CPT // IBLK):
        pltpu.sync_copy(src_hbm.at[pl.ds(row0 + blk * IBLK, IBLK), :],
                        src_idx)
        pltpu.sync_copy(dst_hbm.at[pl.ds(row0 + blk * IBLK, IBLK), :],
                        dst_idx)
        gather(0, 0, g0)

        def step(i, _):
            k0 = 2 * i
            k1 = 2 * i + 1
            gwait(k0, 0, g0)
            pl.when(i > 0)(lambda: swait(k1 - 2, 1, s1))
            gather(k1, 1, g1)
            scat(k0, 0, s0)
            gwait(k1, 1, g1)
            pl.when(i < IBLK // 2 - 1)(lambda: swait(k0, 0, s0))
            pl.when(i < IBLK // 2 - 1)(lambda: gather(k0 + 2, 0, g0))
            scat(k1, 1, s1)
            return 0

        lax.fori_loop(0, IBLK // 2, step, 0)
        swait(IBLK - 2, 0, s0)
        swait(IBLK - 1, 1, s1)
    plsc.subcore_barrier()
    pl.when(s < 15)(lambda: pltpu.sync_copy(
        acc.at[pl.ds(off, ROW_SPLIT), :],
        out_hbm.at[c, pl.ds(off, ROW_SPLIT), :]))
    pl.when(s == 15)(lambda: pltpu.sync_copy(
        acc.at[pl.ds(15 * ROW_SPLIT, 640), :],
        out_hbm.at[c, pl.ds(15 * ROW_SPLIT, 640), :]))


_agg_kernel = functools.partial(
    pl.kernel,
    out_type=jax.ShapeDtypeStruct((2, N, D_HID), jnp.float32),
    mesh=_MESH,
    scratch_types=[
        pltpu.VMEM((IBLK, CHUNK), jnp.int32),
        pltpu.VMEM((IBLK, CHUNK), jnp.int32),
        pltpu.VMEM((2, CHUNK, D_HID), jnp.float32),
        pltpu.VMEM_SHARED((ACC_ROWS, D_HID), jnp.float32),
        pltpu.SemaphoreType.DMA,
        pltpu.SemaphoreType.DMA,
        pltpu.SemaphoreType.DMA,
        pltpu.SemaphoreType.DMA,
    ],
)(_agg_body)


_BLK = 400
_GRID = N // _BLK


def _tc_first_body(x_ref, deg_ref, w_ref, hp_ref, dinv_ref):
    deg = jnp.sum(deg_ref[...], axis=0) + 1.0
    dinv = lax.rsqrt(deg)
    h = jnp.dot(x_ref[...], w_ref[...], preferred_element_type=jnp.float32)
    hp_ref[...] = h * dinv
    dinv_ref[...] = dinv


def _tc_first(x, deg3, W1):
    return pl.pallas_call(
        _tc_first_body,
        grid=(_GRID,),
        in_specs=[
            pl.BlockSpec((_BLK, D_FEAT), lambda i: (i, 0)),
            pl.BlockSpec((32, _BLK, 1), lambda i: (0, i, 0)),
            pl.BlockSpec((D_FEAT, D_HID), lambda i: (0, 0)),
        ],
        out_specs=[
            pl.BlockSpec((_BLK, D_HID), lambda i: (i, 0)),
            pl.BlockSpec((_BLK, 1), lambda i: (i, 0)),
        ],
        out_shape=[
            jax.ShapeDtypeStruct((N, D_HID), jnp.float32),
            jax.ShapeDtypeStruct((N, 1), jnp.float32),
        ],
    )(x, deg3, W1)


def _tc_mid_body(a_ref, hp_ref, dinv_ref, b_ref, w_ref, out_ref):
    agg = a_ref[0] + a_ref[1] - hp_ref[...]
    dinv = dinv_ref[...]
    z = jnp.maximum(agg * dinv + b_ref[...], 0.0)
    h = jnp.dot(z, w_ref[...], preferred_element_type=jnp.float32)
    out_ref[...] = h * dinv


def _tc_mid(a, hp, dinv, b, W):
    return pl.pallas_call(
        _tc_mid_body,
        grid=(_GRID,),
        in_specs=[
            pl.BlockSpec((2, _BLK, D_HID), lambda i: (0, i, 0)),
            pl.BlockSpec((_BLK, D_HID), lambda i: (i, 0)),
            pl.BlockSpec((_BLK, 1), lambda i: (i, 0)),
            pl.BlockSpec((1, D_HID), lambda i: (0, 0)),
            pl.BlockSpec((D_HID, D_HID), lambda i: (0, 0)),
        ],
        out_specs=pl.BlockSpec((_BLK, D_HID), lambda i: (i, 0)),
        out_shape=jax.ShapeDtypeStruct((N, D_HID), jnp.float32),
    )(a, hp, dinv, b, W)


def _tc_scale_body(a_ref, hp_ref, dinv_ref, b_ref, out_ref):
    agg = a_ref[0] + a_ref[1] - hp_ref[...]
    dinv = dinv_ref[...]
    z = jnp.maximum(agg * dinv + b_ref[...], 0.0)
    out_ref[...] = z * dinv


def _tc_scale(a, hp, dinv, b):
    return pl.pallas_call(
        _tc_scale_body,
        grid=(_GRID,),
        in_specs=[
            pl.BlockSpec((2, _BLK, D_HID), lambda i: (0, i, 0)),
            pl.BlockSpec((_BLK, D_HID), lambda i: (i, 0)),
            pl.BlockSpec((_BLK, 1), lambda i: (i, 0)),
            pl.BlockSpec((1, D_HID), lambda i: (0, 0)),
        ],
        out_specs=pl.BlockSpec((_BLK, D_HID), lambda i: (i, 0)),
        out_shape=jax.ShapeDtypeStruct((N, D_HID), jnp.float32),
    )(a, hp, dinv, b)


def _tc_last_body(a_ref, hp_ref, dinv_ref, b_ref, w_ref, out_ref):
    agg = a_ref[0] + a_ref[1] - hp_ref[...]
    h = jnp.dot(agg, w_ref[...], preferred_element_type=jnp.float32)
    y = h * dinv_ref[...] + b_ref[...]
    m = jnp.max(y, axis=1, keepdims=True)
    lse = jnp.log(jnp.sum(jnp.exp(y - m), axis=1, keepdims=True))
    out_ref[...] = y - m - lse


def _tc_last(a, hp, dinv, b3, W3):
    return pl.pallas_call(
        _tc_last_body,
        grid=(_GRID,),
        in_specs=[
            pl.BlockSpec((2, _BLK, D_HID), lambda i: (0, i, 0)),
            pl.BlockSpec((_BLK, D_HID), lambda i: (i, 0)),
            pl.BlockSpec((_BLK, 1), lambda i: (i, 0)),
            pl.BlockSpec((1, N_CLASSES), lambda i: (0, 0)),
            pl.BlockSpec((D_HID, N_CLASSES), lambda i: (0, 0)),
        ],
        out_specs=pl.BlockSpec((_BLK, N_CLASSES), lambda i: (i, 0)),
        out_shape=jax.ShapeDtypeStruct((N, N_CLASSES), jnp.float32),
    )(a, hp, dinv, b3, W3)


@jax.jit
def kernel(x, edge_index, batch, W1, b1, W2, b2, W3, b3):
    per_tile = E // 32
    pad_pt = E_PAD // 32 - per_tile
    src2 = edge_index[0].reshape(32, per_tile)
    dst2 = edge_index[1].reshape(32, per_tile)
    pad_src = jnp.zeros((32, pad_pt), jnp.int32)
    pad_dst = jnp.broadcast_to(
        N + (jnp.arange(pad_pt, dtype=jnp.int32) % 16), (32, pad_pt))
    src_p = jnp.concatenate([src2, pad_src], axis=1).reshape(N_CHUNKS, CHUNK)
    dst_p = jnp.concatenate([dst2, pad_dst], axis=1).reshape(N_CHUNKS, CHUNK)

    deg2 = _deg_kernel(dst_p)
    deg3 = deg2[:, :N, None]

    hp1, dinv = _tc_first(x, deg3, W1)
    a1 = _agg_kernel(src_p, dst_p, hp1)
    hp2 = _tc_mid(a1, hp1, dinv, b1.reshape(1, -1), W2)
    a2 = _agg_kernel(src_p, dst_p, hp2)
    hpz = _tc_scale(a2, hp2, dinv, b2.reshape(1, -1))
    a3 = _agg_kernel(src_p, dst_p, hpz)
    return _tc_last(a3, hpz, dinv, b3.reshape(1, -1), W3)

# --- scband reference (transcript-rebuilt; emitter-appended) ---
"""Pipeline reference for scband-gcn3-46617575031251 (READ-ONLY COPY).

The authoritative reference and input builder live on the scoring server;
editing this copy changes nothing except your own understanding.
"""

import jax, jax.numpy as jnp
import numpy as np

N_NODES = 10000
N_EDGES = 320000
D_FEAT = 128
D_HID = 128
N_CLASSES = 64


def setup_inputs(seed: int = 0) -> dict:
    key = jax.random.key(seed)
    ks = jax.random.split(key, 10)
    x = jax.random.normal(ks[0], (N_NODES, D_FEAT), dtype=jnp.float32)
    edge_index = jax.random.randint(ks[1], (2, N_EDGES), 0, N_NODES, dtype=jnp.int64 if jax.config.jax_enable_x64 else jnp.int32).astype(jnp.int32)
    batch = jnp.zeros((N_NODES,), dtype=jnp.int32)
    W1 = jax.random.normal(ks[2], (D_FEAT, D_HID), dtype=jnp.float32) * 0.05
    b1 = jnp.zeros((D_HID,), dtype=jnp.float32)
    W2 = jax.random.normal(ks[3], (D_HID, D_HID), dtype=jnp.float32) * 0.05
    b2 = jnp.zeros((D_HID,), dtype=jnp.float32)
    W3 = jax.random.normal(ks[4], (D_HID, N_CLASSES), dtype=jnp.float32) * 0.05
    b3 = jnp.zeros((N_CLASSES,), dtype=jnp.float32)
    return {"x": x, "edge_index": edge_index, "batch": batch,
            "W1": W1, "b1": b1, "W2": W2, "b2": b2, "W3": W3, "b3": b3}


def _gcn_norm(edge_index, num_nodes):
    # add self-loops, compute symmetric normalization (PyG GCNConv default)
    loop = jnp.arange(num_nodes, dtype=edge_index.dtype)
    src = jnp.concatenate([edge_index[0], loop])
    dst = jnp.concatenate([edge_index[1], loop])
    ones = jnp.ones(src.shape[0], dtype=jnp.float32)
    deg = jax.ops.segment_sum(ones, dst, num_segments=num_nodes)
    deg_inv_sqrt = jnp.where(deg > 0, 1.0 / jnp.sqrt(deg), 0.0)
    norm = deg_inv_sqrt[src] * deg_inv_sqrt[dst]
    return src, dst, norm


def _gcn_layer(x, src, dst, norm, W, b, num_nodes):
    h = x @ W
    msgs = h[src] * norm[:, None]
    out = jax.ops.segment_sum(msgs, dst, num_segments=num_nodes)
    return out + b


def reference(x, edge_index, batch, W1, b1, W2, b2, W3, b3):
    num_nodes = x.shape[0]
    src, dst, norm = _gcn_norm(edge_index, num_nodes)
    h = _gcn_layer(x, src, dst, norm, W1, b1, num_nodes)
    h = jax.nn.relu(h)
    # dropout is identity in eval mode
    h = _gcn_layer(h, src, dst, norm, W2, b2, num_nodes)
    h = jax.nn.relu(h)
    h = _gcn_layer(h, src, dst, norm, W3, b3, num_nodes)
    return jax.nn.log_softmax(h, axis=1)

if __name__ == "__main__":
    import jax
    _d = setup_inputs()
    print(jax.jit(kernel)(*tuple(_d.values())))

</pallas_src>

<mosaic_0001>
#map = affine_map<(d0, d1) -> (0, 0)>
#map1 = affine_map<(d0, d1) -> (0, 0, 0)>
module attributes {stable_mosaic.version = 14 : i64} {
  func.func @_agg_body(%arg0: i32, %arg1: i32, %arg2: memref<2560x128xi32, #tpu.memory_space<hbm>>, %arg3: memref<2560x128xi32, #tpu.memory_space<hbm>>, %arg4: memref<10000x128xf32, #tpu.memory_space<hbm>>, %arg5: memref<2x10000x128xf32, #tpu.memory_space<hbm>>, %arg6: memref<40x128xi32, #tpu.memory_space<vmem>>, %arg7: memref<40x128xi32, #tpu.memory_space<vmem>>, %arg8: memref<2x128x128xf32, #tpu.memory_space<vmem>>, %arg9: memref<10016x128xf32, #tpu.memory_space<vmem_shared>>, %arg10: memref<!tpu.dma_semaphore, #tpu.memory_space<semaphore_mem>>, %arg11: memref<!tpu.dma_semaphore, #tpu.memory_space<semaphore_mem>>, %arg12: memref<!tpu.dma_semaphore, #tpu.memory_space<semaphore_mem>>, %arg13: memref<!tpu.dma_semaphore, #tpu.memory_space<semaphore_mem>>) attributes {dimension_semantics = [#tpu.dimension_semantics<core_parallel>, #tpu.dimension_semantics<subcore_parallel>], iteration_bounds = array<i64: 2, 16>, scalar_prefetch = 0 : i64, scratch_operands = 8 : i64, tpu.core_type = #tpu.core_type<sc_vector_subcore>, window_params = [{transform_indices = #map}, {transform_indices = #map}, {transform_indices = #map}, {transform_indices = #map1}]} {
    %mul3A = arith.constant 624 : i32
    %mul3A_0 = arith.muli %arg1, %mul3A : i32
    %lt3A = arith.constant 15 : i32
    %lt3A_1 = arith.cmpi slt, %arg1, %lt3A : i32
    %convert_element_type3A = arith.extui %lt3A_1 : i1 to i32
    %cond3A = arith.constant 0 : i32
    %cond3A_2 = arith.cmpi ne, %convert_element_type3A, %cond3A : i32
    scf.if %cond3A_2 {
      "tpu.region"() ({
        %run_scoped3A = tpu.sem_alloc : memref<!tpu.dma_semaphore, #tpu.memory_space<semaphore_mem>>
        %dma_start3A_113 = arith.constant 0 : i32
        %dma_start3A_114 = tpu.memref_slice %arg9[%mul3A_0, %dma_start3A_113] : memref<10016x128xf32, #tpu.memory_space<vmem_shared>> -> memref<624x128xf32, #tpu.memory_space<vmem_shared>>
        %dma_start3A_115 = arith.constant 0 : i32
        %dma_start3A_116 = tpu.memref_slice %arg4[%mul3A_0, %dma_start3A_115] : memref<10000x128xf32, #tpu.memory_space<hbm>> -> memref<624x128xf32, #tpu.memory_space<hbm>>
        tpu.enqueue_dma source(%dma_start3A_116 : memref<624x128xf32, #tpu.memory_space<hbm>>) target(%dma_start3A_114 : memref<624x128xf32, #tpu.memory_space<vmem_shared>>) target_semaphore(%run_scoped3A : memref<!tpu.dma_semaphore, #tpu.memory_space<semaphore_mem>>)
        %dma_wait3A_117 = arith.constant 0 : i32
        %dma_wait3A_118 = tpu.memref_slice %arg9[%mul3A_0, %dma_wait3A_117] : memref<10016x128xf32, #tpu.memory_space<vmem_shared>> -> memref<624x128xf32, #tpu.memory_space<vmem_shared>>
        %dma_wait3A_119 = arith.constant 0 : i32
        %dma_wait3A_120 = tpu.memref_slice %arg4[%mul3A_0, %dma_wait3A_119] : memref<10000x128xf32, #tpu.memory_space<hbm>> -> memref<624x128xf32, #tpu.memory_space<hbm>>
        tpu.wait_dma2 semaphore(%run_scoped3A : memref<!tpu.dma_semaphore, #tpu.memory_space<semaphore_mem>>) src(%dma_wait3A_120 : memref<624x128xf32, #tpu.memory_space<hbm>>) dst(%dma_wait3A_118 : memref<624x128xf32, #tpu.memory_space<vmem_shared>>)
        tpu.yield
      }) : () -> ()
    } else {
    }
    %eq3A = arith.constant 15 : i32
    %eq3A_3 = arith.cmpi eq, %arg1, %eq3A : i32
    %convert_element_type3A_4 = arith.extui %eq3A_3 : i1 to i32
    %cond3A_5 = arith.constant 0 : i32
    %cond3A_6 = arith.cmpi ne, %convert_element_type3A_4, %cond3A_5 : i32
    scf.if %cond3A_6 {
      "tpu.region"() ({
        %run_scoped3A = tpu.sem_alloc : memref<!tpu.dma_semaphore, #tpu.memory_space<semaphore_mem>>
        %dma_start3A_113 = arith.constant 9360 : i32
        %dma_start3A_114 = arith.constant 0 : i32
        %dma_start3A_115 = tpu.memref_slice %arg9[%dma_start3A_113, %dma_start3A_114] : memref<10016x128xf32, #tpu.memory_space<vmem_shared>> -> memref<640x128xf32, #tpu.memory_space<vmem_shared>>
        %dma_start3A_116 = arith.constant 9360 : i32
        %dma_start3A_117 = arith.constant 0 : i32
        %dma_start3A_118 = tpu.memref_slice %arg4[%dma_start3A_116, %dma_start3A_117] : memref<10000x128xf32, #tpu.memory_space<hbm>> -> memref<640x128xf32, #tpu.memory_space<hbm>>
        tpu.enqueue_dma source(%dma_start3A_118 : memref<640x128xf32, #tpu.memory_space<hbm>>) target(%dma_start3A_115 : memref<640x128xf32, #tpu.memory_space<vmem_shared>>) target_semaphore(%run_scoped3A : memref<!tpu.dma_semaphore, #tpu.memory_space<semaphore_mem>>)
        %dma_wait3A_119 = arith.constant 9360 : i32
        %dma_wait3A_120 = arith.constant 0 : i32
        %dma_wait3A_121 = tpu.memref_slice %arg9[%dma_wait3A_119, %dma_wait3A_120] : memref<10016x128xf32, #tpu.memory_space<vmem_shared>> -> memref<640x128xf32, #tpu.memory_space<vmem_shared>>
        %dma_wait3A_122 = arith.constant 9360 : i32
        %dma_wait3A_123 = arith.constant 0 : i32
        %dma_wait3A_124 = tpu.memref_slice %arg4[%dma_wait3A_122, %dma_wait3A_123] : memref<10000x128xf32, #tpu.memory_space<hbm>> -> memref<640x128xf32, #tpu.memory_space<hbm>>
        tpu.wait_dma2 semaphore(%run_scoped3A : memref<!tpu.dma_semaphore, #tpu.memory_space<semaphore_mem>>) src(%dma_wait3A_124 : memref<640x128xf32, #tpu.memory_space<hbm>>) dst(%dma_wait3A_121 : memref<640x128xf32, #tpu.memory_space<vmem_shared>>)
        tpu.yield
      }) : () -> ()
    } else {
    }
    %mul3A_7 = arith.constant 1280 : i32
    %mul3A_8 = arith.muli %arg0, %mul3A_7 : i32
    %mul3A_9 = arith.constant 80 : i32
    %mul3A_10 = arith.muli %arg1, %mul3A_9 : i32
    %add3A = arith.addi %mul3A_8, %mul3A_10 : i32
    %barrier3A = arith.constant 0 : index
    tpu.barrier barrier_id(%barrier3A)
    %add3A_11 = arith.constant 0 : i32
    %add3A_12 = arith.addi %add3A, %add3A_11 : i32
    "tpu.region"() ({
      %run_scoped3A = tpu.sem_alloc : memref<!tpu.dma_semaphore, #tpu.memory_space<semaphore_mem>>
      %dma_start3A_113 = arith.constant 0 : i32
      %dma_start3A_114 = tpu.memref_slice %arg2[%add3A_12, %dma_start3A_113] : memref<2560x128xi32, #tpu.memory_space<hbm>> -> memref<40x128xi32, #tpu.memory_space<hbm>>
      %dma_start3A_115 = arith.constant 0 : i32
      %dma_start3A_116 = tpu.memref_slice %arg2[%add3A_12, %dma_start3A_115] : memref<2560x128xi32, #tpu.memory_space<hbm>> -> memref<40x128xi32, #tpu.memory_space<hbm>>
      tpu.enqueue_dma source(%dma_start3A_116 : memref<40x128xi32, #tpu.memory_space<hbm>>) target(%arg6 : memref<40x128xi32, #tpu.memory_space<vmem>>) target_semaphore(%run_scoped3A : memref<!tpu.dma_semaphore, #tpu.memory_space<semaphore_mem>>)
      %dma_wait3A_117 = arith.constant 0 : i32
      %dma_wait3A_118 = tpu.memref_slice %arg2[%add3A_12, %dma_wait3A_117] : memref<2560x128xi32, #tpu.memory_space<hbm>> -> memref<40x128xi32, #tpu.memory_space<hbm>>
      %dma_wait3A_119 = arith.constant 0 : i32
      %dma_wait3A_120 = tpu.memref_slice %arg2[%add3A_12, %dma_wait3A_119] : memref<2560x128xi32, #tpu.memory_space<hbm>> -> memref<40x128xi32, #tpu.memory_space<hbm>>
      tpu.wait_dma2 semaphore(%run_scoped3A : memref<!tpu.dma_semaphore, #tpu.memory_space<semaphore_mem>>) src(%dma_wait3A_120 : memref<40x128xi32, #tpu.memory_space<hbm>>) dst(%arg6 : memref<40x128xi32, #tpu.memory_space<vmem>>)
      tpu.yield
    }) : () -> ()
    %add3A_13 = arith.constant 0 : i32
    %add3A_14 = arith.addi %add3A, %add3A_13 : i32
    "tpu.region"() ({
      %run_scoped3A = tpu.sem_alloc : memref<!tpu.dma_semaphore, #tpu.memory_space<semaphore_mem>>
      %dma_start3A_113 = arith.constant 0 : i32
      %dma_start3A_114 = tpu.memref_slice %arg3[%add3A_14, %dma_start3A_113] : memref<2560x128xi32, #tpu.memory_space<hbm>> -> memref<40x128xi32, #tpu.memory_space<hbm>>
      %dma_start3A_115 = arith.constant 0 : i32
      %dma_start3A_116 = tpu.memref_slice %arg3[%add3A_14, %dma_start3A_115] : memref<2560x128xi32, #tpu.memory_space<hbm>> -> memref<40x128xi32, #tpu.memory_space<hbm>>
      tpu.enqueue_dma source(%dma_start3A_116 : memref<40x128xi32, #tpu.memory_space<hbm>>) target(%arg7 : memref<40x128xi32, #tpu.memory_space<vmem>>) target_semaphore(%run_scoped3A : memref<!tpu.dma_semaphore, #tpu.memory_space<semaphore_mem>>)
      %dma_wait3A_117 = arith.constant 0 : i32
      %dma_wait3A_118 = tpu.memref_slice %arg3[%add3A_14, %dma_wait3A_117] : memref<2560x128xi32, #tpu.memory_space<hbm>> -> memref<40x128xi32, #tpu.memory_space<hbm>>
      %dma_wait3A_119 = arith.constant 0 : i32
      %dma_wait3A_120 = tpu.memref_slice %arg3[%add3A_14, %dma_wait3A_119] : memref<2560x128xi32, #tpu.memory_space<hbm>> -> memref<40x128xi32, #tpu.memory_space<hbm>>
      tpu.wait_dma2 semaphore(%run_scoped3A : memref<!tpu.dma_semaphore, #tpu.memory_space<semaphore_mem>>) src(%dma_wait3A_120 : memref<40x128xi32, #tpu.memory_space<hbm>>) dst(%arg7 : memref<40x128xi32, #tpu.memory_space<vmem>>)
      tpu.yield
    }) : () -> ()
    %dma_start3A = arith.constant 0 : i32
    %dma_start3A_15 = arith.constant 0 : i32
    %dma_start3A_16 = arith.constant 0 : i32
    %dma_start3A_17 = arith.constant 0 : i32
    %dma_start3A_18 = tpu.memref_slice %arg8[%dma_start3A_15, %dma_start3A_16, %dma_start3A_17] : memref<2x128x128xf32, #tpu.memory_space<vmem>> -> memref<1x128x128xf32, #tpu.memory_space<vmem>>
    %dma_start3A_19 = tpu.memref_squeeze %dma_start3A_18 : memref<1x128x128xf32, #tpu.memory_space<vmem>> -> memref<128x128xf32, #tpu.memory_space<vmem>>
    %dma_start3A_20 = arith.constant 0 : i32
    %dma_start3A_21 = tpu.memref_slice %arg6[%dma_start3A, %dma_start3A_20] : memref<40x128xi32, #tpu.memory_space<vmem>> -> memref<1x128xi32, #tpu.memory_space<vmem>>
    %dma_start3A_22 = tpu.memref_squeeze %dma_start3A_21 : memref<1x128xi32, #tpu.memory_space<vmem>> -> memref<128xi32, #tpu.memory_space<vmem>>
    %dma_start3A_23 = arith.constant 0 : i32
    %dma_start3A_24 = arith.constant 0 : i32
    %dma_start3A_25 = tpu.memref_slice %arg4[%dma_start3A_23, %dma_start3A_24] : memref<10000x128xf32, #tpu.memory_space<hbm>> -> memref<10000x128xf32, #tpu.memory_space<hbm>>
    tpu.enqueue_indirect_dma source(%dma_start3A_25 : memref<10000x128xf32, #tpu.memory_space<hbm>>) target(%dma_start3A_19 : memref<128x128xf32, #tpu.memory_space<vmem>>) offsets(%dma_start3A_22 : memref<128xi32, #tpu.memory_space<vmem>>) semaphore(%arg10 : memref<!tpu.dma_semaphore, #tpu.memory_space<semaphore_mem>>)
    %scan3A = arith.constant 0 : i32
    %scan3A_26 = arith.constant 0 : i32
    %scan3A_27 = arith.constant 20 : i32
    %scan3A_28 = arith.addi %scan3A_26, %scan3A_27 : i32
    %scan3A_29 = arith.constant 1 : i32
    %scan3A_30 = scf.for %scan3A_113 = %scan3A_26 to %scan3A_28 step %scan3A_29 iter_args(%scan3A_114 = %scan3A) -> (i32)  : i32 {
      %mul3A_115 = arith.constant 2 : i32
      %mul3A_116 = arith.muli %mul3A_115, %scan3A_113 : i32
      %mul3A_117 = arith.constant 2 : i32
      %mul3A_118 = arith.muli %mul3A_117, %scan3A_113 : i32
      %add3A_119 = arith.constant 1 : i32
      %add3A_120 = arith.addi %mul3A_118, %add3A_119 : i32
      %dma_wait3A_121 = arith.constant 0 : i32
      %dma_wait3A_122 = arith.constant 0 : i32
      %dma_wait3A_123 = arith.constant 0 : i32
      %dma_wait3A_124 = tpu.memref_slice %arg8[%dma_wait3A_121, %dma_wait3A_122, %dma_wait3A_123] : memref<2x128x128xf32, #tpu.memory_space<vmem>> -> memref<1x128x128xf32, #tpu.memory_space<vmem>>
      %dma_wait3A_125 = tpu.memref_squeeze %dma_wait3A_124 : memref<1x128x128xf32, #tpu.memory_space<vmem>> -> memref<128x128xf32, #tpu.memory_space<vmem>>
      %dma_wait3A_126 = arith.constant 0 : i32
      %dma_wait3A_127 = tpu.memref_slice %arg6[%mul3A_116, %dma_wait3A_126] : memref<40x128xi32, #tpu.memory_space<vmem>> -> memref<1x128xi32, #tpu.memory_space<vmem>>
      %dma_wait3A_128 = tpu.memref_squeeze %dma_wait3A_127 : memref<1x128xi32, #tpu.memory_space<vmem>> -> memref<128xi32, #tpu.memory_space<vmem>>
      %dma_wait3A_129 = arith.constant 0 : i32
      %dma_wait3A_130 = arith.constant 0 : i32
      %dma_wait3A_131 = tpu.memref_slice %arg4[%dma_wait3A_129, %dma_wait3A_130] : memref<10000x128xf32, #tpu.memory_space<hbm>> -> memref<10000x128xf32, #tpu.memory_space<hbm>>
      tpu.wait_indirect_dma semaphore(%arg10 : memref<!tpu.dma_semaphore, #tpu.memory_space<semaphore_mem>>) src(%dma_wait3A_131 : memref<10000x128xf32, #tpu.memory_space<hbm>>) dst(%dma_wait3A_125 : memref<128x128xf32, #tpu.memory_space<vmem>>)
      %gt3A = arith.constant 0 : i32
      %gt3A_132 = arith.cmpi sgt, %scan3A_113, %gt3A : i32
      %convert_element_type3A_133 = arith.extui %gt3A_132 : i1 to i32
      %cond3A_134 = arith.constant 0 : i32
      %cond3A_135 = arith.cmpi ne, %convert_element_type3A_133, %cond3A_134 : i32
      scf.if %cond3A_135 {
        %sub3A = arith.constant 2 : i32
        %sub3A_191 = arith.subi %add3A_120, %sub3A : i32
        %dma_wait3A_192 = arith.constant 1 : i32
        %dma_wait3A_193 = arith.constant 0 : i32
        %dma_wait3A_194 = arith.constant 0 : i32
        %dma_wait3A_195 = tpu.memref_slice %arg8[%dma_wait3A_192, %dma_wait3A_193, %dma_wait3A_194] : memref<2x128x128xf32, #tpu.memory_space<vmem>> -> memref<1x128x128xf32, #tpu.memory_space<vmem>>
        %dma_wait3A_196 = tpu.memref_squeeze %dma_wait3A_195 : memref<1x128x128xf32, #tpu.memory_space<vmem>> -> memref<128x128xf32, #tpu.memory_space<vmem>>
        %dma_wait3A_197 = arith.constant 0 : i32
        %dma_wait3A_198 = tpu.memref_slice %arg7[%sub3A_191, %dma_wait3A_197] : memref<40x128xi32, #tpu.memory_space<vmem>> -> memref<1x128xi32, #tpu.memory_space<vmem>>
        %dma_wait3A_199 = tpu.memref_squeeze %dma_wait3A_198 : memref<1x128xi32, #tpu.memory_space<vmem>> -> memref<128xi32, #tpu.memory_space<vmem>>
        %dma_wait3A_200 = arith.constant 0 : i32
        %dma_wait3A_201 = arith.constant 0 : i32
        %dma_wait3A_202 = tpu.memref_slice %arg9[%dma_wait3A_200, %dma_wait3A_201] : memref<10016x128xf32, #tpu.memory_space<vmem_shared>> -> memref<10016x128xf32, #tpu.memory_space<vmem_shared>>
        tpu.wait_indirect_dma semaphore(%arg13 : memref<!tpu.dma_semaphore, #tpu.memory_space<semaphore_mem>>) src(%dma_wait3A_196 : memref<128x128xf32, #tpu.memory_space<vmem>>) dst(%dma_wait3A_202 : memref<10016x128xf32, #tpu.memory_space<vmem_shared>>)
      } else {
      }
      %dma_start3A_136 = arith.constant 1 : i32
      %dma_start3A_137 = arith.constant 0 : i32
      %dma_start3A_138 = arith.constant 0 : i32
      %dma_start3A_139 = tpu.memref_slice %arg8[%dma_start3A_136, %dma_start3A_137, %dma_start3A_138] : memref<2x128x128xf32, #tpu.memory_space<vmem>> -> memref<1x128x128xf32, #tpu.memory_space<vmem>>
      %dma_start3A_140 = tpu.memref_squeeze %dma_start3A_139 : memref<1x128x128xf32, #tpu.memory_space<vmem>> -> memref<128x128xf32, #tpu.memory_space<vmem>>
      %dma_start3A_141 = arith.constant 0 : i32
      %dma_start3A_142 = tpu.memref_slice %arg6[%add3A_120, %dma_start3A_141] : memref<40x128xi32, #tpu.memory_space<vmem>> -> memref<1x128xi32, #tpu.memory_space<vmem>>
      %dma_start3A_143 = tpu.memref_squeeze %dma_start3A_142 : memref<1x128xi32, #tpu.memory_space<vmem>> -> memref<128xi32, #tpu.memory_space<vmem>>
      %dma_start3A_144 = arith.constant 0 : i32
      %dma_start3A_145 = arith.constant 0 : i32
      %dma_start3A_146 = tpu.memref_slice %arg4[%dma_start3A_144, %dma_start3A_145] : memref<10000x128xf32, #tpu.memory_space<hbm>> -> memref<10000x128xf32, #tpu.memory_space<hbm>>
      tpu.enqueue_indirect_dma source(%dma_start3A_146 : memref<10000x128xf32, #tpu.memory_space<hbm>>) target(%dma_start3A_140 : memref<128x128xf32, #tpu.memory_space<vmem>>) offsets(%dma_start3A_143 : memref<128xi32, #tpu.memory_space<vmem>>) semaphore(%arg11 : memref<!tpu.dma_semaphore, #tpu.memory_space<semaphore_mem>>)
      %dma_start3A_147 = arith.constant 0 : i32
      %dma_start3A_148 = arith.constant 0 : i32
      %dma_start3A_149 = arith.constant 0 : i32
      %dma_start3A_150 = tpu.memref_slice %arg8[%dma_start3A_147, %dma_start3A_148, %dma_start3A_149] : memref<2x128x128xf32, #tpu.memory_space<vmem>> -> memref<1x128x128xf32, #tpu.memory_space<vmem>>
      %dma_start3A_151 = tpu.memref_squeeze %dma_start3A_150 : memref<1x128x128xf32, #tpu.memory_space<vmem>> -> memref<128x128xf32, #tpu.memory_space<vmem>>
      %dma_start3A_152 = arith.constant 0 : i32
      %dma_start3A_153 = tpu.memref_slice %arg7[%mul3A_116, %dma_start3A_152] : memref<40x128xi32, #tpu.memory_space<vmem>> -> memref<1x128xi32, #tpu.memory_space<vmem>>
      %dma_start3A_154 = tpu.memref_squeeze %dma_start3A_153 : memref<1x128xi32, #tpu.memory_space<vmem>> -> memref<128xi32, #tpu.memory_space<vmem>>
      %dma_start3A_155 = arith.constant 0 : i32
      %dma_start3A_156 = arith.constant 0 : i32
      %dma_start3A_157 = tpu.memref_slice %arg9[%dma_start3A_155, %dma_start3A_156] : memref<10016x128xf32, #tpu.memory_space<vmem_shared>> -> memref<10016x128xf32, #tpu.memory_space<vmem_shared>>
      tpu.enqueue_indirect_dma source(%dma_start3A_151 : memref<128x128xf32, #tpu.memory_space<vmem>>) target(%dma_start3A_157 : memref<10016x128xf32, #tpu.memory_space<vmem_shared>>) offsets(%dma_start3A_154 : memref<128xi32, #tpu.memory_space<vmem>>) semaphore(%arg12 : memref<!tpu.dma_semaphore, #tpu.memory_space<semaphore_mem>>) {add = true}
      %dma_wait3A_158 = arith.constant 1 : i32
      %dma_wait3A_159 = arith.constant 0 : i32
      %dma_wait3A_160 = arith.constant 0 : i32
      %dma_wait3A_161 = tpu.memref_slice %arg8[%dma_wait3A_158, %dma_wait3A_159, %dma_wait3A_160] : memref<2x128x128xf32, #tpu.memory_space<vmem>> -> memref<1x128x128xf32, #tpu.memory_space<vmem>>
      %dma_wait3A_162 = tpu.memref_squeeze %dma_wait3A_161 : memref<1x128x128xf32, #tpu.memory_space<vmem>> -> memref<128x128xf32, #tpu.memory_space<vmem>>
      %dma_wait3A_163 = arith.constant 0 : i32
      %dma_wait3A_164 = tpu.memref_slice %arg6[%add3A_120, %dma_wait3A_163] : memref<40x128xi32, #tpu.memory_space<vmem>> -> memref<1x128xi32, #tpu.memory_space<vmem>>
      %dma_wait3A_165 = tpu.memref_squeeze %dma_wait3A_164 : memref<1x128xi32, #tpu.memory_space<vmem>> -> memref<128xi32, #tpu.memory_space<vmem>>
      %dma_wait3A_166 = arith.constant 0 : i32
      %dma_wait3A_167 = arith.constant 0 : i32
      %dma_wait3A_168 = tpu.memref_slice %arg4[%dma_wait3A_166, %dma_wait3A_167] : memref<10000x128xf32, #tpu.memory_space<hbm>> -> memref<10000x128xf32, #tpu.memory_space<hbm>>
      tpu.wait_indirect_dma semaphore(%arg11 : memref<!tpu.dma_semaphore, #tpu.memory_space<semaphore_mem>>) src(%dma_wait3A_168 : memref<10000x128xf32, #tpu.memory_space<hbm>>) dst(%dma_wait3A_162 : memref<128x128xf32, #tpu.memory_space<vmem>>)
      %lt3A_169 = arith.constant 19 : i32
      %lt3A_170 = arith.cmpi slt, %scan3A_113, %lt3A_169 : i32
      %convert_element_type3A_171 = arith.extui %lt3A_170 : i1 to i32
      %cond3A_172 = arith.constant 0 : i32
      %cond3A_173 = arith.cmpi ne, %convert_element_type3A_171, %cond3A_172 : i32
      scf.if %cond3A_173 {
        %dma_wait3A_191 = arith.constant 0 : i32
        %dma_wait3A_192 = arith.constant 0 : i32
        %dma_wait3A_193 = arith.constant 0 : i32
        %dma_wait3A_194 = tpu.memref_slice %arg8[%dma_wait3A_191, %dma_wait3A_192, %dma_wait3A_193] : memref<2x128x128xf32, #tpu.memory_space<vmem>> -> memref<1x128x128xf32, #tpu.memory_space<vmem>>
        %dma_wait3A_195 = tpu.memref_squeeze %dma_wait3A_194 : memref<1x128x128xf32, #tpu.memory_space<vmem>> -> memref<128x128xf32, #tpu.memory_space<vmem>>
        %dma_wait3A_196 = arith.constant 0 : i32
        %dma_wait3A_197 = tpu.memref_slice %arg7[%mul3A_116, %dma_wait3A_196] : memref<40x128xi32, #tpu.memory_space<vmem>> -> memref<1x128xi32, #tpu.memory_space<vmem>>
        %dma_wait3A_198 = tpu.memref_squeeze %dma_wait3A_197 : memref<1x128xi32, #tpu.memory_space<vmem>> -> memref<128xi32, #tpu.memory_space<vmem>>
        %dma_wait3A_199 = arith.constant 0 : i32
        %dma_wait3A_200 = arith.constant 0 : i32
        %dma_wait3A_201 = tpu.memref_slice %arg9[%dma_wait3A_199, %dma_wait3A_200] : memref<10016x128xf32, #tpu.memory_space<vmem_shared>> -> memref<10016x128xf32, #tpu.memory_space<vmem_shared>>
        tpu.wait_indirect_dma semaphore(%arg12 : memref<!tpu.dma_semaphore, #tpu.memory_space<semaphore_mem>>) src(%dma_wait3A_195 : memref<128x128xf32, #tpu.memory_space<vmem>>) dst(%dma_wait3A_201 : memref<10016x128xf32, #tpu.memory_space<vmem_shared>>)
      } else {
      }
      %lt3A_174 = arith.constant 19 : i32
      %lt3A_175 = arith.cmpi slt, %scan3A_113, %lt3A_174 : i32
      %convert_element_type3A_176 = arith.extui %lt3A_175 : i1 to i32
      %cond3A_177 = arith.constant 0 : i32
      %cond3A_178 = arith.cmpi ne, %convert_element_type3A_176, %cond3A_177 : i32
      scf.if %cond3A_178 {
        %add3A_191 = arith.constant 2 : i32
        %add3A_192 = arith.addi %mul3A_116, %add3A_191 : i32
        %dma_start3A_193 = arith.constant 0 : i32
        %dma_start3A_194 = arith.constant 0 : i32
        %dma_start3A_195 = arith.constant 0 : i32
        %dma_start3A_196 = tpu.memref_slice %arg8[%dma_start3A_193, %dma_start3A_194, %dma_start3A_195] : memref<2x128x128xf32, #tpu.memory_space<vmem>> -> memref<1x128x128xf32, #tpu.memory_space<vmem>>
        %dma_start3A_197 = tpu.memref_squeeze %dma_start3A_196 : memref<1x128x128xf32, #tpu.memory_space<vmem>> -> memref<128x128xf32, #tpu.memory_space<vmem>>
        %dma_start3A_198 = arith.constant 0 : i32
        %dma_start3A_199 = tpu.memref_slice %arg6[%add3A_192, %dma_start3A_198] : memref<40x128xi32, #tpu.memory_space<vmem>> -> memref<1x128xi32, #tpu.memory_space<vmem>>
        %dma_start3A_200 = tpu.memref_squeeze %dma_start3A_199 : memref<1x128xi32, #tpu.memory_space<vmem>> -> memref<128xi32, #tpu.memory_space<vmem>>
        %dma_start3A_201 = arith.constant 0 : i32
        %dma_start3A_202 = arith.constant 0 : i32
        %dma_start3A_203 = tpu.memref_slice %arg4[%dma_start3A_201, %dma_start3A_202] : memref<10000x128xf32, #tpu.memory_space<hbm>> -> memref<10000x128xf32, #tpu.memory_space<hbm>>
        tpu.enqueue_indirect_dma source(%dma_start3A_203 : memref<10000x128xf32, #tpu.memory_space<hbm>>) target(%dma_start3A_197 : memref<128x128xf32, #tpu.memory_space<vmem>>) offsets(%dma_start3A_200 : memref<128xi32, #tpu.memory_space<vmem>>) semaphore(%arg10 : memref<!tpu.dma_semaphore, #tpu.memory_space<semaphore_mem>>)
      } else {
      }
      %dma_start3A_179 = arith.constant 1 : i32
      %dma_start3A_180 = arith.constant 0 : i32
      %dma_start3A_181 = arith.constant 0 : i32
      %dma_start3A_182 = tpu.memref_slice %arg8[%dma_start3A_179, %dma_start3A_180, %dma_start3A_181] : memref<2x128x128xf32, #tpu.memory_space<vmem>> -> memref<1x128x128xf32, #tpu.memory_space<vmem>>
      %dma_start3A_183 = tpu.memref_squeeze %dma_start3A_182 : memref<1x128x128xf32, #tpu.memory_space<vmem>> -> memref<128x128xf32, #tpu.memory_space<vmem>>
      %dma_start3A_184 = arith.constant 0 : i32
      %dma_start3A_185 = tpu.memref_slice %arg7[%add3A_120, %dma_start3A_184] : memref<40x128xi32, #tpu.memory_space<vmem>> -> memref<1x128xi32, #tpu.memory_space<vmem>>
      %dma_start3A_186 = tpu.memref_squeeze %dma_start3A_185 : memref<1x128xi32, #tpu.memory_space<vmem>> -> memref<128xi32, #tpu.memory_space<vmem>>
      %dma_start3A_187 = arith.constant 0 : i32
      %dma_start3A_188 = arith.constant 0 : i32
      %dma_start3A_189 = tpu.memref_slice %arg9[%dma_start3A_187, %dma_start3A_188] : memref<10016x128xf32, #tpu.memory_space<vmem_shared>> -> memref<10016x128xf32, #tpu.memory_space<vmem_shared>>
      tpu.enqueue_indirect_dma source(%dma_start3A_183 : memref<128x128xf32, #tpu.memory_space<vmem>>) target(%dma_start3A_189 : memref<10016x128xf32, #tpu.memory_space<vmem_shared>>) offsets(%dma_start3A_186 : memref<128xi32, #tpu.memory_space<vmem>>) semaphore(%arg13 : memref<!tpu.dma_semaphore, #tpu.memory_space<semaphore_mem>>) {add = true}
      %scan3A_190 = arith.constant 0 : i32
      scf.yield %scan3A_190 : i32
    }
    %scan3A_31 = arith.constant 20 : i32
    %dma_wait3A = arith.constant 0 : i32
    %dma_wait3A_32 = arith.constant 38 : i32
    %dma_wait3A_33 = arith.constant 0 : i32
    %dma_wait3A_34 = arith.constant 0 : i32
    %dma_wait3A_35 = tpu.memref_slice %arg8[%dma_wait3A, %dma_wait3A_33, %dma_wait3A_34] : memref<2x128x128xf32, #tpu.memory_space<vmem>> -> memref<1x128x128xf32, #tpu.memory_space<vmem>>
    %dma_wait3A_36 = tpu.memref_squeeze %dma_wait3A_35 : memref<1x128x128xf32, #tpu.memory_space<vmem>> -> memref<128x128xf32, #tpu.memory_space<vmem>>
    %dma_wait3A_37 = arith.constant 0 : i32
    %dma_wait3A_38 = tpu.memref_slice %arg7[%dma_wait3A_32, %dma_wait3A_37] : memref<40x128xi32, #tpu.memory_space<vmem>> -> memref<1x128xi32, #tpu.memory_space<vmem>>
    %dma_wait3A_39 = tpu.memref_squeeze %dma_wait3A_38 : memref<1x128xi32, #tpu.memory_space<vmem>> -> memref<128xi32, #tpu.memory_space<vmem>>
    %dma_wait3A_40 = arith.constant 0 : i32
    %dma_wait3A_41 = arith.constant 0 : i32
    %dma_wait3A_42 = tpu.memref_slice %arg9[%dma_wait3A_40, %dma_wait3A_41] : memref<10016x128xf32, #tpu.memory_space<vmem_shared>> -> memref<10016x128xf32, #tpu.memory_space<vmem_shared>>
    tpu.wait_indirect_dma semaphore(%arg12 : memref<!tpu.dma_semaphore, #tpu.memory_space<semaphore_mem>>) src(%dma_wait3A_36 : memref<128x128xf32, #tpu.memory_space<vmem>>) dst(%dma_wait3A_42 : memref<10016x128xf32, #tpu.memory_space<vmem_shared>>)
    %dma_wait3A_43 = arith.constant 1 : i32
    %dma_wait3A_44 = arith.constant 39 : i32
    %dma_wait3A_45 = arith.constant 0 : i32
    %dma_wait3A_46 = arith.constant 0 : i32
    %dma_wait3A_47 = tpu.memref_slice %arg8[%dma_wait3A_43, %dma_wait3A_45, %dma_wait3A_46] : memref<2x128x128xf32, #tpu.memory_space<vmem>> -> memref<1x128x128xf32, #tpu.memory_space<vmem>>
    %dma_wait3A_48 = tpu.memref_squeeze %dma_wait3A_47 : memref<1x128x128xf32, #tpu.memory_space<vmem>> -> memref<128x128xf32, #tpu.memory_space<vmem>>
    %dma_wait3A_49 = arith.constant 0 : i32
    %dma_wait3A_50 = tpu.memref_slice %arg7[%dma_wait3A_44, %dma_wait3A_49] : memref<40x128xi32, #tpu.memory_space<vmem>> -> memref<1x128xi32, #tpu.memory_space<vmem>>
    %dma_wait3A_51 = tpu.memref_squeeze %dma_wait3A_50 : memref<1x128xi32, #tpu.memory_space<vmem>> -> memref<128xi32, #tpu.memory_space<vmem>>
    %dma_wait3A_52 = arith.constant 0 : i32
    %dma_wait3A_53 = arith.constant 0 : i32
    %dma_wait3A_54 = tpu.memref_slice %arg9[%dma_wait3A_52, %dma_wait3A_53] : memref<10016x128xf32, #tpu.memory_space<vmem_shared>> -> memref<10016x128xf32, #tpu.memory_space<vmem_shared>>
    tpu.wait_indirect_dma semaphore(%arg13 : memref<!tpu.dma_semaphore, #tpu.memory_space<semaphore_mem>>) src(%dma_wait3A_48 : memref<128x128xf32, #tpu.memory_space<vmem>>) dst(%dma_wait3A_54 : memref<10016x128xf32, #tpu.memory_space<vmem_shared>>)
    %add3A_55 = arith.constant 40 : i32
    %add3A_56 = arith.addi %add3A, %add3A_55 : i32
    "tpu.region"() ({
      %run_scoped3A = tpu.sem_alloc : memref<!tpu.dma_semaphore, #tpu.memory_space<semaphore_mem>>
      %dma_start3A_113 = arith.constant 0 : i32
      %dma_start3A_114 = tpu.memref_slice %arg2[%add3A_56, %dma_start3A_113] : memref<2560x128xi32, #tpu.memory_space<hbm>> -> memref<40x128xi32, #tpu.memory_space<hbm>>
      %dma_start3A_115 = arith.constant 0 : i32
      %dma_start3A_116 = tpu.memref_slice %arg2[%add3A_56, %dma_start3A_115] : memref<2560x128xi32, #tpu.memory_space<hbm>> -> memref<40x128xi32, #tpu.memory_space<hbm>>
      tpu.enqueue_dma source(%dma_start3A_116 : memref<40x128xi32, #tpu.memory_space<hbm>>) target(%arg6 : memref<40x128xi32, #tpu.memory_space<vmem>>) target_semaphore(%run_scoped3A : memref<!tpu.dma_semaphore, #tpu.memory_space<semaphore_mem>>)
      %dma_wait3A_117 = arith.constant 0 : i32
      %dma_wait3A_118 = tpu.memref_slice %arg2[%add3A_56, %dma_wait3A_117] : memref<2560x128xi32, #tpu.memory_space<hbm>> -> memref<40x128xi32, #tpu.memory_space<hbm>>
      %dma_wait3A_119 = arith.constant 0 : i32
      %dma_wait3A_120 = tpu.memref_slice %arg2[%add3A_56, %dma_wait3A_119] : memref<2560x128xi32, #tpu.memory_space<hbm>> -> memref<40x128xi32, #tpu.memory_space<hbm>>
      tpu.wait_dma2 semaphore(%run_scoped3A : memref<!tpu.dma_semaphore, #tpu.memory_space<semaphore_mem>>) src(%dma_wait3A_120 : memref<40x128xi32, #tpu.memory_space<hbm>>) dst(%arg6 : memref<40x128xi32, #tpu.memory_space<vmem>>)
      tpu.yield
    }) : () -> ()
    %add3A_57 = arith.constant 40 : i32
    %add3A_58 = arith.addi %add3A, %add3A_57 : i32
    "tpu.region"() ({
      %run_scoped3A = tpu.sem_alloc : memref<!tpu.dma_semaphore, #tpu.memory_space<semaphore_mem>>
      %dma_start3A_113 = arith.constant 0 : i32
      %dma_start3A_114 = tpu.memref_slice %arg3[%add3A_58, %dma_start3A_113] : memref<2560x128xi32, #tpu.memory_space<hbm>> -> memref<40x128xi32, #tpu.memory_space<hbm>>
      %dma_start3A_115 = arith.constant 0 : i32
      %dma_start3A_116 = tpu.memref_slice %arg3[%add3A_58, %dma_start3A_115] : memref<2560x128xi32, #tpu.memory_space<hbm>> -> memref<40x128xi32, #tpu.memory_space<hbm>>
      tpu.enqueue_dma source(%dma_start3A_116 : memref<40x128xi32, #tpu.memory_space<hbm>>) target(%arg7 : memref<40x128xi32, #tpu.memory_space<vmem>>) target_semaphore(%run_scoped3A : memref<!tpu.dma_semaphore, #tpu.memory_space<semaphore_mem>>)
      %dma_wait3A_117 = arith.constant 0 : i32
      %dma_wait3A_118 = tpu.memref_slice %arg3[%add3A_58, %dma_wait3A_117] : memref<2560x128xi32, #tpu.memory_space<hbm>> -> memref<40x128xi32, #tpu.memory_space<hbm>>
      %dma_wait3A_119 = arith.constant 0 : i32
      %dma_wait3A_120 = tpu.memref_slice %arg3[%add3A_58, %dma_wait3A_119] : memref<2560x128xi32, #tpu.memory_space<hbm>> -> memref<40x128xi32, #tpu.memory_space<hbm>>
      tpu.wait_dma2 semaphore(%run_scoped3A : memref<!tpu.dma_semaphore, #tpu.memory_space<semaphore_mem>>) src(%dma_wait3A_120 : memref<40x128xi32, #tpu.memory_space<hbm>>) dst(%arg7 : memref<40x128xi32, #tpu.memory_space<vmem>>)
      tpu.yield
    }) : () -> ()
    %dma_start3A_59 = arith.constant 0 : i32
    %dma_start3A_60 = arith.constant 0 : i32
    %dma_start3A_61 = arith.constant 0 : i32
    %dma_start3A_62 = arith.constant 0 : i32
    %dma_start3A_63 = tpu.memref_slice %arg8[%dma_start3A_60, %dma_start3A_61, %dma_start3A_62] : memref<2x128x128xf32, #tpu.memory_space<vmem>> -> memref<1x128x128xf32, #tpu.memory_space<vmem>>
    %dma_start3A_64 = tpu.memref_squeeze %dma_start3A_63 : memref<1x128x128xf32, #tpu.memory_space<vmem>> -> memref<128x128xf32, #tpu.memory_space<vmem>>
    %dma_start3A_65 = arith.constant 0 : i32
    %dma_start3A_66 = tpu.memref_slice %arg6[%dma_start3A_59, %dma_start3A_65] : memref<40x128xi32, #tpu.memory_space<vmem>> -> memref<1x128xi32, #tpu.memory_space<vmem>>
    %dma_start3A_67 = tpu.memref_squeeze %dma_start3A_66 : memref<1x128xi32, #tpu.memory_space<vmem>> -> memref<128xi32, #tpu.memory_space<vmem>>
    %dma_start3A_68 = arith.constant 0 : i32
    %dma_start3A_69 = arith.constant 0 : i32
    %dma_start3A_70 = tpu.memref_slice %arg4[%dma_start3A_68, %dma_start3A_69] : memref<10000x128xf32, #tpu.memory_space<hbm>> -> memref<10000x128xf32, #tpu.memory_space<hbm>>
    tpu.enqueue_indirect_dma source(%dma_start3A_70 : memref<10000x128xf32, #tpu.memory_space<hbm>>) target(%dma_start3A_64 : memref<128x128xf32, #tpu.memory_space<vmem>>) offsets(%dma_start3A_67 : memref<128xi32, #tpu.memory_space<vmem>>) semaphore(%arg10 : memref<!tpu.dma_semaphore, #tpu.memory_space<semaphore_mem>>)
    %scan3A_71 = arith.constant 0 : i32
    %scan3A_72 = arith.constant 0 : i32
    %scan3A_73 = arith.constant 20 : i32
    %scan3A_74 = arith.addi %scan3A_72, %scan3A_73 : i32
    %scan3A_75 = arith.constant 1 : i32
    %scan3A_76 = scf.for %scan3A_113 = %scan3A_72 to %scan3A_74 step %scan3A_75 iter_args(%scan3A_114 = %scan3A_71) -> (i32)  : i32 {
      %mul3A_115 = arith.constant 2 : i32
      %mul3A_116 = arith.muli %mul3A_115, %scan3A_113 : i32
      %mul3A_117 = arith.constant 2 : i32
      %mul3A_118 = arith.muli %mul3A_117, %scan3A_113 : i32
      %add3A_119 = arith.constant 1 : i32
      %add3A_120 = arith.addi %mul3A_118, %add3A_119 : i32
      %dma_wait3A_121 = arith.constant 0 : i32
      %dma_wait3A_122 = arith.constant 0 : i32
      %dma_wait3A_123 = arith.constant 0 : i32
      %dma_wait3A_124 = tpu.memref_slice %arg8[%dma_wait3A_121, %dma_wait3A_122, %dma_wait3A_123] : memref<2x128x128xf32, #tpu.memory_space<vmem>> -> memref<1x128x128xf32, #tpu.memory_space<vmem>>
      %dma_wait3A_125 = tpu.memref_squeeze %dma_wait3A_124 : memref<1x128x128xf32, #tpu.memory_space<vmem>> -> memref<128x128xf32, #tpu.memory_space<vmem>>
      %dma_wait3A_126 = arith.constant 0 : i32
      %dma_wait3A_127 = tpu.memref_slice %arg6[%mul3A_116, %dma_wait3A_126] : memref<40x128xi32, #tpu.memory_space<vmem>> -> memref<1x128xi32, #tpu.memory_space<vmem>>
      %dma_wait3A_128 = tpu.memref_squeeze %dma_wait3A_127 : memref<1x128xi32, #tpu.memory_space<vmem>> -> memref<128xi32, #tpu.memory_space<vmem>>
      %dma_wait3A_129 = arith.constant 0 : i32
      %dma_wait3A_130 = arith.constant 0 : i32
      %dma_wait3A_131 = tpu.memref_slice %arg4[%dma_wait3A_129, %dma_wait3A_130] : memref<10000x128xf32, #tpu.memory_space<hbm>> -> memref<10000x128xf32, #tpu.memory_space<hbm>>
      tpu.wait_indirect_dma semaphore(%arg10 : memref<!tpu.dma_semaphore, #tpu.memory_space<semaphore_mem>>) src(%dma_wait3A_131 : memref<10000x128xf32, #tpu.memory_space<hbm>>) dst(%dma_wait3A_125 : memref<128x128xf32, #tpu.memory_space<vmem>>)
      %gt3A = arith.constant 0 : i32
      %gt3A_132 = arith.cmpi sgt, %scan3A_113, %gt3A : i32
      %convert_element_type3A_133 = arith.extui %gt3A_132 : i1 to i32
      %cond3A_134 = arith.constant 0 : i32
      %cond3A_135 = arith.cmpi ne, %convert_element_type3A_133, %cond3A_134 : i32
      scf.if %cond3A_135 {
        %sub3A = arith.constant 2 : i32
        %sub3A_191 = arith.subi %add3A_120, %sub3A : i32
        %dma_wait3A_192 = arith.constant 1 : i32
        %dma_wait3A_193 = arith.constant 0 : i32
        %dma_wait3A_194 = arith.constant 0 : i32
        %dma_wait3A_195 = tpu.memref_slice %arg8[%dma_wait3A_192, %dma_wait3A_193, %dma_wait3A_194] : memref<2x128x128xf32, #tpu.memory_space<vmem>> -> memref<1x128x128xf32, #tpu.memory_space<vmem>>
        %dma_wait3A_196 = tpu.memref_squeeze %dma_wait3A_195 : memref<1x128x128xf32, #tpu.memory_space<vmem>> -> memref<128x128xf32, #tpu.memory_space<vmem>>
        %dma_wait3A_197 = arith.constant 0 : i32
        %dma_wait3A_198 = tpu.memref_slice %arg7[%sub3A_191, %dma_wait3A_197] : memref<40x128xi32, #tpu.memory_space<vmem>> -> memref<1x128xi32, #tpu.memory_space<vmem>>
        %dma_wait3A_199 = tpu.memref_squeeze %dma_wait3A_198 : memref<1x128xi32, #tpu.memory_space<vmem>> -> memref<128xi32, #tpu.memory_space<vmem>>
        %dma_wait3A_200 = arith.constant 0 : i32
        %dma_wait3A_201 = arith.constant 0 : i32
        %dma_wait3A_202 = tpu.memref_slice %arg9[%dma_wait3A_200, %dma_wait3A_201] : memref<10016x128xf32, #tpu.memory_space<vmem_shared>> -> memref<10016x128xf32, #tpu.memory_space<vmem_shared>>
        tpu.wait_indirect_dma semaphore(%arg13 : memref<!tpu.dma_semaphore, #tpu.memory_space<semaphore_mem>>) src(%dma_wait3A_196 : memref<128x128xf32, #tpu.memory_space<vmem>>) dst(%dma_wait3A_202 : memref<10016x128xf32, #tpu.memory_space<vmem_shared>>)
      } else {
      }
      %dma_start3A_136 = arith.constant 1 : i32
      %dma_start3A_137 = arith.constant 0 : i32
      %dma_start3A_138 = arith.constant 0 : i32
      %dma_start3A_139 = tpu.memref_slice %arg8[%dma_start3A_136, %dma_start3A_137, %dma_start3A_138] : memref<2x128x128xf32, #tpu.memory_space<vmem>> -> memref<1x128x128xf32, #tpu.memory_space<vmem>>
      %dma_start3A_140 = tpu.memref_squeeze %dma_start3A_139 : memref<1x128x128xf32, #tpu.memory_space<vmem>> -> memref<128x128xf32, #tpu.memory_space<vmem>>
      %dma_start3A_141 = arith.constant 0 : i32
      %dma_start3A_142 = tpu.memref_slice %arg6[%add3A_120, %dma_start3A_141] : memref<40x128xi32, #tpu.memory_space<vmem>> -> memref<1x128xi32, #tpu.memory_space<vmem>>
      %dma_start3A_143 = tpu.memref_squeeze %dma_start3A_142 : memref<1x128xi32, #tpu.memory_space<vmem>> -> memref<128xi32, #tpu.memory_space<vmem>>
      %dma_start3A_144 = arith.constant 0 : i32
      %dma_start3A_145 = arith.constant 0 : i32
      %dma_start3A_146 = tpu.memref_slice %arg4[%dma_start3A_144, %dma_start3A_145] : memref<10000x128xf32, #tpu.memory_space<hbm>> -> memref<10000x128xf32, #tpu.memory_space<hbm>>
      tpu.enqueue_indirect_dma source(%dma_start3A_146 : memref<10000x128xf32, #tpu.memory_space<hbm>>) target(%dma_start3A_140 : memref<128x128xf32, #tpu.memory_space<vmem>>) offsets(%dma_start3A_143 : memref<128xi32, #tpu.memory_space<vmem>>) semaphore(%arg11 : memref<!tpu.dma_semaphore, #tpu.memory_space<semaphore_mem>>)
      %dma_start3A_147 = arith.constant 0 : i32
      %dma_start3A_148 = arith.constant 0 : i32
      %dma_start3A_149 = arith.constant 0 : i32
      %dma_start3A_150 = tpu.memref_slice %arg8[%dma_start3A_147, %dma_start3A_148, %dma_start3A_149] : memref<2x128x128xf32, #tpu.memory_space<vmem>> -> memref<1x128x128xf32, #tpu.memory_space<vmem>>
      %dma_start3A_151 = tpu.memref_squeeze %dma_start3A_150 : memref<1x128x128xf32, #tpu.memory_space<vmem>> -> memref<128x128xf32, #tpu.memory_space<vmem>>
      %dma_start3A_152 = arith.constant 0 : i32
      %dma_start3A_153 = tpu.memref_slice %arg7[%mul3A_116, %dma_start3A_152] : memref<40x128xi32, #tpu.memory_space<vmem>> -> memref<1x128xi32, #tpu.memory_space<vmem>>
      %dma_start3A_154 = tpu.memref_squeeze %dma_start3A_153 : memref<1x128xi32, #tpu.memory_space<vmem>> -> memref<128xi32, #tpu.memory_space<vmem>>
      %dma_start3A_155 = arith.constant 0 : i32
      %dma_start3A_156 = arith.constant 0 : i32
      %dma_start3A_157 = tpu.memref_slice %arg9[%dma_start3A_155, %dma_start3A_156] : memref<10016x128xf32, #tpu.memory_space<vmem_shared>> -> memref<10016x128xf32, #tpu.memory_space<vmem_shared>>
      tpu.enqueue_indirect_dma source(%dma_start3A_151 : memref<128x128xf32, #tpu.memory_space<vmem>>) target(%dma_start3A_157 : memref<10016x128xf32, #tpu.memory_space<vmem_shared>>) offsets(%dma_start3A_154 : memref<128xi32, #tpu.memory_space<vmem>>) semaphore(%arg12 : memref<!tpu.dma_semaphore, #tpu.memory_space<semaphore_mem>>) {add = true}
      %dma_wait3A_158 = arith.constant 1 : i32
      %dma_wait3A_159 = arith.constant 0 : i32
      %dma_wait3A_160 = arith.constant 0 : i32
      %dma_wait3A_161 = tpu.memref_slice %arg8[%dma_wait3A_158, %dma_wait3A_159, %dma_wait3A_160] : memref<2x128x128xf32, #tpu.memory_space<vmem>> -> memref<1x128x128xf32, #tpu.memory_space<vmem>>
      %dma_wait3A_162 = tpu.memref_squeeze %dma_wait3A_161 : memref<1x128x128xf32, #tpu.memory_space<vmem>> -> memref<128x128xf32, #tpu.memory_space<vmem>>
      %dma_wait3A_163 = arith.constant 0 : i32
      %dma_wait3A_164 = tpu.memref_slice %arg6[%add3A_120, %dma_wait3A_163] : memref<40x128xi32, #tpu.memory_space<vmem>> -> memref<1x128xi32, #tpu.memory_space<vmem>>
      %dma_wait3A_165 = tpu.memref_squeeze %dma_wait3A_164 : memref<1x128xi32, #tpu.memory_space<vmem>> -> memref<128xi32, #tpu.memory_space<vmem>>
      %dma_wait3A_166 = arith.constant 0 : i32
      %dma_wait3A_167 = arith.constant 0 : i32
      %dma_wait3A_168 = tpu.memref_slice %arg4[%dma_wait3A_166, %dma_wait3A_167] : memref<10000x128xf32, #tpu.memory_space<hbm>> -> memref<10000x128xf32, #tpu.memory_space<hbm>>
      tpu.wait_indirect_dma semaphore(%arg11 : memref<!tpu.dma_semaphore, #tpu.memory_space<semaphore_mem>>) src(%dma_wait3A_168 : memref<10000x128xf32, #tpu.memory_space<hbm>>) dst(%dma_wait3A_162 : memref<128x128xf32, #tpu.memory_space<vmem>>)
      %lt3A_169 = arith.constant 19 : i32
      %lt3A_170 = arith.cmpi slt, %scan3A_113, %lt3A_169 : i32
      %convert_element_type3A_171 = arith.extui %lt3A_170 : i1 to i32
      %cond3A_172 = arith.constant 0 : i32
      %cond3A_173 = arith.cmpi ne, %convert_element_type3A_171, %cond3A_172 : i32
      scf.if %cond3A_173 {
        %dma_wait3A_191 = arith.constant 0 : i32
        %dma_wait3A_192 = arith.constant 0 : i32
        %dma_wait3A_193 = arith.constant 0 : i32
        %dma_wait3A_194 = tpu.memref_slice %arg8[%dma_wait3A_191, %dma_wait3A_192, %dma_wait3A_193] : memref<2x128x128xf32, #tpu.memory_space<vmem>> -> memref<1x128x128xf32, #tpu.memory_space<vmem>>
        %dma_wait3A_195 = tpu.memref_squeeze %dma_wait3A_194 : memref<1x128x128xf32, #tpu.memory_space<vmem>> -> memref<128x128xf32, #tpu.memory_space<vmem>>
        %dma_wait3A_196 = arith.constant 0 : i32
        %dma_wait3A_197 = tpu.memref_slice %arg7[%mul3A_116, %dma_wait3A_196] : memref<40x128xi32, #tpu.memory_space<vmem>> -> memref<1x128xi32, #tpu.memory_space<vmem>>
        %dma_wait3A_198 = tpu.memref_squeeze %dma_wait3A_197 : memref<1x128xi32, #tpu.memory_space<vmem>> -> memref<128xi32, #tpu.memory_space<vmem>>
        %dma_wait3A_199 = arith.constant 0 : i32
        %dma_wait3A_200 = arith.constant 0 : i32
        %dma_wait3A_201 = tpu.memref_slice %arg9[%dma_wait3A_199, %dma_wait3A_200] : memref<10016x128xf32, #tpu.memory_space<vmem_shared>> -> memref<10016x128xf32, #tpu.memory_space<vmem_shared>>
        tpu.wait_indirect_dma semaphore(%arg12 : memref<!tpu.dma_semaphore, #tpu.memory_space<semaphore_mem>>) src(%dma_wait3A_195 : memref<128x128xf32, #tpu.memory_space<vmem>>) dst(%dma_wait3A_201 : memref<10016x128xf32, #tpu.memory_space<vmem_shared>>)
      } else {
      }
      %lt3A_174 = arith.constant 19 : i32
      %lt3A_175 = arith.cmpi slt, %scan3A_113, %lt3A_174 : i32
      %convert_element_type3A_176 = arith.extui %lt3A_175 : i1 to i32
      %cond3A_177 = arith.constant 0 : i32
      %cond3A_178 = arith.cmpi ne, %convert_element_type3A_176, %cond3A_177 : i32
      scf.if %cond3A_178 {
        %add3A_191 = arith.constant 2 : i32
        %add3A_192 = arith.addi %mul3A_116, %add3A_191 : i32
        %dma_start3A_193 = arith.constant 0 : i32
        %dma_start3A_194 = arith.constant 0 : i32
        %dma_start3A_195 = arith.constant 0 : i32
        %dma_start3A_196 = tpu.memref_slice %arg8[%dma_start3A_193, %dma_start3A_194, %dma_start3A_195] : memref<2x128x128xf32, #tpu.memory_space<vmem>> -> memref<1x128x128xf32, #tpu.memory_space<vmem>>
        %dma_start3A_197 = tpu.memref_squeeze %dma_start3A_196 : memref<1x128x128xf32, #tpu.memory_space<vmem>> -> memref<128x128xf32, #tpu.memory_space<vmem>>
        %dma_start3A_198 = arith.constant 0 : i32
        %dma_start3A_199 = tpu.memref_slice %arg6[%add3A_192, %dma_start3A_198] : memref<40x128xi32, #tpu.memory_space<vmem>> -> memref<1x128xi32, #tpu.memory_space<vmem>>
        %dma_start3A_200 = tpu.memref_squeeze %dma_start3A_199 : memref<1x128xi32, #tpu.memory_space<vmem>> -> memref<128xi32, #tpu.memory_space<vmem>>
        %dma_start3A_201 = arith.constant 0 : i32
        %dma_start3A_202 = arith.constant 0 : i32
        %dma_start3A_203 = tpu.memref_slice %arg4[%dma_start3A_201, %dma_start3A_202] : memref<10000x128xf32, #tpu.memory_space<hbm>> -> memref<10000x128xf32, #tpu.memory_space<hbm>>
        tpu.enqueue_indirect_dma source(%dma_start3A_203 : memref<10000x128xf32, #tpu.memory_space<hbm>>) target(%dma_start3A_197 : memref<128x128xf32, #tpu.memory_space<vmem>>) offsets(%dma_start3A_200 : memref<128xi32, #tpu.memory_space<vmem>>) semaphore(%arg10 : memref<!tpu.dma_semaphore, #tpu.memory_space<semaphore_mem>>)
      } else {
      }
      %dma_start3A_179 = arith.constant 1 : i32
      %dma_start3A_180 = arith.constant 0 : i32
      %dma_start3A_181 = arith.constant 0 : i32
      %dma_start3A_182 = tpu.memref_slice %arg8[%dma_start3A_179, %dma_start3A_180, %dma_start3A_181] : memref<2x128x128xf32, #tpu.memory_space<vmem>> -> memref<1x128x128xf32, #tpu.memory_space<vmem>>
      %dma_start3A_183 = tpu.memref_squeeze %dma_start3A_182 : memref<1x128x128xf32, #tpu.memory_space<vmem>> -> memref<128x128xf32, #tpu.memory_space<vmem>>
      %dma_start3A_184 = arith.constant 0 : i32
      %dma_start3A_185 = tpu.memref_slice %arg7[%add3A_120, %dma_start3A_184] : memref<40x128xi32, #tpu.memory_space<vmem>> -> memref<1x128xi32, #tpu.memory_space<vmem>>
      %dma_start3A_186 = tpu.memref_squeeze %dma_start3A_185 : memref<1x128xi32, #tpu.memory_space<vmem>> -> memref<128xi32, #tpu.memory_space<vmem>>
      %dma_start3A_187 = arith.constant 0 : i32
      %dma_start3A_188 = arith.constant 0 : i32
      %dma_start3A_189 = tpu.memref_slice %arg9[%dma_start3A_187, %dma_start3A_188] : memref<10016x128xf32, #tpu.memory_space<vmem_shared>> -> memref<10016x128xf32, #tpu.memory_space<vmem_shared>>
      tpu.enqueue_indirect_dma source(%dma_start3A_183 : memref<128x128xf32, #tpu.memory_space<vmem>>) target(%dma_start3A_189 : memref<10016x128xf32, #tpu.memory_space<vmem_shared>>) offsets(%dma_start3A_186 : memref<128xi32, #tpu.memory_space<vmem>>) semaphore(%arg13 : memref<!tpu.dma_semaphore, #tpu.memory_space<semaphore_mem>>) {add = true}
      %scan3A_190 = arith.constant 0 : i32
      scf.yield %scan3A_190 : i32
    }
    %scan3A_77 = arith.constant 20 : i32
    %dma_wait3A_78 = arith.constant 0 : i32
    %dma_wait3A_79 = arith.constant 38 : i32
    %dma_wait3A_80 = arith.constant 0 : i32
    %dma_wait3A_81 = arith.constant 0 : i32
    %dma_wait3A_82 = tpu.memref_slice %arg8[%dma_wait3A_78, %dma_wait3A_80, %dma_wait3A_81] : memref<2x128x128xf32, #tpu.memory_space<vmem>> -> memref<1x128x128xf32, #tpu.memory_space<vmem>>
    %dma_wait3A_83 = tpu.memref_squeeze %dma_wait3A_82 : memref<1x128x128xf32, #tpu.memory_space<vmem>> -> memref<128x128xf32, #tpu.memory_space<vmem>>
    %dma_wait3A_84 = arith.constant 0 : i32
    %dma_wait3A_85 = tpu.memref_slice %arg7[%dma_wait3A_79, %dma_wait3A_84] : memref<40x128xi32, #tpu.memory_space<vmem>> -> memref<1x128xi32, #tpu.memory_space<vmem>>
    %dma_wait3A_86 = tpu.memref_squeeze %dma_wait3A_85 : memref<1x128xi32, #tpu.memory_space<vmem>> -> memref<128xi32, #tpu.memory_space<vmem>>
    %dma_wait3A_87 = arith.constant 0 : i32
    %dma_wait3A_88 = arith.constant 0 : i32
    %dma_wait3A_89 = tpu.memref_slice %arg9[%dma_wait3A_87, %dma_wait3A_88] : memref<10016x128xf32, #tpu.memory_space<vmem_shared>> -> memref<10016x128xf32, #tpu.memory_space<vmem_shared>>
    tpu.wait_indirect_dma semaphore(%arg12 : memref<!tpu.dma_semaphore, #tpu.memory_space<semaphore_mem>>) src(%dma_wait3A_83 : memref<128x128xf32, #tpu.memory_space<vmem>>) dst(%dma_wait3A_89 : memref<10016x128xf32, #tpu.memory_space<vmem_shared>>)
    %dma_wait3A_90 = arith.constant 1 : i32
    %dma_wait3A_91 = arith.constant 39 : i32
    %dma_wait3A_92 = arith.constant 0 : i32
    %dma_wait3A_93 = arith.constant 0 : i32
    %dma_wait3A_94 = tpu.memref_slice %arg8[%dma_wait3A_90, %dma_wait3A_92, %dma_wait3A_93] : memref<2x128x128xf32, #tpu.memory_space<vmem>> -> memref<1x128x128xf32, #tpu.memory_space<vmem>>
    %dma_wait3A_95 = tpu.memref_squeeze %dma_wait3A_94 : memref<1x128x128xf32, #tpu.memory_space<vmem>> -> memref<128x128xf32, #tpu.memory_space<vmem>>
    %dma_wait3A_96 = arith.constant 0 : i32
    %dma_wait3A_97 = tpu.memref_slice %arg7[%dma_wait3A_91, %dma_wait3A_96] : memref<40x128xi32, #tpu.memory_space<vmem>> -> memref<1x128xi32, #tpu.memory_space<vmem>>
    %dma_wait3A_98 = tpu.memref_squeeze %dma_wait3A_97 : memref<1x128xi32, #tpu.memory_space<vmem>> -> memref<128xi32, #tpu.memory_space<vmem>>
    %dma_wait3A_99 = arith.constant 0 : i32
    %dma_wait3A_100 = arith.constant 0 : i32
    %dma_wait3A_101 = tpu.memref_slice %arg9[%dma_wait3A_99, %dma_wait3A_100] : memref<10016x128xf32, #tpu.memory_space<vmem_shared>> -> memref<10016x128xf32, #tpu.memory_space<vmem_shared>>
    tpu.wait_indirect_dma semaphore(%arg13 : memref<!tpu.dma_semaphore, #tpu.memory_space<semaphore_mem>>) src(%dma_wait3A_95 : memref<128x128xf32, #tpu.memory_space<vmem>>) dst(%dma_wait3A_101 : memref<10016x128xf32, #tpu.memory_space<vmem_shared>>)
    %barrier3A_102 = arith.constant 0 : index
    tpu.barrier barrier_id(%barrier3A_102)
    %lt3A_103 = arith.constant 15 : i32
    %lt3A_104 = arith.cmpi slt, %arg1, %lt3A_103 : i32
    %convert_element_type3A_105 = arith.extui %lt3A_104 : i1 to i32
    %cond3A_106 = arith.constant 0 : i32
    %cond3A_107 = arith.cmpi ne, %convert_element_type3A_105, %cond3A_106 : i32
    scf.if %cond3A_107 {
      "tpu.region"() ({
        %run_scoped3A = tpu.sem_alloc : memref<!tpu.dma_semaphore, #tpu.memory_space<semaphore_mem>>
        %dma_start3A_113 = arith.constant 0 : i32
        %dma_start3A_114 = tpu.memref_slice %arg5[%arg0, %mul3A_0, %dma_start3A_113] : memref<2x10000x128xf32, #tpu.memory_space<hbm>> -> memref<1x624x128xf32, #tpu.memory_space<hbm>>
        %dma_start3A_115 = tpu.memref_squeeze %dma_start3A_114 : memref<1x624x128xf32, #tpu.memory_space<hbm>> -> memref<624x128xf32, #tpu.memory_space<hbm>>
        %dma_start3A_116 = arith.constant 0 : i32
        %dma_start3A_117 = tpu.memref_slice %arg9[%mul3A_0, %dma_start3A_116] : memref<10016x128xf32, #tpu.memory_space<vmem_shared>> -> memref<624x128xf32, #tpu.memory_space<vmem_shared>>
        tpu.enqueue_dma source(%dma_start3A_117 : memref<624x128xf32, #tpu.memory_space<vmem_shared>>) target(%dma_start3A_115 : memref<624x128xf32, #tpu.memory_space<hbm>>) target_semaphore(%run_scoped3A : memref<!tpu.dma_semaphore, #tpu.memory_space<semaphore_mem>>)
        %dma_wait3A_118 = arith.constant 0 : i32
        %dma_wait3A_119 = tpu.memref_slice %arg5[%arg0, %mul3A_0, %dma_wait3A_118] : memref<2x10000x128xf32, #tpu.memory_space<hbm>> -> memref<1x624x128xf32, #tpu.memory_space<hbm>>
        %dma_wait3A_120 = tpu.memref_squeeze %dma_wait3A_119 : memref<1x624x128xf32, #tpu.memory_space<hbm>> -> memref<624x128xf32, #tpu.memory_space<hbm>>
        %dma_wait3A_121 = arith.constant 0 : i32
        %dma_wait3A_122 = tpu.memref_slice %arg9[%mul3A_0, %dma_wait3A_121] : memref<10016x128xf32, #tpu.memory_space<vmem_shared>> -> memref<624x128xf32, #tpu.memory_space<vmem_shared>>
        tpu.wait_dma2 semaphore(%run_scoped3A : memref<!tpu.dma_semaphore, #tpu.memory_space<semaphore_mem>>) src(%dma_wait3A_122 : memref<624x128xf32, #tpu.memory_space<vmem_shared>>) dst(%dma_wait3A_120 : memref<624x128xf32, #tpu.memory_space<hbm>>)
        tpu.yield
      }) : () -> ()
    } else {
    }
    %eq3A_108 = arith.constant 15 : i32
    %eq3A_109 = arith.cmpi eq, %arg1, %eq3A_108 : i32
    %convert_element_type3A_110 = arith.extui %eq3A_109 : i1 to i32
    %cond3A_111 = arith.constant 0 : i32
    %cond3A_112 = arith.cmpi ne, %convert_element_type3A_110, %cond3A_111 : i32
    scf.if %cond3A_112 {
      "tpu.region"() ({
        %run_scoped3A = tpu.sem_alloc : memref<!tpu.dma_semaphore, #tpu.memory_space<semaphore_mem>>
        %dma_start3A_113 = arith.constant 9360 : i32
        %dma_start3A_114 = arith.constant 0 : i32
        %dma_start3A_115 = tpu.memref_slice %arg5[%arg0, %dma_start3A_113, %dma_start3A_114] : memref<2x10000x128xf32, #tpu.memory_space<hbm>> -> memref<1x640x128xf32, #tpu.memory_space<hbm>>
        %dma_start3A_116 = tpu.memref_squeeze %dma_start3A_115 : memref<1x640x128xf32, #tpu.memory_space<hbm>> -> memref<640x128xf32, #tpu.memory_space<hbm>>
        %dma_start3A_117 = arith.constant 9360 : i32
        %dma_start3A_118 = arith.constant 0 : i32
        %dma_start3A_119 = tpu.memref_slice %arg9[%dma_start3A_117, %dma_start3A_118] : memref<10016x128xf32, #tpu.memory_space<vmem_shared>> -> memref<640x128xf32, #tpu.memory_space<vmem_shared>>
        tpu.enqueue_dma source(%dma_start3A_119 : memref<640x128xf32, #tpu.memory_space<vmem_shared>>) target(%dma_start3A_116 : memref<640x128xf32, #tpu.memory_space<hbm>>) target_semaphore(%run_scoped3A : memref<!tpu.dma_semaphore, #tpu.memory_space<semaphore_mem>>)
        %dma_wait3A_120 = arith.constant 9360 : i32
        %dma_wait3A_121 = arith.constant 0 : i32
        %dma_wait3A_122 = tpu.memref_slice %arg5[%arg0, %dma_wait3A_120, %dma_wait3A_121] : memref<2x10000x128xf32, #tpu.memory_space<hbm>> -> memref<1x640x128xf32, #tpu.memory_space<hbm>>
        %dma_wait3A_123 = tpu.memref_squeeze %dma_wait3A_122 : memref<1x640x128xf32, #tpu.memory_space<hbm>> -> memref<640x128xf32, #tpu.memory_space<hbm>>
        %dma_wait3A_124 = arith.constant 9360 : i32
        %dma_wait3A_125 = arith.constant 0 : i32
        %dma_wait3A_126 = tpu.memref_slice %arg9[%dma_wait3A_124, %dma_wait3A_125] : memref<10016x128xf32, #tpu.memory_space<vmem_shared>> -> memref<640x128xf32, #tpu.memory_space<vmem_shared>>
        tpu.wait_dma2 semaphore(%run_scoped3A : memref<!tpu.dma_semaphore, #tpu.memory_space<semaphore_mem>>) src(%dma_wait3A_126 : memref<640x128xf32, #tpu.memory_space<vmem_shared>>) dst(%dma_wait3A_123 : memref<640x128xf32, #tpu.memory_space<hbm>>)
        tpu.yield
      }) : () -> ()
    } else {
    }
    return
  }
}

#map = affine_map<(d0, d1) -> (0, 0)>
module attributes {stable_mosaic.version = 14 : i64} {
  func.func @_deg_body(%arg0: i32, %arg1: i32, %arg2: memref<2560x128xi32, #tpu.memory_space<hbm>>, %arg3: memref<32x10016xf32, #tpu.memory_space<hbm>>, %arg4: memref<80x128xi32, #tpu.memory_space<vmem>>, %arg5: memref<10016xf32, #tpu.memory_space<vmem>>) attributes {dimension_semantics = [#tpu.dimension_semantics<core_parallel>, #tpu.dimension_semantics<subcore_parallel>], iteration_bounds = array<i64: 2, 16>, scalar_prefetch = 0 : i64, scratch_operands = 2 : i64, tpu.core_type = #tpu.core_type<sc_vector_subcore>, window_params = [{transform_indices = #map}, {transform_indices = #map}]} {
    %mul3A = arith.constant 16 : i32
    %mul3A_0 = arith.muli %arg0, %mul3A : i32
    %add3A = arith.addi %mul3A_0, %arg1 : i32
    %broadcast_in_dim3A = arith.constant 0.000000e+00 : f32
    %broadcast_in_dim3A_1 = vector.broadcast %broadcast_in_dim3A : f32 to vector<16xf32>
    %scan3A = arith.constant 0 : i32
    %scan3A_2 = arith.constant 0 : i32
    %scan3A_3 = arith.constant 626 : i32
    %scan3A_4 = arith.addi %scan3A_2, %scan3A_3 : i32
    %scan3A_5 = arith.constant 1 : i32
    %scan3A_6 = scf.for %scan3A_19 = %scan3A_2 to %scan3A_4 step %scan3A_5 iter_args(%scan3A_20 = %scan3A) -> (i32)  : i32 {
      %mul3A_21 = arith.constant 16 : i32
      %mul3A_22 = arith.muli %mul3A_21, %scan3A_19 : i32
      %swap3A = arith.index_cast %mul3A_22 : i32 to index
      %swap3A_23 = tpu.vector_load %arg5[%swap3A] {strides = array<i32>} : memref<10016xf32, #tpu.memory_space<vmem>>, vector<16xf32>,
      tpu.vector_store %arg5[%swap3A], %broadcast_in_dim3A_1 {strides = array<i32>} : memref<10016xf32, #tpu.memory_space<vmem>>, vector<16xf32>,
      %scan3A_24 = arith.constant 0 : i32
      scf.yield %scan3A_24 : i32
    }
    %scan3A_7 = arith.constant 626 : i32
    %mul3A_8 = arith.constant 80 : i32
    %mul3A_9 = arith.muli %add3A, %mul3A_8 : i32
    "tpu.region"() ({
      %run_scoped3A = tpu.sem_alloc : memref<!tpu.dma_semaphore, #tpu.memory_space<semaphore_mem>>
      %dma_start3A = arith.constant 0 : i32
      %dma_start3A_19 = tpu.memref_slice %arg2[%mul3A_9, %dma_start3A] : memref<2560x128xi32, #tpu.memory_space<hbm>> -> memref<80x128xi32, #tpu.memory_space<hbm>>
      %dma_start3A_20 = arith.constant 0 : i32
      %dma_start3A_21 = tpu.memref_slice %arg2[%mul3A_9, %dma_start3A_20] : memref<2560x128xi32, #tpu.memory_space<hbm>> -> memref<80x128xi32, #tpu.memory_space<hbm>>
      tpu.enqueue_dma source(%dma_start3A_21 : memref<80x128xi32, #tpu.memory_space<hbm>>) target(%arg4 : memref<80x128xi32, #tpu.memory_space<vmem>>) target_semaphore(%run_scoped3A : memref<!tpu.dma_semaphore, #tpu.memory_space<semaphore_mem>>)
      %dma_wait3A = arith.constant 0 : i32
      %dma_wait3A_22 = tpu.memref_slice %arg2[%mul3A_9, %dma_wait3A] : memref<2560x128xi32, #tpu.memory_space<hbm>> -> memref<80x128xi32, #tpu.memory_space<hbm>>
      %dma_wait3A_23 = arith.constant 0 : i32
      %dma_wait3A_24 = tpu.memref_slice %arg2[%mul3A_9, %dma_wait3A_23] : memref<2560x128xi32, #tpu.memory_space<hbm>> -> memref<80x128xi32, #tpu.memory_space<hbm>>
      tpu.wait_dma2 semaphore(%run_scoped3A : memref<!tpu.dma_semaphore, #tpu.memory_space<semaphore_mem>>) src(%dma_wait3A_24 : memref<80x128xi32, #tpu.memory_space<hbm>>) dst(%arg4 : memref<80x128xi32, #tpu.memory_space<vmem>>)
      tpu.yield
    }) : () -> ()
    %broadcast_in_dim3A_10 = arith.constant 1.000000e+00 : f32
    %broadcast_in_dim3A_11 = vector.broadcast %broadcast_in_dim3A_10 : f32 to vector<16xf32>
    %scan3A_12 = arith.constant 0 : i32
    %scan3A_13 = arith.constant 0 : i32
    %scan3A_14 = arith.constant 80 : i32
    %scan3A_15 = arith.addi %scan3A_13, %scan3A_14 : i32
    %scan3A_16 = arith.constant 1 : i32
    %scan3A_17 = scf.for %scan3A_19 = %scan3A_13 to %scan3A_15 step %scan3A_16 iter_args(%scan3A_20 = %scan3A_12) -> (i32)  : i32 {
      %get3A = arith.index_cast %scan3A_19 : i32 to index
      %get3A_21 = arith.constant 0 : index
      %get3A_22 = tpu.vector_load %arg4[%get3A, %get3A_21] {strides = array<i32>} : memref<80x128xi32, #tpu.memory_space<vmem>>, vector<16xi32>,
      tpu.vector_store_idx %arg5[%get3A_22], %broadcast_in_dim3A_11 {add = true} : memref<10016xf32, #tpu.memory_space<vmem>>[vector<16xi32>], vector<16xf32>,
      %get3A_23 = arith.index_cast %scan3A_19 : i32 to index
      %get3A_24 = arith.constant 16 : index
      %get3A_25 = tpu.vector_load %arg4[%get3A_23, %get3A_24] {strides = array<i32>} : memref<80x128xi32, #tpu.memory_space<vmem>>, vector<16xi32>,
      tpu.vector_store_idx %arg5[%get3A_25], %broadcast_in_dim3A_11 {add = true} : memref<10016xf32, #tpu.memory_space<vmem>>[vector<16xi32>], vector<16xf32>,
      %get3A_26 = arith.index_cast %scan3A_19 : i32 to index
      %get3A_27 = arith.constant 32 : index
      %get3A_28 = tpu.vector_load %arg4[%get3A_26, %get3A_27] {strides = array<i32>} : memref<80x128xi32, #tpu.memory_space<vmem>>, vector<16xi32>,
      tpu.vector_store_idx %arg5[%get3A_28], %broadcast_in_dim3A_11 {add = true} : memref<10016xf32, #tpu.memory_space<vmem>>[vector<16xi32>], vector<16xf32>,
      %get3A_29 = arith.index_cast %scan3A_19 : i32 to index
      %get3A_30 = arith.constant 48 : index
      %get3A_31 = tpu.vector_load %arg4[%get3A_29, %get3A_30] {strides = array<i32>} : memref<80x128xi32, #tpu.memory_space<vmem>>, vector<16xi32>,
      tpu.vector_store_idx %arg5[%get3A_31], %broadcast_in_dim3A_11 {add = true} : memref<10016xf32, #tpu.memory_space<vmem>>[vector<16xi32>], vector<16xf32>,
      %get3A_32 = arith.index_cast %scan3A_19 : i32 to index
      %get3A_33 = arith.constant 64 : index
      %get3A_34 = tpu.vector_load %arg4[%get3A_32, %get3A_33] {strides = array<i32>} : memref<80x128xi32, #tpu.memory_space<vmem>>, vector<16xi32>,
      tpu.vector_store_idx %arg5[%get3A_34], %broadcast_in_dim3A_11 {add = true} : memref<10016xf32, #tpu.memory_space<vmem>>[vector<16xi32>], vector<16xf32>,
      %get3A_35 = arith.index_cast %scan3A_19 : i32 to index
      %get3A_36 = arith.constant 80 : index
      %get3A_37 = tpu.vector_load %arg4[%get3A_35, %get3A_36] {strides = array<i32>} : memref<80x128xi32, #tpu.memory_space<vmem>>, vector<16xi32>,
      tpu.vector_store_idx %arg5[%get3A_37], %broadcast_in_dim3A_11 {add = true} : memref<10016xf32, #tpu.memory_space<vmem>>[vector<16xi32>], vector<16xf32>,
      %get3A_38 = arith.index_cast %scan3A_19 : i32 to index
      %get3A_39 = arith.constant 96 : index
      %get3A_40 = tpu.vector_load %arg4[%get3A_38, %get3A_39] {strides = array<i32>} : memref<80x128xi32, #tpu.memory_space<vmem>>, vector<16xi32>,
      tpu.vector_store_idx %arg5[%get3A_40], %broadcast_in_dim3A_11 {add = true} : memref<10016xf32, #tpu.memory_space<vmem>>[vector<16xi32>], vector<16xf32>,
      %get3A_41 = arith.index_cast %scan3A_19 : i32 to index
      %get3A_42 = arith.constant 112 : index
      %get3A_43 = tpu.vector_load %arg4[%get3A_41, %get3A_42] {strides = array<i32>} : memref<80x128xi32, #tpu.memory_space<vmem>>, vector<16xi32>,
      tpu.vector_store_idx %arg5[%get3A_43], %broadcast_in_dim3A_11 {add = true} : memref<10016xf32, #tpu.memory_space<vmem>>[vector<16xi32>], vector<16xf32>,
      %scan3A_44 = arith.constant 0 : i32
      scf.yield %scan3A_44 : i32
    }
    %scan3A_18 = arith.constant 80 : i32
    "tpu.region"() ({
      %run_scoped3A = tpu.sem_alloc : memref<!tpu.dma_semaphore, #tpu.memory_space<semaphore_mem>>
      %dma_start3A = arith.constant 0 : i32
      %dma_start3A_19 = tpu.memref_slice %arg3[%add3A, %dma_start3A] : memref<32x10016xf32, #tpu.memory_space<hbm>> -> memref<1x10016xf32, #tpu.memory_space<hbm>>
      %dma_start3A_20 = tpu.memref_squeeze %dma_start3A_19 : memref<1x10016xf32, #tpu.memory_space<hbm>> -> memref<10016xf32, #tpu.memory_space<hbm>>
      %dma_start3A_21 = arith.constant 0 : i32
      %dma_start3A_22 = tpu.memref_slice %arg3[%add3A, %dma_start3A_21] : memref<32x10016xf32, #tpu.memory_space<hbm>> -> memref<1x10016xf32, #tpu.memory_space<hbm>>
      %dma_start3A_23 = tpu.memref_squeeze %dma_start3A_22 : memref<1x10016xf32, #tpu.memory_space<hbm>> -> memref<10016xf32, #tpu.memory_space<hbm>>
      tpu.enqueue_dma source(%arg5 : memref<10016xf32, #tpu.memory_space<vmem>>) target(%dma_start3A_23 : memref<10016xf32, #tpu.memory_space<hbm>>) target_semaphore(%run_scoped3A : memref<!tpu.dma_semaphore, #tpu.memory_space<semaphore_mem>>)
      %dma_wait3A = arith.constant 0 : i32
      %dma_wait3A_24 = tpu.memref_slice %arg3[%add3A, %dma_wait3A] : memref<32x10016xf32, #tpu.memory_space<hbm>> -> memref<1x10016xf32, #tpu.memory_space<hbm>>
      %dma_wait3A_25 = tpu.memref_squeeze %dma_wait3A_24 : memref<1x10016xf32, #tpu.memory_space<hbm>> -> memref<10016xf32, #tpu.memory_space<hbm>>
      %dma_wait3A_26 = arith.constant 0 : i32
      %dma_wait3A_27 = tpu.memref_slice %arg3[%add3A, %dma_wait3A_26] : memref<32x10016xf32, #tpu.memory_space<hbm>> -> memref<1x10016xf32, #tpu.memory_space<hbm>>
      %dma_wait3A_28 = tpu.memref_squeeze %dma_wait3A_27 : memref<1x10016xf32, #tpu.memory_space<hbm>> -> memref<10016xf32, #tpu.memory_space<hbm>>
      tpu.wait_dma2 semaphore(%run_scoped3A : memref<!tpu.dma_semaphore, #tpu.memory_space<semaphore_mem>>) src(%arg5 : memref<10016xf32, #tpu.memory_space<vmem>>) dst(%dma_wait3A_28 : memref<10016xf32, #tpu.memory_space<hbm>>)
      tpu.yield
    }) : () -> ()
    return
  }
}

#map = affine_map<(d0, d1) -> (0, 0)>
#map1 = affine_map<(d0, d1) -> (0, 0, 0)>
module attributes {stable_mosaic.version = 14 : i64} {
  func.func @_agg_body(%arg0: i32, %arg1: i32, %arg2: memref<2560x128xi32, #tpu.memory_space<hbm>>, %arg3: memref<2560x128xi32, #tpu.memory_space<hbm>>, %arg4: memref<10000x128xf32, #tpu.memory_space<hbm>>, %arg5: memref<2x10000x128xf32, #tpu.memory_space<hbm>>, %arg6: memref<40x128xi32, #tpu.memory_space<vmem>>, %arg7: memref<40x128xi32, #tpu.memory_space<vmem>>, %arg8: memref<2x128x128xf32, #tpu.memory_space<vmem>>, %arg9: memref<10016x128xf32, #tpu.memory_space<vmem_shared>>, %arg10: memref<!tpu.dma_semaphore, #tpu.memory_space<semaphore_mem>>, %arg11: memref<!tpu.dma_semaphore, #tpu.memory_space<semaphore_mem>>, %arg12: memref<!tpu.dma_semaphore, #tpu.memory_space<semaphore_mem>>, %arg13: memref<!tpu.dma_semaphore, #tpu.memory_space<semaphore_mem>>) attributes {dimension_semantics = [#tpu.dimension_semantics<core_parallel>, #tpu.dimension_semantics<subcore_parallel>], iteration_bounds = array<i64: 2, 16>, scalar_prefetch = 0 : i64, scratch_operands = 8 : i64, tpu.core_type = #tpu.core_type<sc_vector_subcore>, window_params = [{transform_indices = #map}, {transform_indices = #map}, {transform_indices = #map}, {transform_indices = #map1}]} {
    %mul3A = arith.constant 624 : i32
    %mul3A_0 = arith.muli %arg1, %mul3A : i32
    %lt3A = arith.constant 15 : i32
    %lt3A_1 = arith.cmpi slt, %arg1, %lt3A : i32
    %convert_element_type3A = arith.extui %lt3A_1 : i1 to i32
    %cond3A = arith.constant 0 : i32
    %cond3A_2 = arith.cmpi ne, %convert_element_type3A, %cond3A : i32
    scf.if %cond3A_2 {
      "tpu.region"() ({
        %run_scoped3A = tpu.sem_alloc : memref<!tpu.dma_semaphore, #tpu.memory_space<semaphore_mem>>
        %dma_start3A_113 = arith.constant 0 : i32
        %dma_start3A_114 = tpu.memref_slice %arg9[%mul3A_0, %dma_start3A_113] : memref<10016x128xf32, #tpu.memory_space<vmem_shared>> -> memref<624x128xf32, #tpu.memory_space<vmem_shared>>
        %dma_start3A_115 = arith.constant 0 : i32
        %dma_start3A_116 = tpu.memref_slice %arg4[%mul3A_0, %dma_start3A_115] : memref<10000x128xf32, #tpu.memory_space<hbm>> -> memref<624x128xf32, #tpu.memory_space<hbm>>
        tpu.enqueue_dma source(%dma_start3A_116 : memref<624x128xf32, #tpu.memory_space<hbm>>) target(%dma_start3A_114 : memref<624x128xf32, #tpu.memory_space<vmem_shared>>) target_semaphore(%run_scoped3A : memref<!tpu.dma_semaphore, #tpu.memory_space<semaphore_mem>>)
        %dma_wait3A_117 = arith.constant 0 : i32
        %dma_wait3A_118 = tpu.memref_slice %arg9[%mul3A_0, %dma_wait3A_117] : memref<10016x128xf32, #tpu.memory_space<vmem_shared>> -> memref<624x128xf32, #tpu.memory_space<vmem_shared>>
        %dma_wait3A_119 = arith.constant 0 : i32
        %dma_wait3A_120 = tpu.memref_slice %arg4[%mul3A_0, %dma_wait3A_119] : memref<10000x128xf32, #tpu.memory_space<hbm>> -> memref<624x128xf32, #tpu.memory_space<hbm>>
        tpu.wait_dma2 semaphore(%run_scoped3A : memref<!tpu.dma_semaphore, #tpu.memory_space<semaphore_mem>>) src(%dma_wait3A_120 : memref<624x128xf32, #tpu.memory_space<hbm>>) dst(%dma_wait3A_118 : memref<624x128xf32, #tpu.memory_space<vmem_shared>>)
        tpu.yield
      }) : () -> ()
    } else {
    }
    %eq3A = arith.constant 15 : i32
    %eq3A_3 = arith.cmpi eq, %arg1, %eq3A : i32
    %convert_element_type3A_4 = arith.extui %eq3A_3 : i1 to i32
    %cond3A_5 = arith.constant 0 : i32
    %cond3A_6 = arith.cmpi ne, %convert_element_type3A_4, %cond3A_5 : i32
    scf.if %cond3A_6 {
      "tpu.region"() ({
        %run_scoped3A = tpu.sem_alloc : memref<!tpu.dma_semaphore, #tpu.memory_space<semaphore_mem>>
        %dma_start3A_113 = arith.constant 9360 : i32
        %dma_start3A_114 = arith.constant 0 : i32
        %dma_start3A_115 = tpu.memref_slice %arg9[%dma_start3A_113, %dma_start3A_114] : memref<10016x128xf32, #tpu.memory_space<vmem_shared>> -> memref<640x128xf32, #tpu.memory_space<vmem_shared>>
        %dma_start3A_116 = arith.constant 9360 : i32
        %dma_start3A_117 = arith.constant 0 : i32
        %dma_start3A_118 = tpu.memref_slice %arg4[%dma_start3A_116, %dma_start3A_117] : memref<10000x128xf32, #tpu.memory_space<hbm>> -> memref<640x128xf32, #tpu.memory_space<hbm>>
        tpu.enqueue_dma source(%dma_start3A_118 : memref<640x128xf32, #tpu.memory_space<hbm>>) target(%dma_start3A_115 : memref<640x128xf32, #tpu.memory_space<vmem_shared>>) target_semaphore(%run_scoped3A : memref<!tpu.dma_semaphore, #tpu.memory_space<semaphore_mem>>)
        %dma_wait3A_119 = arith.constant 9360 : i32
        %dma_wait3A_120 = arith.constant 0 : i32
        %dma_wait3A_121 = tpu.memref_slice %arg9[%dma_wait3A_119, %dma_wait3A_120] : memref<10016x128xf32, #tpu.memory_space<vmem_shared>> -> memref<640x128xf32, #tpu.memory_space<vmem_shared>>
        %dma_wait3A_122 = arith.constant 9360 : i32
        %dma_wait3A_123 = arith.constant 0 : i32
        %dma_wait3A_124 = tpu.memref_slice %arg4[%dma_wait3A_122, %dma_wait3A_123] : memref<10000x128xf32, #tpu.memory_space<hbm>> -> memref<640x128xf32, #tpu.memory_space<hbm>>
        tpu.wait_dma2 semaphore(%run_scoped3A : memref<!tpu.dma_semaphore, #tpu.memory_space<semaphore_mem>>) src(%dma_wait3A_124 : memref<640x128xf32, #tpu.memory_space<hbm>>) dst(%dma_wait3A_121 : memref<640x128xf32, #tpu.memory_space<vmem_shared>>)
        tpu.yield
      }) : () -> ()
    } else {
    }
    %mul3A_7 = arith.constant 1280 : i32
    %mul3A_8 = arith.muli %arg0, %mul3A_7 : i32
    %mul3A_9 = arith.constant 80 : i32
    %mul3A_10 = arith.muli %arg1, %mul3A_9 : i32
    %add3A = arith.addi %mul3A_8, %mul3A_10 : i32
    %barrier3A = arith.constant 0 : index
    tpu.barrier barrier_id(%barrier3A)
    %add3A_11 = arith.constant 0 : i32
    %add3A_12 = arith.addi %add3A, %add3A_11 : i32
    "tpu.region"() ({
      %run_scoped3A = tpu.sem_alloc : memref<!tpu.dma_semaphore, #tpu.memory_space<semaphore_mem>>
      %dma_start3A_113 = arith.constant 0 : i32
      %dma_start3A_114 = tpu.memref_slice %arg2[%add3A_12, %dma_start3A_113] : memref<2560x128xi32, #tpu.memory_space<hbm>> -> memref<40x128xi32, #tpu.memory_space<hbm>>
      %dma_start3A_115 = arith.constant 0 : i32
      %dma_start3A_116 = tpu.memref_slice %arg2[%add3A_12, %dma_start3A_115] : memref<2560x128xi32, #tpu.memory_space<hbm>> -> memref<40x128xi32, #tpu.memory_space<hbm>>
      tpu.enqueue_dma source(%dma_start3A_116 : memref<40x128xi32, #tpu.memory_space<hbm>>) target(%arg6 : memref<40x128xi32, #tpu.memory_space<vmem>>) target_semaphore(%run_scoped3A : memref<!tpu.dma_semaphore, #tpu.memory_space<semaphore_mem>>)
      %dma_wait3A_117 = arith.constant 0 : i32
      %dma_wait3A_118 = tpu.memref_slice %arg2[%add3A_12, %dma_wait3A_117] : memref<2560x128xi32, #tpu.memory_space<hbm>> -> memref<40x128xi32, #tpu.memory_space<hbm>>
      %dma_wait3A_119 = arith.constant 0 : i32
      %dma_wait3A_120 = tpu.memref_slice %arg2[%add3A_12, %dma_wait3A_119] : memref<2560x128xi32, #tpu.memory_space<hbm>> -> memref<40x128xi32, #tpu.memory_space<hbm>>
      tpu.wait_dma2 semaphore(%run_scoped3A : memref<!tpu.dma_semaphore, #tpu.memory_space<semaphore_mem>>) src(%dma_wait3A_120 : memref<40x128xi32, #tpu.memory_space<hbm>>) dst(%arg6 : memref<40x128xi32, #tpu.memory_space<vmem>>)
      tpu.yield
    }) : () -> ()
    %add3A_13 = arith.constant 0 : i32
    %add3A_14 = arith.addi %add3A, %add3A_13 : i32
    "tpu.region"() ({
      %run_scoped3A = tpu.sem_alloc : memref<!tpu.dma_semaphore, #tpu.memory_space<semaphore_mem>>
      %dma_start3A_113 = arith.constant 0 : i32
      %dma_start3A_114 = tpu.memref_slice %arg3[%add3A_14, %dma_start3A_113] : memref<2560x128xi32, #tpu.memory_space<hbm>> -> memref<40x128xi32, #tpu.memory_space<hbm>>
      %dma_start3A_115 = arith.constant 0 : i32
      %dma_start3A_116 = tpu.memref_slice %arg3[%add3A_14, %dma_start3A_115] : memref<2560x128xi32, #tpu.memory_space<hbm>> -> memref<40x128xi32, #tpu.memory_space<hbm>>
      tpu.enqueue_dma source(%dma_start3A_116 : memref<40x128xi32, #tpu.memory_space<hbm>>) target(%arg7 : memref<40x128xi32, #tpu.memory_space<vmem>>) target_semaphore(%run_scoped3A : memref<!tpu.dma_semaphore, #tpu.memory_space<semaphore_mem>>)
      %dma_wait3A_117 = arith.constant 0 : i32
      %dma_wait3A_118 = tpu.memref_slice %arg3[%add3A_14, %dma_wait3A_117] : memref<2560x128xi32, #tpu.memory_space<hbm>> -> memref<40x128xi32, #tpu.memory_space<hbm>>
      %dma_wait3A_119 = arith.constant 0 : i32
      %dma_wait3A_120 = tpu.memref_slice %arg3[%add3A_14, %dma_wait3A_119] : memref<2560x128xi32, #tpu.memory_space<hbm>> -> memref<40x128xi32, #tpu.memory_space<hbm>>
      tpu.wait_dma2 semaphore(%run_scoped3A : memref<!tpu.dma_semaphore, #tpu.memory_space<semaphore_mem>>) src(%dma_wait3A_120 : memref<40x128xi32, #tpu.memory_space<hbm>>) dst(%arg7 : memref<40x128xi32, #tpu.memory_space<vmem>>)
      tpu.yield
    }) : () -> ()
    %dma_start3A = arith.constant 0 : i32
    %dma_start3A_15 = arith.constant 0 : i32
    %dma_start3A_16 = arith.constant 0 : i32
    %dma_start3A_17 = arith.constant 0 : i32
    %dma_start3A_18 = tpu.memref_slice %arg8[%dma_start3A_15, %dma_start3A_16, %dma_start3A_17] : memref<2x128x128xf32, #tpu.memory_space<vmem>> -> memref<1x128x128xf32, #tpu.memory_space<vmem>>
    %dma_start3A_19 = tpu.memref_squeeze %dma_start3A_18 : memref<1x128x128xf32, #tpu.memory_space<vmem>> -> memref<128x128xf32, #tpu.memory_space<vmem>>
    %dma_start3A_20 = arith.constant 0 : i32
    %dma_start3A_21 = tpu.memref_slice %arg6[%dma_start3A, %dma_start3A_20] : memref<40x128xi32, #tpu.memory_space<vmem>> -> memref<1x128xi32, #tpu.memory_space<vmem>>
    %dma_start3A_22 = tpu.memref_squeeze %dma_start3A_21 : memref<1x128xi32, #tpu.memory_space<vmem>> -> memref<128xi32, #tpu.memory_space<vmem>>
    %dma_start3A_23 = arith.constant 0 : i32
    %dma_start3A_24 = arith.constant 0 : i32
    %dma_start3A_25 = tpu.memref_slice %arg4[%dma_start3A_23, %dma_start3A_24] : memref<10000x128xf32, #tpu.memory_space<hbm>> -> memref<10000x128xf32, #tpu.memory_space<hbm>>
    tpu.enqueue_indirect_dma source(%dma_start3A_25 : memref<10000x128xf32, #tpu.memory_space<hbm>>) target(%dma_start3A_19 : memref<128x128xf32, #tpu.memory_space<vmem>>) offsets(%dma_start3A_22 : memref<128xi32, #tpu.memory_space<vmem>>) semaphore(%arg10 : memref<!tpu.dma_semaphore, #tpu.memory_space<semaphore_mem>>)
    %scan3A = arith.constant 0 : i32
    %scan3A_26 = arith.constant 0 : i32
    %scan3A_27 = arith.constant 20 : i32
    %scan3A_28 = arith.addi %scan3A_26, %scan3A_27 : i32
    %scan3A_29 = arith.constant 1 : i32
    %scan3A_30 = scf.for %scan3A_113 = %scan3A_26 to %scan3A_28 step %scan3A_29 iter_args(%scan3A_114 = %scan3A) -> (i32)  : i32 {
      %mul3A_115 = arith.constant 2 : i32
      %mul3A_116 = arith.muli %mul3A_115, %scan3A_113 : i32
      %mul3A_117 = arith.constant 2 : i32
      %mul3A_118 = arith.muli %mul3A_117, %scan3A_113 : i32
      %add3A_119 = arith.constant 1 : i32
      %add3A_120 = arith.addi %mul3A_118, %add3A_119 : i32
      %dma_wait3A_121 = arith.constant 0 : i32
      %dma_wait3A_122 = arith.constant 0 : i32
      %dma_wait3A_123 = arith.constant 0 : i32
      %dma_wait3A_124 = tpu.memref_slice %arg8[%dma_wait3A_121, %dma_wait3A_122, %dma_wait3A_123] : memref<2x128x128xf32, #tpu.memory_space<vmem>> -> memref<1x128x128xf32, #tpu.memory_space<vmem>>
      %dma_wait3A_125 = tpu.memref_squeeze %dma_wait3A_124 : memref<1x128x128xf32, #tpu.memory_space<vmem>> -> memref<128x128xf32, #tpu.memory_space<vmem>>
      %dma_wait3A_126 = arith.constant 0 : i32
      %dma_wait3A_127 = tpu.memref_slice %arg6[%mul3A_116, %dma_wait3A_126] : memref<40x128xi32, #tpu.memory_space<vmem>> -> memref<1x128xi32, #tpu.memory_space<vmem>>
      %dma_wait3A_128 = tpu.memref_squeeze %dma_wait3A_127 : memref<1x128xi32, #tpu.memory_space<vmem>> -> memref<128xi32, #tpu.memory_space<vmem>>
      %dma_wait3A_129 = arith.constant 0 : i32
      %dma_wait3A_130 = arith.constant 0 : i32
      %dma_wait3A_131 = tpu.memref_slice %arg4[%dma_wait3A_129, %dma_wait3A_130] : memref<10000x128xf32, #tpu.memory_space<hbm>> -> memref<10000x128xf32, #tpu.memory_space<hbm>>
      tpu.wait_indirect_dma semaphore(%arg10 : memref<!tpu.dma_semaphore, #tpu.memory_space<semaphore_mem>>) src(%dma_wait3A_131 : memref<10000x128xf32, #tpu.memory_space<hbm>>) dst(%dma_wait3A_125 : memref<128x128xf32, #tpu.memory_space<vmem>>)
      %gt3A = arith.constant 0 : i32
      %gt3A_132 = arith.cmpi sgt, %scan3A_113, %gt3A : i32
      %convert_element_type3A_133 = arith.extui %gt3A_132 : i1 to i32
      %cond3A_134 = arith.constant 0 : i32
      %cond3A_135 = arith.cmpi ne, %convert_element_type3A_133, %cond3A_134 : i32
      scf.if %cond3A_135 {
        %sub3A = arith.constant 2 : i32
        %sub3A_191 = arith.subi %add3A_120, %sub3A : i32
        %dma_wait3A_192 = arith.constant 1 : i32
        %dma_wait3A_193 = arith.constant 0 : i32
        %dma_wait3A_194 = arith.constant 0 : i32
        %dma_wait3A_195 = tpu.memref_slice %arg8[%dma_wait3A_192, %dma_wait3A_193, %dma_wait3A_194] : memref<2x128x128xf32, #tpu.memory_space<vmem>> -> memref<1x128x128xf32, #tpu.memory_space<vmem>>
        %dma_wait3A_196 = tpu.memref_squeeze %dma_wait3A_195 : memref<1x128x128xf32, #tpu.memory_space<vmem>> -> memref<128x128xf32, #tpu.memory_space<vmem>>
        %dma_wait3A_197 = arith.constant 0 : i32
        %dma_wait3A_198 = tpu.memref_slice %arg7[%sub3A_191, %dma_wait3A_197] : memref<40x128xi32, #tpu.memory_space<vmem>> -> memref<1x128xi32, #tpu.memory_space<vmem>>
        %dma_wait3A_199 = tpu.memref_squeeze %dma_wait3A_198 : memref<1x128xi32, #tpu.memory_space<vmem>> -> memref<128xi32, #tpu.memory_space<vmem>>
        %dma_wait3A_200 = arith.constant 0 : i32
        %dma_wait3A_201 = arith.constant 0 : i32
        %dma_wait3A_202 = tpu.memref_slice %arg9[%dma_wait3A_200, %dma_wait3A_201] : memref<10016x128xf32, #tpu.memory_space<vmem_shared>> -> memref<10016x128xf32, #tpu.memory_space<vmem_shared>>
        tpu.wait_indirect_dma semaphore(%arg13 : memref<!tpu.dma_semaphore, #tpu.memory_space<semaphore_mem>>) src(%dma_wait3A_196 : memref<128x128xf32, #tpu.memory_space<vmem>>) dst(%dma_wait3A_202 : memref<10016x128xf32, #tpu.memory_space<vmem_shared>>)
      } else {
      }
      %dma_start3A_136 = arith.constant 1 : i32
      %dma_start3A_137 = arith.constant 0 : i32
      %dma_start3A_138 = arith.constant 0 : i32
      %dma_start3A_139 = tpu.memref_slice %arg8[%dma_start3A_136, %dma_start3A_137, %dma_start3A_138] : memref<2x128x128xf32, #tpu.memory_space<vmem>> -> memref<1x128x128xf32, #tpu.memory_space<vmem>>
      %dma_start3A_140 = tpu.memref_squeeze %dma_start3A_139 : memref<1x128x128xf32, #tpu.memory_space<vmem>> -> memref<128x128xf32, #tpu.memory_space<vmem>>
      %dma_start3A_141 = arith.constant 0 : i32
      %dma_start3A_142 = tpu.memref_slice %arg6[%add3A_120, %dma_start3A_141] : memref<40x128xi32, #tpu.memory_space<vmem>> -> memref<1x128xi32, #tpu.memory_space<vmem>>
      %dma_start3A_143 = tpu.memref_squeeze %dma_start3A_142 : memref<1x128xi32, #tpu.memory_space<vmem>> -> memref<128xi32, #tpu.memory_space<vmem>>
      %dma_start3A_144 = arith.constant 0 : i32
      %dma_start3A_145 = arith.constant 0 : i32
      %dma_start3A_146 = tpu.memref_slice %arg4[%dma_start3A_144, %dma_start3A_145] : memref<10000x128xf32, #tpu.memory_space<hbm>> -> memref<10000x128xf32, #tpu.memory_space<hbm>>
      tpu.enqueue_indirect_dma source(%dma_start3A_146 : memref<10000x128xf32, #tpu.memory_space<hbm>>) target(%dma_start3A_140 : memref<128x128xf32, #tpu.memory_space<vmem>>) offsets(%dma_start3A_143 : memref<128xi32, #tpu.memory_space<vmem>>) semaphore(%arg11 : memref<!tpu.dma_semaphore, #tpu.memory_space<semaphore_mem>>)
      %dma_start3A_147 = arith.constant 0 : i32
      %dma_start3A_148 = arith.constant 0 : i32
      %dma_start3A_149 = arith.constant 0 : i32
      %dma_start3A_150 = tpu.memref_slice %arg8[%dma_start3A_147, %dma_start3A_148, %dma_start3A_149] : memref<2x128x128xf32, #tpu.memory_space<vmem>> -> memref<1x128x128xf32, #tpu.memory_space<vmem>>
      %dma_start3A_151 = tpu.memref_squeeze %dma_start3A_150 : memref<1x128x128xf32, #tpu.memory_space<vmem>> -> memref<128x128xf32, #tpu.memory_space<vmem>>
      %dma_start3A_152 = arith.constant 0 : i32
      %dma_start3A_153 = tpu.memref_slice %arg7[%mul3A_116, %dma_start3A_152] : memref<40x128xi32, #tpu.memory_space<vmem>> -> memref<1x128xi32, #tpu.memory_space<vmem>>
      %dma_start3A_154 = tpu.memref_squeeze %dma_start3A_153 : memref<1x128xi32, #tpu.memory_space<vmem>> -> memref<128xi32, #tpu.memory_space<vmem>>
      %dma_start3A_155 = arith.constant 0 : i32
      %dma_start3A_156 = arith.constant 0 : i32
      %dma_start3A_157 = tpu.memref_slice %arg9[%dma_start3A_155, %dma_start3A_156] : memref<10016x128xf32, #tpu.memory_space<vmem_shared>> -> memref<10016x128xf32, #tpu.memory_space<vmem_shared>>
      tpu.enqueue_indirect_dma source(%dma_start3A_151 : memref<128x128xf32, #tpu.memory_space<vmem>>) target(%dma_start3A_157 : memref<10016x128xf32, #tpu.memory_space<vmem_shared>>) offsets(%dma_start3A_154 : memref<128xi32, #tpu.memory_space<vmem>>) semaphore(%arg12 : memref<!tpu.dma_semaphore, #tpu.memory_space<semaphore_mem>>) {add = true}
      %dma_wait3A_158 = arith.constant 1 : i32
      %dma_wait3A_159 = arith.constant 0 : i32
      %dma_wait3A_160 = arith.constant 0 : i32
      %dma_wait3A_161 = tpu.memref_slice %arg8[%dma_wait3A_158, %dma_wait3A_159, %dma_wait3A_160] : memref<2x128x128xf32, #tpu.memory_space<vmem>> -> memref<1x128x128xf32, #tpu.memory_space<vmem>>
      %dma_wait3A_162 = tpu.memref_squeeze %dma_wait3A_161 : memref<1x128x128xf32, #tpu.memory_space<vmem>> -> memref<128x128xf32, #tpu.memory_space<vmem>>
      %dma_wait3A_163 = arith.constant 0 : i32
      %dma_wait3A_164 = tpu.memref_slice %arg6[%add3A_120, %dma_wait3A_163] : memref<40x128xi32, #tpu.memory_space<vmem>> -> memref<1x128xi32, #tpu.memory_space<vmem>>
      %dma_wait3A_165 = tpu.memref_squeeze %dma_wait3A_164 : memref<1x128xi32, #tpu.memory_space<vmem>> -> memref<128xi32, #tpu.memory_space<vmem>>
      %dma_wait3A_166 = arith.constant 0 : i32
      %dma_wait3A_167 = arith.constant 0 : i32
      %dma_wait3A_168 = tpu.memref_slice %arg4[%dma_wait3A_166, %dma_wait3A_167] : memref<10000x128xf32, #tpu.memory_space<hbm>> -> memref<10000x128xf32, #tpu.memory_space<hbm>>
      tpu.wait_indirect_dma semaphore(%arg11 : memref<!tpu.dma_semaphore, #tpu.memory_space<semaphore_mem>>) src(%dma_wait3A_168 : memref<10000x128xf32, #tpu.memory_space<hbm>>) dst(%dma_wait3A_162 : memref<128x128xf32, #tpu.memory_space<vmem>>)
      %lt3A_169 = arith.constant 19 : i32
      %lt3A_170 = arith.cmpi slt, %scan3A_113, %lt3A_169 : i32
      %convert_element_type3A_171 = arith.extui %lt3A_170 : i1 to i32
      %cond3A_172 = arith.constant 0 : i32
      %cond3A_173 = arith.cmpi ne, %convert_element_type3A_171, %cond3A_172 : i32
      scf.if %cond3A_173 {
        %dma_wait3A_191 = arith.constant 0 : i32
        %dma_wait3A_192 = arith.constant 0 : i32
        %dma_wait3A_193 = arith.constant 0 : i32
        %dma_wait3A_194 = tpu.memref_slice %arg8[%dma_wait3A_191, %dma_wait3A_192, %dma_wait3A_193] : memref<2x128x128xf32, #tpu.memory_space<vmem>> -> memref<1x128x128xf32, #tpu.memory_space<vmem>>
        %dma_wait3A_195 = tpu.memref_squeeze %dma_wait3A_194 : memref<1x128x128xf32, #tpu.memory_space<vmem>> -> memref<128x128xf32, #tpu.memory_space<vmem>>
        %dma_wait3A_196 = arith.constant 0 : i32
        %dma_wait3A_197 = tpu.memref_slice %arg7[%mul3A_116, %dma_wait3A_196] : memref<40x128xi32, #tpu.memory_space<vmem>> -> memref<1x128xi32, #tpu.memory_space<vmem>>
        %dma_wait3A_198 = tpu.memref_squeeze %dma_wait3A_197 : memref<1x128xi32, #tpu.memory_space<vmem>> -> memref<128xi32, #tpu.memory_space<vmem>>
        %dma_wait3A_199 = arith.constant 0 : i32
        %dma_wait3A_200 = arith.constant 0 : i32
        %dma_wait3A_201 = tpu.memref_slice %arg9[%dma_wait3A_199, %dma_wait3A_200] : memref<10016x128xf32, #tpu.memory_space<vmem_shared>> -> memref<10016x128xf32, #tpu.memory_space<vmem_shared>>
        tpu.wait_indirect_dma semaphore(%arg12 : memref<!tpu.dma_semaphore, #tpu.memory_space<semaphore_mem>>) src(%dma_wait3A_195 : memref<128x128xf32, #tpu.memory_space<vmem>>) dst(%dma_wait3A_201 : memref<10016x128xf32, #tpu.memory_space<vmem_shared>>)
      } else {
      }
      %lt3A_174 = arith.constant 19 : i32
      %lt3A_175 = arith.cmpi slt, %scan3A_113, %lt3A_174 : i32
      %convert_element_type3A_176 = arith.extui %lt3A_175 : i1 to i32
      %cond3A_177 = arith.constant 0 : i32
      %cond3A_178 = arith.cmpi ne, %convert_element_type3A_176, %cond3A_177 : i32
      scf.if %cond3A_178 {
        %add3A_191 = arith.constant 2 : i32
        %add3A_192 = arith.addi %mul3A_116, %add3A_191 : i32
        %dma_start3A_193 = arith.constant 0 : i32
        %dma_start3A_194 = arith.constant 0 : i32
        %dma_start3A_195 = arith.constant 0 : i32
        %dma_start3A_196 = tpu.memref_slice %arg8[%dma_start3A_193, %dma_start3A_194, %dma_start3A_195] : memref<2x128x128xf32, #tpu.memory_space<vmem>> -> memref<1x128x128xf32, #tpu.memory_space<vmem>>
        %dma_start3A_197 = tpu.memref_squeeze %dma_start3A_196 : memref<1x128x128xf32, #tpu.memory_space<vmem>> -> memref<128x128xf32, #tpu.memory_space<vmem>>
        %dma_start3A_198 = arith.constant 0 : i32
        %dma_start3A_199 = tpu.memref_slice %arg6[%add3A_192, %dma_start3A_198] : memref<40x128xi32, #tpu.memory_space<vmem>> -> memref<1x128xi32, #tpu.memory_space<vmem>>
        %dma_start3A_200 = tpu.memref_squeeze %dma_start3A_199 : memref<1x128xi32, #tpu.memory_space<vmem>> -> memref<128xi32, #tpu.memory_space<vmem>>
        %dma_start3A_201 = arith.constant 0 : i32
        %dma_start3A_202 = arith.constant 0 : i32
        %dma_start3A_203 = tpu.memref_slice %arg4[%dma_start3A_201, %dma_start3A_202] : memref<10000x128xf32, #tpu.memory_space<hbm>> -> memref<10000x128xf32, #tpu.memory_space<hbm>>
        tpu.enqueue_indirect_dma source(%dma_start3A_203 : memref<10000x128xf32, #tpu.memory_space<hbm>>) target(%dma_start3A_197 : memref<128x128xf32, #tpu.memory_space<vmem>>) offsets(%dma_start3A_200 : memref<128xi32, #tpu.memory_space<vmem>>) semaphore(%arg10 : memref<!tpu.dma_semaphore, #tpu.memory_space<semaphore_mem>>)
      } else {
      }
      %dma_start3A_179 = arith.constant 1 : i32
      %dma_start3A_180 = arith.constant 0 : i32
      %dma_start3A_181 = arith.constant 0 : i32
      %dma_start3A_182 = tpu.memref_slice %arg8[%dma_start3A_179, %dma_start3A_180, %dma_start3A_181] : memref<2x128x128xf32, #tpu.memory_space<vmem>> -> memref<1x128x128xf32, #tpu.memory_space<vmem>>
      %dma_start3A_183 = tpu.memref_squeeze %dma_start3A_182 : memref<1x128x128xf32, #tpu.memory_space<vmem>> -> memref<128x128xf32, #tpu.memory_space<vmem>>
      %dma_start3A_184 = arith.constant 0 : i32
      %dma_start3A_185 = tpu.memref_slice %arg7[%add3A_120, %dma_start3A_184] : memref<40x128xi32, #tpu.memory_space<vmem>> -> memref<1x128xi32, #tpu.memory_space<vmem>>
      %dma_start3A_186 = tpu.memref_squeeze %dma_start3A_185 : memref<1x128xi32, #tpu.memory_space<vmem>> -> memref<128xi32, #tpu.memory_space<vmem>>
      %dma_start3A_187 = arith.constant 0 : i32
      %dma_start3A_188 = arith.constant 0 : i32
      %dma_start3A_189 = tpu.memref_slice %arg9[%dma_start3A_187, %dma_start3A_188] : memref<10016x128xf32, #tpu.memory_space<vmem_shared>> -> memref<10016x128xf32, #tpu.memory_space<vmem_shared>>
      tpu.enqueue_indirect_dma source(%dma_start3A_183 : memref<128x128xf32, #tpu.memory_space<vmem>>) target(%dma_start3A_189 : memref<10016x128xf32, #tpu.memory_space<vmem_shared>>) offsets(%dma_start3A_186 : memref<128xi32, #tpu.memory_space<vmem>>) semaphore(%arg13 : memref<!tpu.dma_semaphore, #tpu.memory_space<semaphore_mem>>) {add = true}
      %scan3A_190 = arith.constant 0 : i32
      scf.yield %scan3A_190 : i32
    }
    %scan3A_31 = arith.constant 20 : i32
    %dma_wait3A = arith.constant 0 : i32
    %dma_wait3A_32 = arith.constant 38 : i32
    %dma_wait3A_33 = arith.constant 0 : i32
    %dma_wait3A_34 = arith.constant 0 : i32
    %dma_wait3A_35 = tpu.memref_slice %arg8[%dma_wait3A, %dma_wait3A_33, %dma_wait3A_34] : memref<2x128x128xf32, #tpu.memory_space<vmem>> -> memref<1x128x128xf32, #tpu.memory_space<vmem>>
    %dma_wait3A_36 = tpu.memref_squeeze %dma_wait3A_35 : memref<1x128x128xf32, #tpu.memory_space<vmem>> -> memref<128x128xf32, #tpu.memory_space<vmem>>
    %dma_wait3A_37 = arith.constant 0 : i32
    %dma_wait3A_38 = tpu.memref_slice %arg7[%dma_wait3A_32, %dma_wait3A_37] : memref<40x128xi32, #tpu.memory_space<vmem>> -> memref<1x128xi32, #tpu.memory_space<vmem>>
    %dma_wait3A_39 = tpu.memref_squeeze %dma_wait3A_38 : memref<1x128xi32, #tpu.memory_space<vmem>> -> memref<128xi32, #tpu.memory_space<vmem>>
    %dma_wait3A_40 = arith.constant 0 : i32
    %dma_wait3A_41 = arith.constant 0 : i32
    %dma_wait3A_42 = tpu.memref_slice %arg9[%dma_wait3A_40, %dma_wait3A_41] : memref<10016x128xf32, #tpu.memory_space<vmem_shared>> -> memref<10016x128xf32, #tpu.memory_space<vmem_shared>>
    tpu.wait_indirect_dma semaphore(%arg12 : memref<!tpu.dma_semaphore, #tpu.memory_space<semaphore_mem>>) src(%dma_wait3A_36 : memref<128x128xf32, #tpu.memory_space<vmem>>) dst(%dma_wait3A_42 : memref<10016x128xf32, #tpu.memory_space<vmem_shared>>)
    %dma_wait3A_43 = arith.constant 1 : i32
    %dma_wait3A_44 = arith.constant 39 : i32
    %dma_wait3A_45 = arith.constant 0 : i32
    %dma_wait3A_46 = arith.constant 0 : i32
    %dma_wait3A_47 = tpu.memref_slice %arg8[%dma_wait3A_43, %dma_wait3A_45, %dma_wait3A_46] : memref<2x128x128xf32, #tpu.memory_space<vmem>> -> memref<1x128x128xf32, #tpu.memory_space<vmem>>
    %dma_wait3A_48 = tpu.memref_squeeze %dma_wait3A_47 : memref<1x128x128xf32, #tpu.memory_space<vmem>> -> memref<128x128xf32, #tpu.memory_space<vmem>>
    %dma_wait3A_49 = arith.constant 0 : i32
    %dma_wait3A_50 = tpu.memref_slice %arg7[%dma_wait3A_44, %dma_wait3A_49] : memref<40x128xi32, #tpu.memory_space<vmem>> -> memref<1x128xi32, #tpu.memory_space<vmem>>
    %dma_wait3A_51 = tpu.memref_squeeze %dma_wait3A_50 : memref<1x128xi32, #tpu.memory_space<vmem>> -> memref<128xi32, #tpu.memory_space<vmem>>
    %dma_wait3A_52 = arith.constant 0 : i32
    %dma_wait3A_53 = arith.constant 0 : i32
    %dma_wait3A_54 = tpu.memref_slice %arg9[%dma_wait3A_52, %dma_wait3A_53] : memref<10016x128xf32, #tpu.memory_space<vmem_shared>> -> memref<10016x128xf32, #tpu.memory_space<vmem_shared>>
    tpu.wait_indirect_dma semaphore(%arg13 : memref<!tpu.dma_semaphore, #tpu.memory_space<semaphore_mem>>) src(%dma_wait3A_48 : memref<128x128xf32, #tpu.memory_space<vmem>>) dst(%dma_wait3A_54 : memref<10016x128xf32, #tpu.memory_space<vmem_shared>>)
    %add3A_55 = arith.constant 40 : i32
    %add3A_56 = arith.addi %add3A, %add3A_55 : i32
    "tpu.region"() ({
      %run_scoped3A = tpu.sem_alloc : memref<!tpu.dma_semaphore, #tpu.memory_space<semaphore_mem>>
      %dma_start3A_113 = arith.constant 0 : i32
      %dma_start3A_114 = tpu.memref_slice %arg2[%add3A_56, %dma_start3A_113] : memref<2560x128xi32, #tpu.memory_space<hbm>> -> memref<40x128xi32, #tpu.memory_space<hbm>>
      %dma_start3A_115 = arith.constant 0 : i32
      %dma_start3A_116 = tpu.memref_slice %arg2[%add3A_56, %dma_start3A_115] : memref<2560x128xi32, #tpu.memory_space<hbm>> -> memref<40x128xi32, #tpu.memory_space<hbm>>
      tpu.enqueue_dma source(%dma_start3A_116 : memref<40x128xi32, #tpu.memory_space<hbm>>) target(%arg6 : memref<40x128xi32, #tpu.memory_space<vmem>>) target_semaphore(%run_scoped3A : memref<!tpu.dma_semaphore, #tpu.memory_space<semaphore_mem>>)
      %dma_wait3A_117 = arith.constant 0 : i32
      %dma_wait3A_118 = tpu.memref_slice %arg2[%add3A_56, %dma_wait3A_117] : memref<2560x128xi32, #tpu.memory_space<hbm>> -> memref<40x128xi32, #tpu.memory_space<hbm>>
      %dma_wait3A_119 = arith.constant 0 : i32
      %dma_wait3A_120 = tpu.memref_slice %arg2[%add3A_56, %dma_wait3A_119] : memref<2560x128xi32, #tpu.memory_space<hbm>> -> memref<40x128xi32, #tpu.memory_space<hbm>>
      tpu.wait_dma2 semaphore(%run_scoped3A : memref<!tpu.dma_semaphore, #tpu.memory_space<semaphore_mem>>) src(%dma_wait3A_120 : memref<40x128xi32, #tpu.memory_space<hbm>>) dst(%arg6 : memref<40x128xi32, #tpu.memory_space<vmem>>)
      tpu.yield
    }) : () -> ()
    %add3A_57 = arith.constant 40 : i32
    %add3A_58 = arith.addi %add3A, %add3A_57 : i32
    "tpu.region"() ({
      %run_scoped3A = tpu.sem_alloc : memref<!tpu.dma_semaphore, #tpu.memory_space<semaphore_mem>>
      %dma_start3A_113 = arith.constant 0 : i32
      %dma_start3A_114 = tpu.memref_slice %arg3[%add3A_58, %dma_start3A_113] : memref<2560x128xi32, #tpu.memory_space<hbm>> -> memref<40x128xi32, #tpu.memory_space<hbm>>
      %dma_start3A_115 = arith.constant 0 : i32
      %dma_start3A_116 = tpu.memref_slice %arg3[%add3A_58, %dma_start3A_115] : memref<2560x128xi32, #tpu.memory_space<hbm>> -> memref<40x128xi32, #tpu.memory_space<hbm>>
      tpu.enqueue_dma source(%dma_start3A_116 : memref<40x128xi32, #tpu.memory_space<hbm>>) target(%arg7 : memref<40x128xi32, #tpu.memory_space<vmem>>) target_semaphore(%run_scoped3A : memref<!tpu.dma_semaphore, #tpu.memory_space<semaphore_mem>>)
      %dma_wait3A_117 = arith.constant 0 : i32
      %dma_wait3A_118 = tpu.memref_slice %arg3[%add3A_58, %dma_wait3A_117] : memref<2560x128xi32, #tpu.memory_space<hbm>> -> memref<40x128xi32, #tpu.memory_space<hbm>>
      %dma_wait3A_119 = arith.constant 0 : i32
      %dma_wait3A_120 = tpu.memref_slice %arg3[%add3A_58, %dma_wait3A_119] : memref<2560x128xi32, #tpu.memory_space<hbm>> -> memref<40x128xi32, #tpu.memory_space<hbm>>
      tpu.wait_dma2 semaphore(%run_scoped3A : memref<!tpu.dma_semaphore, #tpu.memory_space<semaphore_mem>>) src(%dma_wait3A_120 : memref<40x128xi32, #tpu.memory_space<hbm>>) dst(%arg7 : memref<40x128xi32, #tpu.memory_space<vmem>>)
      tpu.yield
    }) : () -> ()
    %dma_start3A_59 = arith.constant 0 : i32
    %dma_start3A_60 = arith.constant 0 : i32
    %dma_start3A_61 = arith.constant 0 : i32
    %dma_start3A_62 = arith.constant 0 : i32
    %dma_start3A_63 = tpu.memref_slice %arg8[%dma_start3A_60, %dma_start3A_61, %dma_start3A_62] : memref<2x128x128xf32, #tpu.memory_space<vmem>> -> memref<1x128x128xf32, #tpu.memory_space<vmem>>
    %dma_start3A_64 = tpu.memref_squeeze %dma_start3A_63 : memref<1x128x128xf32, #tpu.memory_space<vmem>> -> memref<128x128xf32, #tpu.memory_space<vmem>>
    %dma_start3A_65 = arith.constant 0 : i32
    %dma_start3A_66 = tpu.memref_slice %arg6[%dma_start3A_59, %dma_start3A_65] : memref<40x128xi32, #tpu.memory_space<vmem>> -> memref<1x128xi32, #tpu.memory_space<vmem>>
    %dma_start3A_67 = tpu.memref_squeeze %dma_start3A_66 : memref<1x128xi32, #tpu.memory_space<vmem>> -> memref<128xi32, #tpu.memory_space<vmem>>
    %dma_start3A_68 = arith.constant 0 : i32
    %dma_start3A_69 = arith.constant 0 : i32
    %dma_start3A_70 = tpu.memref_slice %arg4[%dma_start3A_68, %dma_start3A_69] : memref<10000x128xf32, #tpu.memory_space<hbm>> -> memref<10000x128xf32, #tpu.memory_space<hbm>>
    tpu.enqueue_indirect_dma source(%dma_start3A_70 : memref<10000x128xf32, #tpu.memory_space<hbm>>) target(%dma_start3A_64 : memref<128x128xf32, #tpu.memory_space<vmem>>) offsets(%dma_start3A_67 : memref<128xi32, #tpu.memory_space<vmem>>) semaphore(%arg10 : memref<!tpu.dma_semaphore, #tpu.memory_space<semaphore_mem>>)
    %scan3A_71 = arith.constant 0 : i32
    %scan3A_72 = arith.constant 0 : i32
    %scan3A_73 = arith.constant 20 : i32
    %scan3A_74 = arith.addi %scan3A_72, %scan3A_73 : i32
    %scan3A_75 = arith.constant 1 : i32
    %scan3A_76 = scf.for %scan3A_113 = %scan3A_72 to %scan3A_74 step %scan3A_75 iter_args(%scan3A_114 = %scan3A_71) -> (i32)  : i32 {
      %mul3A_115 = arith.constant 2 : i32
      %mul3A_116 = arith.muli %mul3A_115, %scan3A_113 : i32
      %mul3A_117 = arith.constant 2 : i32
      %mul3A_118 = arith.muli %mul3A_117, %scan3A_113 : i32
      %add3A_119 = arith.constant 1 : i32
      %add3A_120 = arith.addi %mul3A_118, %add3A_119 : i32
      %dma_wait3A_121 = arith.constant 0 : i32
      %dma_wait3A_122 = arith.constant 0 : i32
      %dma_wait3A_123 = arith.constant 0 : i32
      %dma_wait3A_124 = tpu.memref_slice %arg8[%dma_wait3A_121, %dma_wait3A_122, %dma_wait3A_123] : memref<2x128x128xf32, #tpu.memory_space<vmem>> -> memref<1x128x128xf32, #tpu.memory_space<vmem>>
      %dma_wait3A_125 = tpu.memref_squeeze %dma_wait3A_124 : memref<1x128x128xf32, #tpu.memory_space<vmem>> -> memref<128x128xf32, #tpu.memory_space<vmem>>
      %dma_wait3A_126 = arith.constant 0 : i32
      %dma_wait3A_127 = tpu.memref_slice %arg6[%mul3A_116, %dma_wait3A_126] : memref<40x128xi32, #tpu.memory_space<vmem>> -> memref<1x128xi32, #tpu.memory_space<vmem>>
      %dma_wait3A_128 = tpu.memref_squeeze %dma_wait3A_127 : memref<1x128xi32, #tpu.memory_space<vmem>> -> memref<128xi32, #tpu.memory_space<vmem>>
      %dma_wait3A_129 = arith.constant 0 : i32
      %dma_wait3A_130 = arith.constant 0 : i32
      %dma_wait3A_131 = tpu.memref_slice %arg4[%dma_wait3A_129, %dma_wait3A_130] : memref<10000x128xf32, #tpu.memory_space<hbm>> -> memref<10000x128xf32, #tpu.memory_space<hbm>>
      tpu.wait_indirect_dma semaphore(%arg10 : memref<!tpu.dma_semaphore, #tpu.memory_space<semaphore_mem>>) src(%dma_wait3A_131 : memref<10000x128xf32, #tpu.memory_space<hbm>>) dst(%dma_wait3A_125 : memref<128x128xf32, #tpu.memory_space<vmem>>)
      %gt3A = arith.constant 0 : i32
      %gt3A_132 = arith.cmpi sgt, %scan3A_113, %gt3A : i32
      %convert_element_type3A_133 = arith.extui %gt3A_132 : i1 to i32
      %cond3A_134 = arith.constant 0 : i32
      %cond3A_135 = arith.cmpi ne, %convert_element_type3A_133, %cond3A_134 : i32
      scf.if %cond3A_135 {
        %sub3A = arith.constant 2 : i32
        %sub3A_191 = arith.subi %add3A_120, %sub3A : i32
        %dma_wait3A_192 = arith.constant 1 : i32
        %dma_wait3A_193 = arith.constant 0 : i32
        %dma_wait3A_194 = arith.constant 0 : i32
        %dma_wait3A_195 = tpu.memref_slice %arg8[%dma_wait3A_192, %dma_wait3A_193, %dma_wait3A_194] : memref<2x128x128xf32, #tpu.memory_space<vmem>> -> memref<1x128x128xf32, #tpu.memory_space<vmem>>
        %dma_wait3A_196 = tpu.memref_squeeze %dma_wait3A_195 : memref<1x128x128xf32, #tpu.memory_space<vmem>> -> memref<128x128xf32, #tpu.memory_space<vmem>>
        %dma_wait3A_197 = arith.constant 0 : i32
        %dma_wait3A_198 = tpu.memref_slice %arg7[%sub3A_191, %dma_wait3A_197] : memref<40x128xi32, #tpu.memory_space<vmem>> -> memref<1x128xi32, #tpu.memory_space<vmem>>
        %dma_wait3A_199 = tpu.memref_squeeze %dma_wait3A_198 : memref<1x128xi32, #tpu.memory_space<vmem>> -> memref<128xi32, #tpu.memory_space<vmem>>
        %dma_wait3A_200 = arith.constant 0 : i32
        %dma_wait3A_201 = arith.constant 0 : i32
        %dma_wait3A_202 = tpu.memref_slice %arg9[%dma_wait3A_200, %dma_wait3A_201] : memref<10016x128xf32, #tpu.memory_space<vmem_shared>> -> memref<10016x128xf32, #tpu.memory_space<vmem_shared>>
        tpu.wait_indirect_dma semaphore(%arg13 : memref<!tpu.dma_semaphore, #tpu.memory_space<semaphore_mem>>) src(%dma_wait3A_196 : memref<128x128xf32, #tpu.memory_space<vmem>>) dst(%dma_wait3A_202 : memref<10016x128xf32, #tpu.memory_space<vmem_shared>>)
      } else {
      }
      %dma_start3A_136 = arith.constant 1 : i32
      %dma_start3A_137 = arith.constant 0 : i32
      %dma_start3A_138 = arith.constant 0 : i32
      %dma_start3A_139 = tpu.memref_slice %arg8[%dma_start3A_136, %dma_start3A_137, %dma_start3A_138] : memref<2x128x128xf32, #tpu.memory_space<vmem>> -> memref<1x128x128xf32, #tpu.memory_space<vmem>>
      %dma_start3A_140 = tpu.memref_squeeze %dma_start3A_139 : memref<1x128x128xf32, #tpu.memory_space<vmem>> -> memref<128x128xf32, #tpu.memory_space<vmem>>
      %dma_start3A_141 = arith.constant 0 : i32
      %dma_start3A_142 = tpu.memref_slice %arg6[%add3A_120, %dma_start3A_141] : memref<40x128xi32, #tpu.memory_space<vmem>> -> memref<1x128xi32, #tpu.memory_space<vmem>>
      %dma_start3A_143 = tpu.memref_squeeze %dma_start3A_142 : memref<1x128xi32, #tpu.memory_space<vmem>> -> memref<128xi32, #tpu.memory_space<vmem>>
      %dma_start3A_144 = arith.constant 0 : i32
      %dma_start3A_145 = arith.constant 0 : i32
      %dma_start3A_146 = tpu.memref_slice %arg4[%dma_start3A_144, %dma_start3A_145] : memref<10000x128xf32, #tpu.memory_space<hbm>> -> memref<10000x128xf32, #tpu.memory_space<hbm>>
      tpu.enqueue_indirect_dma source(%dma_start3A_146 : memref<10000x128xf32, #tpu.memory_space<hbm>>) target(%dma_start3A_140 : memref<128x128xf32, #tpu.memory_space<vmem>>) offsets(%dma_start3A_143 : memref<128xi32, #tpu.memory_space<vmem>>) semaphore(%arg11 : memref<!tpu.dma_semaphore, #tpu.memory_space<semaphore_mem>>)
      %dma_start3A_147 = arith.constant 0 : i32
      %dma_start3A_148 = arith.constant 0 : i32
      %dma_start3A_149 = arith.constant 0 : i32
      %dma_start3A_150 = tpu.memref_slice %arg8[%dma_start3A_147, %dma_start3A_148, %dma_start3A_149] : memref<2x128x128xf32, #tpu.memory_space<vmem>> -> memref<1x128x128xf32, #tpu.memory_space<vmem>>
      %dma_start3A_151 = tpu.memref_squeeze %dma_start3A_150 : memref<1x128x128xf32, #tpu.memory_space<vmem>> -> memref<128x128xf32, #tpu.memory_space<vmem>>
      %dma_start3A_152 = arith.constant 0 : i32
      %dma_start3A_153 = tpu.memref_slice %arg7[%mul3A_116, %dma_start3A_152] : memref<40x128xi32, #tpu.memory_space<vmem>> -> memref<1x128xi32, #tpu.memory_space<vmem>>
      %dma_start3A_154 = tpu.memref_squeeze %dma_start3A_153 : memref<1x128xi32, #tpu.memory_space<vmem>> -> memref<128xi32, #tpu.memory_space<vmem>>
      %dma_start3A_155 = arith.constant 0 : i32
      %dma_start3A_156 = arith.constant 0 : i32
      %dma_start3A_157 = tpu.memref_slice %arg9[%dma_start3A_155, %dma_start3A_156] : memref<10016x128xf32, #tpu.memory_space<vmem_shared>> -> memref<10016x128xf32, #tpu.memory_space<vmem_shared>>
      tpu.enqueue_indirect_dma source(%dma_start3A_151 : memref<128x128xf32, #tpu.memory_space<vmem>>) target(%dma_start3A_157 : memref<10016x128xf32, #tpu.memory_space<vmem_shared>>) offsets(%dma_start3A_154 : memref<128xi32, #tpu.memory_space<vmem>>) semaphore(%arg12 : memref<!tpu.dma_semaphore, #tpu.memory_space<semaphore_mem>>) {add = true}
      %dma_wait3A_158 = arith.constant 1 : i32
      %dma_wait3A_159 = arith.constant 0 : i32
      %dma_wait3A_160 = arith.constant 0 : i32
      %dma_wait3A_161 = tpu.memref_slice %arg8[%dma_wait3A_158, %dma_wait3A_159, %dma_wait3A_160] : memref<2x128x128xf32, #tpu.memory_space<vmem>> -> memref<1x128x128xf32, #tpu.memory_space<vmem>>
      %dma_wait3A_162 = tpu.memref_squeeze %dma_wait3A_161 : memref<1x128x128xf32, #tpu.memory_space<vmem>> -> memref<128x128xf32, #tpu.memory_space<vmem>>
      %dma_wait3A_163 = arith.constant 0 : i32
      %dma_wait3A_164 = tpu.memref_slice %arg6[%add3A_120, %dma_wait3A_163] : memref<40x128xi32, #tpu.memory_space<vmem>> -> memref<1x128xi32, #tpu.memory_space<vmem>>
      %dma_wait3A_165 = tpu.memref_squeeze %dma_wait3A_164 : memref<1x128xi32, #tpu.memory_space<vmem>> -> memref<128xi32, #tpu.memory_space<vmem>>
      %dma_wait3A_166 = arith.constant 0 : i32
      %dma_wait3A_167 = arith.constant 0 : i32
      %dma_wait3A_168 = tpu.memref_slice %arg4[%dma_wait3A_166, %dma_wait3A_167] : memref<10000x128xf32, #tpu.memory_space<hbm>> -> memref<10000x128xf32, #tpu.memory_space<hbm>>
      tpu.wait_indirect_dma semaphore(%arg11 : memref<!tpu.dma_semaphore, #tpu.memory_space<semaphore_mem>>) src(%dma_wait3A_168 : memref<10000x128xf32, #tpu.memory_space<hbm>>) dst(%dma_wait3A_162 : memref<128x128xf32, #tpu.memory_space<vmem>>)
      %lt3A_169 = arith.constant 19 : i32
      %lt3A_170 = arith.cmpi slt, %scan3A_113, %lt3A_169 : i32
      %convert_element_type3A_171 = arith.extui %lt3A_170 : i1 to i32
      %cond3A_172 = arith.constant 0 : i32
      %cond3A_173 = arith.cmpi ne, %convert_element_type3A_171, %cond3A_172 : i32
      scf.if %cond3A_173 {
        %dma_wait3A_191 = arith.constant 0 : i32
        %dma_wait3A_192 = arith.constant 0 : i32
        %dma_wait3A_193 = arith.constant 0 : i32
        %dma_wait3A_194 = tpu.memref_slice %arg8[%dma_wait3A_191, %dma_wait3A_192, %dma_wait3A_193] : memref<2x128x128xf32, #tpu.memory_space<vmem>> -> memref<1x128x128xf32, #tpu.memory_space<vmem>>
        %dma_wait3A_195 = tpu.memref_squeeze %dma_wait3A_194 : memref<1x128x128xf32, #tpu.memory_space<vmem>> -> memref<128x128xf32, #tpu.memory_space<vmem>>
        %dma_wait3A_196 = arith.constant 0 : i32
        %dma_wait3A_197 = tpu.memref_slice %arg7[%mul3A_116, %dma_wait3A_196] : memref<40x128xi32, #tpu.memory_space<vmem>> -> memref<1x128xi32, #tpu.memory_space<vmem>>
        %dma_wait3A_198 = tpu.memref_squeeze %dma_wait3A_197 : memref<1x128xi32, #tpu.memory_space<vmem>> -> memref<128xi32, #tpu.memory_space<vmem>>
        %dma_wait3A_199 = arith.constant 0 : i32
        %dma_wait3A_200 = arith.constant 0 : i32
        %dma_wait3A_201 = tpu.memref_slice %arg9[%dma_wait3A_199, %dma_wait3A_200] : memref<10016x128xf32, #tpu.memory_space<vmem_shared>> -> memref<10016x128xf32, #tpu.memory_space<vmem_shared>>
        tpu.wait_indirect_dma semaphore(%arg12 : memref<!tpu.dma_semaphore, #tpu.memory_space<semaphore_mem>>) src(%dma_wait3A_195 : memref<128x128xf32, #tpu.memory_space<vmem>>) dst(%dma_wait3A_201 : memref<10016x128xf32, #tpu.memory_space<vmem_shared>>)
      } else {
      }
      %lt3A_174 = arith.constant 19 : i32
      %lt3A_175 = arith.cmpi slt, %scan3A_113, %lt3A_174 : i32
      %convert_element_type3A_176 = arith.extui %lt3A_175 : i1 to i32
      %cond3A_177 = arith.constant 0 : i32
      %cond3A_178 = arith.cmpi ne, %convert_element_type3A_176, %cond3A_177 : i32
      scf.if %cond3A_178 {
        %add3A_191 = arith.constant 2 : i32
        %add3A_192 = arith.addi %mul3A_116, %add3A_191 : i32
        %dma_start3A_193 = arith.constant 0 : i32
        %dma_start3A_194 = arith.constant 0 : i32
        %dma_start3A_195 = arith.constant 0 : i32
        %dma_start3A_196 = tpu.memref_slice %arg8[%dma_start3A_193, %dma_start3A_194, %dma_start3A_195] : memref<2x128x128xf32, #tpu.memory_space<vmem>> -> memref<1x128x128xf32, #tpu.memory_space<vmem>>
        %dma_start3A_197 = tpu.memref_squeeze %dma_start3A_196 : memref<1x128x128xf32, #tpu.memory_space<vmem>> -> memref<128x128xf32, #tpu.memory_space<vmem>>
        %dma_start3A_198 = arith.constant 0 : i32
        %dma_start3A_199 = tpu.memref_slice %arg6[%add3A_192, %dma_start3A_198] : memref<40x128xi32, #tpu.memory_space<vmem>> -> memref<1x128xi32, #tpu.memory_space<vmem>>
        %dma_start3A_200 = tpu.memref_squeeze %dma_start3A_199 : memref<1x128xi32, #tpu.memory_space<vmem>> -> memref<128xi32, #tpu.memory_space<vmem>>
        %dma_start3A_201 = arith.constant 0 : i32
        %dma_start3A_202 = arith.constant 0 : i32
        %dma_start3A_203 = tpu.memref_slice %arg4[%dma_start3A_201, %dma_start3A_202] : memref<10000x128xf32, #tpu.memory_space<hbm>> -> memref<10000x128xf32, #tpu.memory_space<hbm>>
        tpu.enqueue_indirect_dma source(%dma_start3A_203 : memref<10000x128xf32, #tpu.memory_space<hbm>>) target(%dma_start3A_197 : memref<128x128xf32, #tpu.memory_space<vmem>>) offsets(%dma_start3A_200 : memref<128xi32, #tpu.memory_space<vmem>>) semaphore(%arg10 : memref<!tpu.dma_semaphore, #tpu.memory_space<semaphore_mem>>)
      } else {
      }
      %dma_start3A_179 = arith.constant 1 : i32
      %dma_start3A_180 = arith.constant 0 : i32
      %dma_start3A_181 = arith.constant 0 : i32
      %dma_start3A_182 = tpu.memref_slice %arg8[%dma_start3A_179, %dma_start3A_180, %dma_start3A_181] : memref<2x128x128xf32, #tpu.memory_space<vmem>> -> memref<1x128x128xf32, #tpu.memory_space<vmem>>
      %dma_start3A_183 = tpu.memref_squeeze %dma_start3A_182 : memref<1x128x128xf32, #tpu.memory_space<vmem>> -> memref<128x128xf32, #tpu.memory_space<vmem>>
      %dma_start3A_184 = arith.constant 0 : i32
      %dma_start3A_185 = tpu.memref_slice %arg7[%add3A_120, %dma_start3A_184] : memref<40x128xi32, #tpu.memory_space<vmem>> -> memref<1x128xi32, #tpu.memory_space<vmem>>
      %dma_start3A_186 = tpu.memref_squeeze %dma_start3A_185 : memref<1x128xi32, #tpu.memory_space<vmem>> -> memref<128xi32, #tpu.memory_space<vmem>>
      %dma_start3A_187 = arith.constant 0 : i32
      %dma_start3A_188 = arith.constant 0 : i32
      %dma_start3A_189 = tpu.memref_slice %arg9[%dma_start3A_187, %dma_start3A_188] : memref<10016x128xf32, #tpu.memory_space<vmem_shared>> -> memref<10016x128xf32, #tpu.memory_space<vmem_shared>>
      tpu.enqueue_indirect_dma source(%dma_start3A_183 : memref<128x128xf32, #tpu.memory_space<vmem>>) target(%dma_start3A_189 : memref<10016x128xf32, #tpu.memory_space<vmem_shared>>) offsets(%dma_start3A_186 : memref<128xi32, #tpu.memory_space<vmem>>) semaphore(%arg13 : memref<!tpu.dma_semaphore, #tpu.memory_space<semaphore_mem>>) {add = true}
      %scan3A_190 = arith.constant 0 : i32
      scf.yield %scan3A_190 : i32
    }
    %scan3A_77 = arith.constant 20 : i32
    %dma_wait3A_78 = arith.constant 0 : i32
    %dma_wait3A_79 = arith.constant 38 : i32
    %dma_wait3A_80 = arith.constant 0 : i32
    %dma_wait3A_81 = arith.constant 0 : i32
    %dma_wait3A_82 = tpu.memref_slice %arg8[%dma_wait3A_78, %dma_wait3A_80, %dma_wait3A_81] : memref<2x128x128xf32, #tpu.memory_space<vmem>> -> memref<1x128x128xf32, #tpu.memory_space<vmem>>
    %dma_wait3A_83 = tpu.memref_squeeze %dma_wait3A_82 : memref<1x128x128xf32, #tpu.memory_space<vmem>> -> memref<128x128xf32, #tpu.memory_space<vmem>>
    %dma_wait3A_84 = arith.constant 0 : i32
    %dma_wait3A_85 = tpu.memref_slice %arg7[%dma_wait3A_79, %dma_wait3A_84] : memref<40x128xi32, #tpu.memory_space<vmem>> -> memref<1x128xi32, #tpu.memory_space<vmem>>
    %dma_wait3A_86 = tpu.memref_squeeze %dma_wait3A_85 : memref<1x128xi32, #tpu.memory_space<vmem>> -> memref<128xi32, #tpu.memory_space<vmem>>
    %dma_wait3A_87 = arith.constant 0 : i32
    %dma_wait3A_88 = arith.constant 0 : i32
    %dma_wait3A_89 = tpu.memref_slice %arg9[%dma_wait3A_87, %dma_wait3A_88] : memref<10016x128xf32, #tpu.memory_space<vmem_shared>> -> memref<10016x128xf32, #tpu.memory_space<vmem_shared>>
    tpu.wait_indirect_dma semaphore(%arg12 : memref<!tpu.dma_semaphore, #tpu.memory_space<semaphore_mem>>) src(%dma_wait3A_83 : memref<128x128xf32, #tpu.memory_space<vmem>>) dst(%dma_wait3A_89 : memref<10016x128xf32, #tpu.memory_space<vmem_shared>>)
    %dma_wait3A_90 = arith.constant 1 : i32
    %dma_wait3A_91 = arith.constant 39 : i32
    %dma_wait3A_92 = arith.constant 0 : i32
    %dma_wait3A_93 = arith.constant 0 : i32
    %dma_wait3A_94 = tpu.memref_slice %arg8[%dma_wait3A_90, %dma_wait3A_92, %dma_wait3A_93] : memref<2x128x128xf32, #tpu.memory_space<vmem>> -> memref<1x128x128xf32, #tpu.memory_space<vmem>>
    %dma_wait3A_95 = tpu.memref_squeeze %dma_wait3A_94 : memref<1x128x128xf32, #tpu.memory_space<vmem>> -> memref<128x128xf32, #tpu.memory_space<vmem>>
    %dma_wait3A_96 = arith.constant 0 : i32
    %dma_wait3A_97 = tpu.memref_slice %arg7[%dma_wait3A_91, %dma_wait3A_96] : memref<40x128xi32, #tpu.memory_space<vmem>> -> memref<1x128xi32, #tpu.memory_space<vmem>>
    %dma_wait3A_98 = tpu.memref_squeeze %dma_wait3A_97 : memref<1x128xi32, #tpu.memory_space<vmem>> -> memref<128xi32, #tpu.memory_space<vmem>>
    %dma_wait3A_99 = arith.constant 0 : i32
    %dma_wait3A_100 = arith.constant 0 : i32
    %dma_wait3A_101 = tpu.memref_slice %arg9[%dma_wait3A_99, %dma_wait3A_100] : memref<10016x128xf32, #tpu.memory_space<vmem_shared>> -> memref<10016x128xf32, #tpu.memory_space<vmem_shared>>
    tpu.wait_indirect_dma semaphore(%arg13 : memref<!tpu.dma_semaphore, #tpu.memory_space<semaphore_mem>>) src(%dma_wait3A_95 : memref<128x128xf32, #tpu.memory_space<vmem>>) dst(%dma_wait3A_101 : memref<10016x128xf32, #tpu.memory_space<vmem_shared>>)
    %barrier3A_102 = arith.constant 0 : index
    tpu.barrier barrier_id(%barrier3A_102)
    %lt3A_103 = arith.constant 15 : i32
    %lt3A_104 = arith.cmpi slt, %arg1, %lt3A_103 : i32
    %convert_element_type3A_105 = arith.extui %lt3A_104 : i1 to i32
    %cond3A_106 = arith.constant 0 : i32
    %cond3A_107 = arith.cmpi ne, %convert_element_type3A_105, %cond3A_106 : i32
    scf.if %cond3A_107 {
      "tpu.region"() ({
        %run_scoped3A = tpu.sem_alloc : memref<!tpu.dma_semaphore, #tpu.memory_space<semaphore_mem>>
        %dma_start3A_113 = arith.constant 0 : i32
        %dma_start3A_114 = tpu.memref_slice %arg5[%arg0, %mul3A_0, %dma_start3A_113] : memref<2x10000x128xf32, #tpu.memory_space<hbm>> -> memref<1x624x128xf32, #tpu.memory_space<hbm>>
        %dma_start3A_115 = tpu.memref_squeeze %dma_start3A_114 : memref<1x624x128xf32, #tpu.memory_space<hbm>> -> memref<624x128xf32, #tpu.memory_space<hbm>>
        %dma_start3A_116 = arith.constant 0 : i32
        %dma_start3A_117 = tpu.memref_slice %arg9[%mul3A_0, %dma_start3A_116] : memref<10016x128xf32, #tpu.memory_space<vmem_shared>> -> memref<624x128xf32, #tpu.memory_space<vmem_shared>>
        tpu.enqueue_dma source(%dma_start3A_117 : memref<624x128xf32, #tpu.memory_space<vmem_shared>>) target(%dma_start3A_115 : memref<624x128xf32, #tpu.memory_space<hbm>>) target_semaphore(%run_scoped3A : memref<!tpu.dma_semaphore, #tpu.memory_space<semaphore_mem>>)
        %dma_wait3A_118 = arith.constant 0 : i32
        %dma_wait3A_119 = tpu.memref_slice %arg5[%arg0, %mul3A_0, %dma_wait3A_118] : memref<2x10000x128xf32, #tpu.memory_space<hbm>> -> memref<1x624x128xf32, #tpu.memory_space<hbm>>
        %dma_wait3A_120 = tpu.memref_squeeze %dma_wait3A_119 : memref<1x624x128xf32, #tpu.memory_space<hbm>> -> memref<624x128xf32, #tpu.memory_space<hbm>>
        %dma_wait3A_121 = arith.constant 0 : i32
        %dma_wait3A_122 = tpu.memref_slice %arg9[%mul3A_0, %dma_wait3A_121] : memref<10016x128xf32, #tpu.memory_space<vmem_shared>> -> memref<624x128xf32, #tpu.memory_space<vmem_shared>>
        tpu.wait_dma2 semaphore(%run_scoped3A : memref<!tpu.dma_semaphore, #tpu.memory_space<semaphore_mem>>) src(%dma_wait3A_122 : memref<624x128xf32, #tpu.memory_space<vmem_shared>>) dst(%dma_wait3A_120 : memref<624x128xf32, #tpu.memory_space<hbm>>)
        tpu.yield
      }) : () -> ()
    } else {
    }
    %eq3A_108 = arith.constant 15 : i32
    %eq3A_109 = arith.cmpi eq, %arg1, %eq3A_108 : i32
    %convert_element_type3A_110 = arith.extui %eq3A_109 : i1 to i32
    %cond3A_111 = arith.constant 0 : i32
    %cond3A_112 = arith.cmpi ne, %convert_element_type3A_110, %cond3A_111 : i32
    scf.if %cond3A_112 {
      "tpu.region"() ({
        %run_scoped3A = tpu.sem_alloc : memref<!tpu.dma_semaphore, #tpu.memory_space<semaphore_mem>>
        %dma_start3A_113 = arith.constant 9360 : i32
        %dma_start3A_114 = arith.constant 0 : i32
        %dma_start3A_115 = tpu.memref_slice %arg5[%arg0, %dma_start3A_113, %dma_start3A_114] : memref<2x10000x128xf32, #tpu.memory_space<hbm>> -> memref<1x640x128xf32, #tpu.memory_space<hbm>>
        %dma_start3A_116 = tpu.memref_squeeze %dma_start3A_115 : memref<1x640x128xf32, #tpu.memory_space<hbm>> -> memref<640x128xf32, #tpu.memory_space<hbm>>
        %dma_start3A_117 = arith.constant 9360 : i32
        %dma_start3A_118 = arith.constant 0 : i32
        %dma_start3A_119 = tpu.memref_slice %arg9[%dma_start3A_117, %dma_start3A_118] : memref<10016x128xf32, #tpu.memory_space<vmem_shared>> -> memref<640x128xf32, #tpu.memory_space<vmem_shared>>
        tpu.enqueue_dma source(%dma_start3A_119 : memref<640x128xf32, #tpu.memory_space<vmem_shared>>) target(%dma_start3A_116 : memref<640x128xf32, #tpu.memory_space<hbm>>) target_semaphore(%run_scoped3A : memref<!tpu.dma_semaphore, #tpu.memory_space<semaphore_mem>>)
        %dma_wait3A_120 = arith.constant 9360 : i32
        %dma_wait3A_121 = arith.constant 0 : i32
        %dma_wait3A_122 = tpu.memref_slice %arg5[%arg0, %dma_wait3A_120, %dma_wait3A_121] : memref<2x10000x128xf32, #tpu.memory_space<hbm>> -> memref<1x640x128xf32, #tpu.memory_space<hbm>>
        %dma_wait3A_123 = tpu.memref_squeeze %dma_wait3A_122 : memref<1x640x128xf32, #tpu.memory_space<hbm>> -> memref<640x128xf32, #tpu.memory_space<hbm>>
        %dma_wait3A_124 = arith.constant 9360 : i32
        %dma_wait3A_125 = arith.constant 0 : i32
        %dma_wait3A_126 = tpu.memref_slice %arg9[%dma_wait3A_124, %dma_wait3A_125] : memref<10016x128xf32, #tpu.memory_space<vmem_shared>> -> memref<640x128xf32, #tpu.memory_space<vmem_shared>>
        tpu.wait_dma2 semaphore(%run_scoped3A : memref<!tpu.dma_semaphore, #tpu.memory_space<semaphore_mem>>) src(%dma_wait3A_126 : memref<640x128xf32, #tpu.memory_space<vmem_shared>>) dst(%dma_wait3A_123 : memref<640x128xf32, #tpu.memory_space<hbm>>)
        tpu.yield
      }) : () -> ()
    } else {
    }
    return
  }
}

#map = affine_map<(d0, d1) -> (0, 0)>
#map1 = affine_map<(d0, d1) -> (0, 0, 0)>
module attributes {stable_mosaic.version = 14 : i64} {
  func.func @_agg_body(%arg0: i32, %arg1: i32, %arg2: memref<2560x128xi32, #tpu.memory_space<hbm>>, %arg3: memref<2560x128xi32, #tpu.memory_space<hbm>>, %arg4: memref<10000x128xf32, #tpu.memory_space<hbm>>, %arg5: memref<2x10000x128xf32, #tpu.memory_space<hbm>>, %arg6: memref<40x128xi32, #tpu.memory_space<vmem>>, %arg7: memref<40x128xi32, #tpu.memory_space<vmem>>, %arg8: memref<2x128x128xf32, #tpu.memory_space<vmem>>, %arg9: memref<10016x128xf32, #tpu.memory_space<vmem_shared>>, %arg10: memref<!tpu.dma_semaphore, #tpu.memory_space<semaphore_mem>>, %arg11: memref<!tpu.dma_semaphore, #tpu.memory_space<semaphore_mem>>, %arg12: memref<!tpu.dma_semaphore, #tpu.memory_space<semaphore_mem>>, %arg13: memref<!tpu.dma_semaphore, #tpu.memory_space<semaphore_mem>>) attributes {dimension_semantics = [#tpu.dimension_semantics<core_parallel>, #tpu.dimension_semantics<subcore_parallel>], iteration_bounds = array<i64: 2, 16>, scalar_prefetch = 0 : i64, scratch_operands = 8 : i64, tpu.core_type = #tpu.core_type<sc_vector_subcore>, window_params = [{transform_indices = #map}, {transform_indices = #map}, {transform_indices = #map}, {transform_indices = #map1}]} {
    %mul3A = arith.constant 624 : i32
    %mul3A_0 = arith.muli %arg1, %mul3A : i32
    %lt3A = arith.constant 15 : i32
    %lt3A_1 = arith.cmpi slt, %arg1, %lt3A : i32
    %convert_element_type3A = arith.extui %lt3A_1 : i1 to i32
    %cond3A = arith.constant 0 : i32
    %cond3A_2 = arith.cmpi ne, %convert_element_type3A, %cond3A : i32
    scf.if %cond3A_2 {
      "tpu.region"() ({
        %run_scoped3A = tpu.sem_alloc : memref<!tpu.dma_semaphore, #tpu.memory_space<semaphore_mem>>
        %dma_start3A_113 = arith.constant 0 : i32
        %dma_start3A_114 = tpu.memref_slice %arg9[%mul3A_0, %dma_start3A_113] : memref<10016x128xf32, #tpu.memory_space<vmem_shared>> -> memref<624x128xf32, #tpu.memory_space<vmem_shared>>
        %dma_start3A_115 = arith.constant 0 : i32
        %dma_start3A_116 = tpu.memref_slice %arg4[%mul3A_0, %dma_start3A_115] : memref<10000x128xf32, #tpu.memory_space<hbm>> -> memref<624x128xf32, #tpu.memory_space<hbm>>
        tpu.enqueue_dma source(%dma_start3A_116 : memref<624x128xf32, #tpu.memory_space<hbm>>) target(%dma_start3A_114 : memref<624x128xf32, #tpu.memory_space<vmem_shared>>) target_semaphore(%run_scoped3A : memref<!tpu.dma_semaphore, #tpu.memory_space<semaphore_mem>>)
        %dma_wait3A_117 = arith.constant 0 : i32
        %dma_wait3A_118 = tpu.memref_slice %arg9[%mul3A_0, %dma_wait3A_117] : memref<10016x128xf32, #tpu.memory_space<vmem_shared>> -> memref<624x128xf32, #tpu.memory_space<vmem_shared>>
        %dma_wait3A_119 = arith.constant 0 : i32
        %dma_wait3A_120 = tpu.memref_slice %arg4[%mul3A_0, %dma_wait3A_119] : memref<10000x128xf32, #tpu.memory_space<hbm>> -> memref<624x128xf32, #tpu.memory_space<hbm>>
        tpu.wait_dma2 semaphore(%run_scoped3A : memref<!tpu.dma_semaphore, #tpu.memory_space<semaphore_mem>>) src(%dma_wait3A_120 : memref<624x128xf32, #tpu.memory_space<hbm>>) dst(%dma_wait3A_118 : memref<624x128xf32, #tpu.memory_space<vmem_shared>>)
        tpu.yield
      }) : () -> ()
    } else {
    }
    %eq3A = arith.constant 15 : i32
    %eq3A_3 = arith.cmpi eq, %arg1, %eq3A : i32
    %convert_element_type3A_4 = arith.extui %eq3A_3 : i1 to i32
    %cond3A_5 = arith.constant 0 : i32
    %cond3A_6 = arith.cmpi ne, %convert_element_type3A_4, %cond3A_5 : i32
    scf.if %cond3A_6 {
      "tpu.region"() ({
        %run_scoped3A = tpu.sem_alloc : memref<!tpu.dma_semaphore, #tpu.memory_space<semaphore_mem>>
        %dma_start3A_113 = arith.constant 9360 : i32
        %dma_start3A_114 = arith.constant 0 : i32
        %dma_start3A_115 = tpu.memref_slice %arg9[%dma_start3A_113, %dma_start3A_114] : memref<10016x128xf32, #tpu.memory_space<vmem_shared>> -> memref<640x128xf32, #tpu.memory_space<vmem_shared>>
        %dma_start3A_116 = arith.constant 9360 : i32
        %dma_start3A_117 = arith.constant 0 : i32
        %dma_start3A_118 = tpu.memref_slice %arg4[%dma_start3A_116, %dma_start3A_117] : memref<10000x128xf32, #tpu.memory_space<hbm>> -> memref<640x128xf32, #tpu.memory_space<hbm>>
        tpu.enqueue_dma source(%dma_start3A_118 : memref<640x128xf32, #tpu.memory_space<hbm>>) target(%dma_start3A_115 : memref<640x128xf32, #tpu.memory_space<vmem_shared>>) target_semaphore(%run_scoped3A : memref<!tpu.dma_semaphore, #tpu.memory_space<semaphore_mem>>)
        %dma_wait3A_119 = arith.constant 9360 : i32
        %dma_wait3A_120 = arith.constant 0 : i32
        %dma_wait3A_121 = tpu.memref_slice %arg9[%dma_wait3A_119, %dma_wait3A_120] : memref<10016x128xf32, #tpu.memory_space<vmem_shared>> -> memref<640x128xf32, #tpu.memory_space<vmem_shared>>
        %dma_wait3A_122 = arith.constant 9360 : i32
        %dma_wait3A_123 = arith.constant 0 : i32
        %dma_wait3A_124 = tpu.memref_slice %arg4[%dma_wait3A_122, %dma_wait3A_123] : memref<10000x128xf32, #tpu.memory_space<hbm>> -> memref<640x128xf32, #tpu.memory_space<hbm>>
        tpu.wait_dma2 semaphore(%run_scoped3A : memref<!tpu.dma_semaphore, #tpu.memory_space<semaphore_mem>>) src(%dma_wait3A_124 : memref<640x128xf32, #tpu.memory_space<hbm>>) dst(%dma_wait3A_121 : memref<640x128xf32, #tpu.memory_space<vmem_shared>>)
        tpu.yield
      }) : () -> ()
    } else {
    }
    %mul3A_7 = arith.constant 1280 : i32
    %mul3A_8 = arith.muli %arg0, %mul3A_7 : i32
    %mul3A_9 = arith.constant 80 : i32
    %mul3A_10 = arith.muli %arg1, %mul3A_9 : i32
    %add3A = arith.addi %mul3A_8, %mul3A_10 : i32
    %barrier3A = arith.constant 0 : index
    tpu.barrier barrier_id(%barrier3A)
    %add3A_11 = arith.constant 0 : i32
    %add3A_12 = arith.addi %add3A, %add3A_11 : i32
    "tpu.region"() ({
      %run_scoped3A = tpu.sem_alloc : memref<!tpu.dma_semaphore, #tpu.memory_space<semaphore_mem>>
      %dma_start3A_113 = arith.constant 0 : i32
      %dma_start3A_114 = tpu.memref_slice %arg2[%add3A_12, %dma_start3A_113] : memref<2560x128xi32, #tpu.memory_space<hbm>> -> memref<40x128xi32, #tpu.memory_space<hbm>>
      %dma_start3A_115 = arith.constant 0 : i32
      %dma_start3A_116 = tpu.memref_slice %arg2[%add3A_12, %dma_start3A_115] : memref<2560x128xi32, #tpu.memory_space<hbm>> -> memref<40x128xi32, #tpu.memory_space<hbm>>
      tpu.enqueue_dma source(%dma_start3A_116 : memref<40x128xi32, #tpu.memory_space<hbm>>) target(%arg6 : memref<40x128xi32, #tpu.memory_space<vmem>>) target_semaphore(%run_scoped3A : memref<!tpu.dma_semaphore, #tpu.memory_space<semaphore_mem>>)
      %dma_wait3A_117 = arith.constant 0 : i32
      %dma_wait3A_118 = tpu.memref_slice %arg2[%add3A_12, %dma_wait3A_117] : memref<2560x128xi32, #tpu.memory_space<hbm>> -> memref<40x128xi32, #tpu.memory_space<hbm>>
      %dma_wait3A_119 = arith.constant 0 : i32
      %dma_wait3A_120 = tpu.memref_slice %arg2[%add3A_12, %dma_wait3A_119] : memref<2560x128xi32, #tpu.memory_space<hbm>> -> memref<40x128xi32, #tpu.memory_space<hbm>>
      tpu.wait_dma2 semaphore(%run_scoped3A : memref<!tpu.dma_semaphore, #tpu.memory_space<semaphore_mem>>) src(%dma_wait3A_120 : memref<40x128xi32, #tpu.memory_space<hbm>>) dst(%arg6 : memref<40x128xi32, #tpu.memory_space<vmem>>)
      tpu.yield
    }) : () -> ()
    %add3A_13 = arith.constant 0 : i32
    %add3A_14 = arith.addi %add3A, %add3A_13 : i32
    "tpu.region"() ({
      %run_scoped3A = tpu.sem_alloc : memref<!tpu.dma_semaphore, #tpu.memory_space<semaphore_mem>>
      %dma_start3A_113 = arith.constant 0 : i32
      %dma_start3A_114 = tpu.memref_slice %arg3[%add3A_14, %dma_start3A_113] : memref<2560x128xi32, #tpu.memory_space<hbm>> -> memref<40x128xi32, #tpu.memory_space<hbm>>
      %dma_start3A_115 = arith.constant 0 : i32
      %dma_start3A_116 = tpu.memref_slice %arg3[%add3A_14, %dma_start3A_115] : memref<2560x128xi32, #tpu.memory_space<hbm>> -> memref<40x128xi32, #tpu.memory_space<hbm>>
      tpu.enqueue_dma source(%dma_start3A_116 : memref<40x128xi32, #tpu.memory_space<hbm>>) target(%arg7 : memref<40x128xi32, #tpu.memory_space<vmem>>) target_semaphore(%run_scoped3A : memref<!tpu.dma_semaphore, #tpu.memory_space<semaphore_mem>>)
      %dma_wait3A_117 = arith.constant 0 : i32
      %dma_wait3A_118 = tpu.memref_slice %arg3[%add3A_14, %dma_wait3A_117] : memref<2560x128xi32, #tpu.memory_space<hbm>> -> memref<40x128xi32, #tpu.memory_space<hbm>>
      %dma_wait3A_119 = arith.constant 0 : i32
      %dma_wait3A_120 = tpu.memref_slice %arg3[%add3A_14, %dma_wait3A_119] : memref<2560x128xi32, #tpu.memory_space<hbm>> -> memref<40x128xi32, #tpu.memory_space<hbm>>
      tpu.wait_dma2 semaphore(%run_scoped3A : memref<!tpu.dma_semaphore, #tpu.memory_space<semaphore_mem>>) src(%dma_wait3A_120 : memref<40x128xi32, #tpu.memory_space<hbm>>) dst(%arg7 : memref<40x128xi32, #tpu.memory_space<vmem>>)
      tpu.yield
    }) : () -> ()
    %dma_start3A = arith.constant 0 : i32
    %dma_start3A_15 = arith.constant 0 : i32
    %dma_start3A_16 = arith.constant 0 : i32
    %dma_start3A_17 = arith.constant 0 : i32
    %dma_start3A_18 = tpu.memref_slice %arg8[%dma_start3A_15, %dma_start3A_16, %dma_start3A_17] : memref<2x128x128xf32, #tpu.memory_space<vmem>> -> memref<1x128x128xf32, #tpu.memory_space<vmem>>
    %dma_start3A_19 = tpu.memref_squeeze %dma_start3A_18 : memref<1x128x128xf32, #tpu.memory_space<vmem>> -> memref<128x128xf32, #tpu.memory_space<vmem>>
    %dma_start3A_20 = arith.constant 0 : i32
    %dma_start3A_21 = tpu.memref_slice %arg6[%dma_start3A, %dma_start3A_20] : memref<40x128xi32, #tpu.memory_space<vmem>> -> memref<1x128xi32, #tpu.memory_space<vmem>>
    %dma_start3A_22 = tpu.memref_squeeze %dma_start3A_21 : memref<1x128xi32, #tpu.memory_space<vmem>> -> memref<128xi32, #tpu.memory_space<vmem>>
    %dma_start3A_23 = arith.constant 0 : i32
    %dma_start3A_24 = arith.constant 0 : i32
    %dma_start3A_25 = tpu.memref_slice %arg4[%dma_start3A_23, %dma_start3A_24] : memref<10000x128xf32, #tpu.memory_space<hbm>> -> memref<10000x128xf32, #tpu.memory_space<hbm>>
    tpu.enqueue_indirect_dma source(%dma_start3A_25 : memref<10000x128xf32, #tpu.memory_space<hbm>>) target(%dma_start3A_19 : memref<128x128xf32, #tpu.memory_space<vmem>>) offsets(%dma_start3A_22 : memref<128xi32, #tpu.memory_space<vmem>>) semaphore(%arg10 : memref<!tpu.dma_semaphore, #tpu.memory_space<semaphore_mem>>)
    %scan3A = arith.constant 0 : i32
    %scan3A_26 = arith.constant 0 : i32
    %scan3A_27 = arith.constant 20 : i32
    %scan3A_28 = arith.addi %scan3A_26, %scan3A_27 : i32
    %scan3A_29 = arith.constant 1 : i32
    %scan3A_30 = scf.for %scan3A_113 = %scan3A_26 to %scan3A_28 step %scan3A_29 iter_args(%scan3A_114 = %scan3A) -> (i32)  : i32 {
      %mul3A_115 = arith.constant 2 : i32
      %mul3A_116 = arith.muli %mul3A_115, %scan3A_113 : i32
      %mul3A_117 = arith.constant 2 : i32
      %mul3A_118 = arith.muli %mul3A_117, %scan3A_113 : i32
      %add3A_119 = arith.constant 1 : i32
      %add3A_120 = arith.addi %mul3A_118, %add3A_119 : i32
      %dma_wait3A_121 = arith.constant 0 : i32
      %dma_wait3A_122 = arith.constant 0 : i32
      %dma_wait3A_123 = arith.constant 0 : i32
      %dma_wait3A_124 = tpu.memref_slice %arg8[%dma_wait3A_121, %dma_wait3A_122, %dma_wait3A_123] : memref<2x128x128xf32, #tpu.memory_space<vmem>> -> memref<1x128x128xf32, #tpu.memory_space<vmem>>
      %dma_wait3A_125 = tpu.memref_squeeze %dma_wait3A_124 : memref<1x128x128xf32, #tpu.memory_space<vmem>> -> memref<128x128xf32, #tpu.memory_space<vmem>>
      %dma_wait3A_126 = arith.constant 0 : i32
      %dma_wait3A_127 = tpu.memref_slice %arg6[%mul3A_116, %dma_wait3A_126] : memref<40x128xi32, #tpu.memory_space<vmem>> -> memref<1x128xi32, #tpu.memory_space<vmem>>
      %dma_wait3A_128 = tpu.memref_squeeze %dma_wait3A_127 : memref<1x128xi32, #tpu.memory_space<vmem>> -> memref<128xi32, #tpu.memory_space<vmem>>
      %dma_wait3A_129 = arith.constant 0 : i32
      %dma_wait3A_130 = arith.constant 0 : i32
      %dma_wait3A_131 = tpu.memref_slice %arg4[%dma_wait3A_129, %dma_wait3A_130] : memref<10000x128xf32, #tpu.memory_space<hbm>> -> memref<10000x128xf32, #tpu.memory_space<hbm>>
      tpu.wait_indirect_dma semaphore(%arg10 : memref<!tpu.dma_semaphore, #tpu.memory_space<semaphore_mem>>) src(%dma_wait3A_131 : memref<10000x128xf32, #tpu.memory_space<hbm>>) dst(%dma_wait3A_125 : memref<128x128xf32, #tpu.memory_space<vmem>>)
      %gt3A = arith.constant 0 : i32
      %gt3A_132 = arith.cmpi sgt, %scan3A_113, %gt3A : i32
      %convert_element_type3A_133 = arith.extui %gt3A_132 : i1 to i32
      %cond3A_134 = arith.constant 0 : i32
      %cond3A_135 = arith.cmpi ne, %convert_element_type3A_133, %cond3A_134 : i32
      scf.if %cond3A_135 {
        %sub3A = arith.constant 2 : i32
        %sub3A_191 = arith.subi %add3A_120, %sub3A : i32
        %dma_wait3A_192 = arith.constant 1 : i32
        %dma_wait3A_193 = arith.constant 0 : i32
        %dma_wait3A_194 = arith.constant 0 : i32
        %dma_wait3A_195 = tpu.memref_slice %arg8[%dma_wait3A_192, %dma_wait3A_193, %dma_wait3A_194] : memref<2x128x128xf32, #tpu.memory_space<vmem>> -> memref<1x128x128xf32, #tpu.memory_space<vmem>>
        %dma_wait3A_196 = tpu.memref_squeeze %dma_wait3A_195 : memref<1x128x128xf32, #tpu.memory_space<vmem>> -> memref<128x128xf32, #tpu.memory_space<vmem>>
        %dma_wait3A_197 = arith.constant 0 : i32
        %dma_wait3A_198 = tpu.memref_slice %arg7[%sub3A_191, %dma_wait3A_197] : memref<40x128xi32, #tpu.memory_space<vmem>> -> memref<1x128xi32, #tpu.memory_space<vmem>>
        %dma_wait3A_199 = tpu.memref_squeeze %dma_wait3A_198 : memref<1x128xi32, #tpu.memory_space<vmem>> -> memref<128xi32, #tpu.memory_space<vmem>>
        %dma_wait3A_200 = arith.constant 0 : i32
        %dma_wait3A_201 = arith.constant 0 : i32
        %dma_wait3A_202 = tpu.memref_slice %arg9[%dma_wait3A_200, %dma_wait3A_201] : memref<10016x128xf32, #tpu.memory_space<vmem_shared>> -> memref<10016x128xf32, #tpu.memory_space<vmem_shared>>
        tpu.wait_indirect_dma semaphore(%arg13 : memref<!tpu.dma_semaphore, #tpu.memory_space<semaphore_mem>>) src(%dma_wait3A_196 : memref<128x128xf32, #tpu.memory_space<vmem>>) dst(%dma_wait3A_202 : memref<10016x128xf32, #tpu.memory_space<vmem_shared>>)
      } else {
      }
      %dma_start3A_136 = arith.constant 1 : i32
      %dma_start3A_137 = arith.constant 0 : i32
      %dma_start3A_138 = arith.constant 0 : i32
      %dma_start3A_139 = tpu.memref_slice %arg8[%dma_start3A_136, %dma_start3A_137, %dma_start3A_138] : memref<2x128x128xf32, #tpu.memory_space<vmem>> -> memref<1x128x128xf32, #tpu.memory_space<vmem>>
      %dma_start3A_140 = tpu.memref_squeeze %dma_start3A_139 : memref<1x128x128xf32, #tpu.memory_space<vmem>> -> memref<128x128xf32, #tpu.memory_space<vmem>>
      %dma_start3A_141 = arith.constant 0 : i32
      %dma_start3A_142 = tpu.memref_slice %arg6[%add3A_120, %dma_start3A_141] : memref<40x128xi32, #tpu.memory_space<vmem>> -> memref<1x128xi32, #tpu.memory_space<vmem>>
      %dma_start3A_143 = tpu.memref_squeeze %dma_start3A_142 : memref<1x128xi32, #tpu.memory_space<vmem>> -> memref<128xi32, #tpu.memory_space<vmem>>
      %dma_start3A_144 = arith.constant 0 : i32
      %dma_start3A_145 = arith.constant 0 : i32
      %dma_start3A_146 = tpu.memref_slice %arg4[%dma_start3A_144, %dma_start3A_145] : memref<10000x128xf32, #tpu.memory_space<hbm>> -> memref<10000x128xf32, #tpu.memory_space<hbm>>
      tpu.enqueue_indirect_dma source(%dma_start3A_146 : memref<10000x128xf32, #tpu.memory_space<hbm>>) target(%dma_start3A_140 : memref<128x128xf32, #tpu.memory_space<vmem>>) offsets(%dma_start3A_143 : memref<128xi32, #tpu.memory_space<vmem>>) semaphore(%arg11 : memref<!tpu.dma_semaphore, #tpu.memory_space<semaphore_mem>>)
      %dma_start3A_147 = arith.constant 0 : i32
      %dma_start3A_148 = arith.constant 0 : i32
      %dma_start3A_149 = arith.constant 0 : i32
      %dma_start3A_150 = tpu.memref_slice %arg8[%dma_start3A_147, %dma_start3A_148, %dma_start3A_149] : memref<2x128x128xf32, #tpu.memory_space<vmem>> -> memref<1x128x128xf32, #tpu.memory_space<vmem>>
      %dma_start3A_151 = tpu.memref_squeeze %dma_start3A_150 : memref<1x128x128xf32, #tpu.memory_space<vmem>> -> memref<128x128xf32, #tpu.memory_space<vmem>>
      %dma_start3A_152 = arith.constant 0 : i32
      %dma_start3A_153 = tpu.memref_slice %arg7[%mul3A_116, %dma_start3A_152] : memref<40x128xi32, #tpu.memory_space<vmem>> -> memref<1x128xi32, #tpu.memory_space<vmem>>
      %dma_start3A_154 = tpu.memref_squeeze %dma_start3A_153 : memref<1x128xi32, #tpu.memory_space<vmem>> -> memref<128xi32, #tpu.memory_space<vmem>>
      %dma_start3A_155 = arith.constant 0 : i32
      %dma_start3A_156 = arith.constant 0 : i32
      %dma_start3A_157 = tpu.memref_slice %arg9[%dma_start3A_155, %dma_start3A_156] : memref<10016x128xf32, #tpu.memory_space<vmem_shared>> -> memref<10016x128xf32, #tpu.memory_space<vmem_shared>>
      tpu.enqueue_indirect_dma source(%dma_start3A_151 : memref<128x128xf32, #tpu.memory_space<vmem>>) target(%dma_start3A_157 : memref<10016x128xf32, #tpu.memory_space<vmem_shared>>) offsets(%dma_start3A_154 : memref<128xi32, #tpu.memory_space<vmem>>) semaphore(%arg12 : memref<!tpu.dma_semaphore, #tpu.memory_space<semaphore_mem>>) {add = true}
      %dma_wait3A_158 = arith.constant 1 : i32
      %dma_wait3A_159 = arith.constant 0 : i32
      %dma_wait3A_160 = arith.constant 0 : i32
      %dma_wait3A_161 = tpu.memref_slice %arg8[%dma_wait3A_158, %dma_wait3A_159, %dma_wait3A_160] : memref<2x128x128xf32, #tpu.memory_space<vmem>> -> memref<1x128x128xf32, #tpu.memory_space<vmem>>
      %dma_wait3A_162 = tpu.memref_squeeze %dma_wait3A_161 : memref<1x128x128xf32, #tpu.memory_space<vmem>> -> memref<128x128xf32, #tpu.memory_space<vmem>>
      %dma_wait3A_163 = arith.constant 0 : i32
      %dma_wait3A_164 = tpu.memref_slice %arg6[%add3A_120, %dma_wait3A_163] : memref<40x128xi32, #tpu.memory_space<vmem>> -> memref<1x128xi32, #tpu.memory_space<vmem>>
      %dma_wait3A_165 = tpu.memref_squeeze %dma_wait3A_164 : memref<1x128xi32, #tpu.memory_space<vmem>> -> memref<128xi32, #tpu.memory_space<vmem>>
      %dma_wait3A_166 = arith.constant 0 : i32
      %dma_wait3A_167 = arith.constant 0 : i32
      %dma_wait3A_168 = tpu.memref_slice %arg4[%dma_wait3A_166, %dma_wait3A_167] : memref<10000x128xf32, #tpu.memory_space<hbm>> -> memref<10000x128xf32, #tpu.memory_space<hbm>>
      tpu.wait_indirect_dma semaphore(%arg11 : memref<!tpu.dma_semaphore, #tpu.memory_space<semaphore_mem>>) src(%dma_wait3A_168 : memref<10000x128xf32, #tpu.memory_space<hbm>>) dst(%dma_wait3A_162 : memref<128x128xf32, #tpu.memory_space<vmem>>)
      %lt3A_169 = arith.constant 19 : i32
      %lt3A_170 = arith.cmpi slt, %scan3A_113, %lt3A_169 : i32
      %convert_element_type3A_171 = arith.extui %lt3A_170 : i1 to i32
      %cond3A_172 = arith.constant 0 : i32
      %cond3A_173 = arith.cmpi ne, %convert_element_type3A_171, %cond3A_172 : i32
      scf.if %cond3A_173 {
        %dma_wait3A_191 = arith.constant 0 : i32
        %dma_wait3A_192 = arith.constant 0 : i32
        %dma_wait3A_193 = arith.constant 0 : i32
        %dma_wait3A_194 = tpu.memref_slice %arg8[%dma_wait3A_191, %dma_wait3A_192, %dma_wait3A_193] : memref<2x128x128xf32, #tpu.memory_space<vmem>> -> memref<1x128x128xf32, #tpu.memory_space<vmem>>
        %dma_wait3A_195 = tpu.memref_squeeze %dma_wait3A_194 : memref<1x128x128xf32, #tpu.memory_space<vmem>> -> memref<128x128xf32, #tpu.memory_space<vmem>>
        %dma_wait3A_196 = arith.constant 0 : i32
        %dma_wait3A_197 = tpu.memref_slice %arg7[%mul3A_116, %dma_wait3A_196] : memref<40x128xi32, #tpu.memory_space<vmem>> -> memref<1x128xi32, #tpu.memory_space<vmem>>
        %dma_wait3A_198 = tpu.memref_squeeze %dma_wait3A_197 : memref<1x128xi32, #tpu.memory_space<vmem>> -> memref<128xi32, #tpu.memory_space<vmem>>
        %dma_wait3A_199 = arith.constant 0 : i32
        %dma_wait3A_200 = arith.constant 0 : i32
        %dma_wait3A_201 = tpu.memref_slice %arg9[%dma_wait3A_199, %dma_wait3A_200] : memref<10016x128xf32, #tpu.memory_space<vmem_shared>> -> memref<10016x128xf32, #tpu.memory_space<vmem_shared>>
        tpu.wait_indirect_dma semaphore(%arg12 : memref<!tpu.dma_semaphore, #tpu.memory_space<semaphore_mem>>) src(%dma_wait3A_195 : memref<128x128xf32, #tpu.memory_space<vmem>>) dst(%dma_wait3A_201 : memref<10016x128xf32, #tpu.memory_space<vmem_shared>>)
      } else {
      }
      %lt3A_174 = arith.constant 19 : i32
      %lt3A_175 = arith.cmpi slt, %scan3A_113, %lt3A_174 : i32
      %convert_element_type3A_176 = arith.extui %lt3A_175 : i1 to i32
      %cond3A_177 = arith.constant 0 : i32
      %cond3A_178 = arith.cmpi ne, %convert_element_type3A_176, %cond3A_177 : i32
      scf.if %cond3A_178 {
        %add3A_191 = arith.constant 2 : i32
        %add3A_192 = arith.addi %mul3A_116, %add3A_191 : i32
        %dma_start3A_193 = arith.constant 0 : i32
        %dma_start3A_194 = arith.constant 0 : i32
        %dma_start3A_195 = arith.constant 0 : i32
        %dma_start3A_196 = tpu.memref_slice %arg8[%dma_start3A_193, %dma_start3A_194, %dma_start3A_195] : memref<2x128x128xf32, #tpu.memory_space<vmem>> -> memref<1x128x128xf32, #tpu.memory_space<vmem>>
        %dma_start3A_197 = tpu.memref_squeeze %dma_start3A_196 : memref<1x128x128xf32, #tpu.memory_space<vmem>> -> memref<128x128xf32, #tpu.memory_space<vmem>>
        %dma_start3A_198 = arith.constant 0 : i32
        %dma_start3A_199 = tpu.memref_slice %arg6[%add3A_192, %dma_start3A_198] : memref<40x128xi32, #tpu.memory_space<vmem>> -> memref<1x128xi32, #tpu.memory_space<vmem>>
        %dma_start3A_200 = tpu.memref_squeeze %dma_start3A_199 : memref<1x128xi32, #tpu.memory_space<vmem>> -> memref<128xi32, #tpu.memory_space<vmem>>
        %dma_start3A_201 = arith.constant 0 : i32
        %dma_start3A_202 = arith.constant 0 : i32
        %dma_start3A_203 = tpu.memref_slice %arg4[%dma_start3A_201, %dma_start3A_202] : memref<10000x128xf32, #tpu.memory_space<hbm>> -> memref<10000x128xf32, #tpu.memory_space<hbm>>
        tpu.enqueue_indirect_dma source(%dma_start3A_203 : memref<10000x128xf32, #tpu.memory_space<hbm>>) target(%dma_start3A_197 : memref<128x128xf32, #tpu.memory_space<vmem>>) offsets(%dma_start3A_200 : memref<128xi32, #tpu.memory_space<vmem>>) semaphore(%arg10 : memref<!tpu.dma_semaphore, #tpu.memory_space<semaphore_mem>>)
      } else {
      }
      %dma_start3A_179 = arith.constant 1 : i32
      %dma_start3A_180 = arith.constant 0 : i32
      %dma_start3A_181 = arith.constant 0 : i32
      %dma_start3A_182 = tpu.memref_slice %arg8[%dma_start3A_179, %dma_start3A_180, %dma_start3A_181] : memref<2x128x128xf32, #tpu.memory_space<vmem>> -> memref<1x128x128xf32, #tpu.memory_space<vmem>>
      %dma_start3A_183 = tpu.memref_squeeze %dma_start3A_182 : memref<1x128x128xf32, #tpu.memory_space<vmem>> -> memref<128x128xf32, #tpu.memory_space<vmem>>
      %dma_start3A_184 = arith.constant 0 : i32
      %dma_start3A_185 = tpu.memref_slice %arg7[%add3A_120, %dma_start3A_184] : memref<40x128xi32, #tpu.memory_space<vmem>> -> memref<1x128xi32, #tpu.memory_space<vmem>>
      %dma_start3A_186 = tpu.memref_squeeze %dma_start3A_185 : memref<1x128xi32, #tpu.memory_space<vmem>> -> memref<128xi32, #tpu.memory_space<vmem>>
      %dma_start3A_187 = arith.constant 0 : i32
      %dma_start3A_188 = arith.constant 0 : i32
      %dma_start3A_189 = tpu.memref_slice %arg9[%dma_start3A_187, %dma_start3A_188] : memref<10016x128xf32, #tpu.memory_space<vmem_shared>> -> memref<10016x128xf32, #tpu.memory_space<vmem_shared>>
      tpu.enqueue_indirect_dma source(%dma_start3A_183 : memref<128x128xf32, #tpu.memory_space<vmem>>) target(%dma_start3A_189 : memref<10016x128xf32, #tpu.memory_space<vmem_shared>>) offsets(%dma_start3A_186 : memref<128xi32, #tpu.memory_space<vmem>>) semaphore(%arg13 : memref<!tpu.dma_semaphore, #tpu.memory_space<semaphore_mem>>) {add = true}
      %scan3A_190 = arith.constant 0 : i32
      scf.yield %scan3A_190 : i32
    }
    %scan3A_31 = arith.constant 20 : i32
    %dma_wait3A = arith.constant 0 : i32
    %dma_wait3A_32 = arith.constant 38 : i32
    %dma_wait3A_33 = arith.constant 0 : i32
    %dma_wait3A_34 = arith.constant 0 : i32
    %dma_wait3A_35 = tpu.memref_slice %arg8[%dma_wait3A, %dma_wait3A_33, %dma_wait3A_34] : memref<2x128x128xf32, #tpu.memory_space<vmem>> -> memref<1x128x128xf32, #tpu.memory_space<vmem>>
    %dma_wait3A_36 = tpu.memref_squeeze %dma_wait3A_35 : memref<1x128x128xf32, #tpu.memory_space<vmem>> -> memref<128x128xf32, #tpu.memory_space<vmem>>
    %dma_wait3A_37 = arith.constant 0 : i32
    %dma_wait3A_38 = tpu.memref_slice %arg7[%dma_wait3A_32, %dma_wait3A_37] : memref<40x128xi32, #tpu.memory_space<vmem>> -> memref<1x128xi32, #tpu.memory_space<vmem>>
    %dma_wait3A_39 = tpu.memref_squeeze %dma_wait3A_38 : memref<1x128xi32, #tpu.memory_space<vmem>> -> memref<128xi32, #tpu.memory_space<vmem>>
    %dma_wait3A_40 = arith.constant 0 : i32
    %dma_wait3A_41 = arith.constant 0 : i32
    %dma_wait3A_42 = tpu.memref_slice %arg9[%dma_wait3A_40, %dma_wait3A_41] : memref<10016x128xf32, #tpu.memory_space<vmem_shared>> -> memref<10016x128xf32, #tpu.memory_space<vmem_shared>>
    tpu.wait_indirect_dma semaphore(%arg12 : memref<!tpu.dma_semaphore, #tpu.memory_space<semaphore_mem>>) src(%dma_wait3A_36 : memref<128x128xf32, #tpu.memory_space<vmem>>) dst(%dma_wait3A_42 : memref<10016x128xf32, #tpu.memory_space<vmem_shared>>)
    %dma_wait3A_43 = arith.constant 1 : i32
    %dma_wait3A_44 = arith.constant 39 : i32
    %dma_wait3A_45 = arith.constant 0 : i32
    %dma_wait3A_46 = arith.constant 0 : i32
    %dma_wait3A_47 = tpu.memref_slice %arg8[%dma_wait3A_43, %dma_wait3A_45, %dma_wait3A_46] : memref<2x128x128xf32, #tpu.memory_space<vmem>> -> memref<1x128x128xf32, #tpu.memory_space<vmem>>
    %dma_wait3A_48 = tpu.memref_squeeze %dma_wait3A_47 : memref<1x128x128xf32, #tpu.memory_space<vmem>> -> memref<128x128xf32, #tpu.memory_space<vmem>>
    %dma_wait3A_49 = arith.constant 0 : i32
    %dma_wait3A_50 = tpu.memref_slice %arg7[%dma_wait3A_44, %dma_wait3A_49] : memref<40x128xi32, #tpu.memory_space<vmem>> -> memref<1x128xi32, #tpu.memory_space<vmem>>
    %dma_wait3A_51 = tpu.memref_squeeze %dma_wait3A_50 : memref<1x128xi32, #tpu.memory_space<vmem>> -> memref<128xi32, #tpu.memory_space<vmem>>
    %dma_wait3A_52 = arith.constant 0 : i32
    %dma_wait3A_53 = arith.constant 0 : i32
    %dma_wait3A_54 = tpu.memref_slice %arg9[%dma_wait3A_52, %dma_wait3A_53] : memref<10016x128xf32, #tpu.memory_space<vmem_shared>> -> memref<10016x128xf32, #tpu.memory_space<vmem_shared>>
    tpu.wait_indirect_dma semaphore(%arg13 : memref<!tpu.dma_semaphore, #tpu.memory_space<semaphore_mem>>) src(%dma_wait3A_48 : memref<128x128xf32, #tpu.memory_space<vmem>>) dst(%dma_wait3A_54 : memref<10016x128xf32, #tpu.memory_space<vmem_shared>>)
    %add3A_55 = arith.constant 40 : i32
    %add3A_56 = arith.addi %add3A, %add3A_55 : i32
    "tpu.region"() ({
      %run_scoped3A = tpu.sem_alloc : memref<!tpu.dma_semaphore, #tpu.memory_space<semaphore_mem>>
      %dma_start3A_113 = arith.constant 0 : i32
      %dma_start3A_114 = tpu.memref_slice %arg2[%add3A_56, %dma_start3A_113] : memref<2560x128xi32, #tpu.memory_space<hbm>> -> memref<40x128xi32, #tpu.memory_space<hbm>>
      %dma_start3A_115 = arith.constant 0 : i32
      %dma_start3A_116 = tpu.memref_slice %arg2[%add3A_56, %dma_start3A_115] : memref<2560x128xi32, #tpu.memory_space<hbm>> -> memref<40x128xi32, #tpu.memory_space<hbm>>
      tpu.enqueue_dma source(%dma_start3A_116 : memref<40x128xi32, #tpu.memory_space<hbm>>) target(%arg6 : memref<40x128xi32, #tpu.memory_space<vmem>>) target_semaphore(%run_scoped3A : memref<!tpu.dma_semaphore, #tpu.memory_space<semaphore_mem>>)
      %dma_wait3A_117 = arith.constant 0 : i32
      %dma_wait3A_118 = tpu.memref_slice %arg2[%add3A_56, %dma_wait3A_117] : memref<2560x128xi32, #tpu.memory_space<hbm>> -> memref<40x128xi32, #tpu.memory_space<hbm>>
      %dma_wait3A_119 = arith.constant 0 : i32
      %dma_wait3A_120 = tpu.memref_slice %arg2[%add3A_56, %dma_wait3A_119] : memref<2560x128xi32, #tpu.memory_space<hbm>> -> memref<40x128xi32, #tpu.memory_space<hbm>>
      tpu.wait_dma2 semaphore(%run_scoped3A : memref<!tpu.dma_semaphore, #tpu.memory_space<semaphore_mem>>) src(%dma_wait3A_120 : memref<40x128xi32, #tpu.memory_space<hbm>>) dst(%arg6 : memref<40x128xi32, #tpu.memory_space<vmem>>)
      tpu.yield
    }) : () -> ()
    %add3A_57 = arith.constant 40 : i32
    %add3A_58 = arith.addi %add3A, %add3A_57 : i32
    "tpu.region"() ({
      %run_scoped3A = tpu.sem_alloc : memref<!tpu.dma_semaphore, #tpu.memory_space<semaphore_mem>>
      %dma_start3A_113 = arith.constant 0 : i32
      %dma_start3A_114 = tpu.memref_slice %arg3[%add3A_58, %dma_start3A_113] : memref<2560x128xi32, #tpu.memory_space<hbm>> -> memref<40x128xi32, #tpu.memory_space<hbm>>
      %dma_start3A_115 = arith.constant 0 : i32
      %dma_start3A_116 = tpu.memref_slice %arg3[%add3A_58, %dma_start3A_115] : memref<2560x128xi32, #tpu.memory_space<hbm>> -> memref<40x128xi32, #tpu.memory_space<hbm>>
      tpu.enqueue_dma source(%dma_start3A_116 : memref<40x128xi32, #tpu.memory_space<hbm>>) target(%arg7 : memref<40x128xi32, #tpu.memory_space<vmem>>) target_semaphore(%run_scoped3A : memref<!tpu.dma_semaphore, #tpu.memory_space<semaphore_mem>>)
      %dma_wait3A_117 = arith.constant 0 : i32
      %dma_wait3A_118 = tpu.memref_slice %arg3[%add3A_58, %dma_wait3A_117] : memref<2560x128xi32, #tpu.memory_space<hbm>> -> memref<40x128xi32, #tpu.memory_space<hbm>>
      %dma_wait3A_119 = arith.constant 0 : i32
      %dma_wait3A_120 = tpu.memref_slice %arg3[%add3A_58, %dma_wait3A_119] : memref<2560x128xi32, #tpu.memory_space<hbm>> -> memref<40x128xi32, #tpu.memory_space<hbm>>
      tpu.wait_dma2 semaphore(%run_scoped3A : memref<!tpu.dma_semaphore, #tpu.memory_space<semaphore_mem>>) src(%dma_wait3A_120 : memref<40x128xi32, #tpu.memory_space<hbm>>) dst(%arg7 : memref<40x128xi32, #tpu.memory_space<vmem>>)
      tpu.yield
    }) : () -> ()
    %dma_start3A_59 = arith.constant 0 : i32
    %dma_start3A_60 = arith.constant 0 : i32
    %dma_start3A_61 = arith.constant 0 : i32
    %dma_start3A_62 = arith.constant 0 : i32
    %dma_start3A_63 = tpu.memref_slice %arg8[%dma_start3A_60, %dma_start3A_61, %dma_start3A_62] : memref<2x128x128xf32, #tpu.memory_space<vmem>> -> memref<1x128x128xf32, #tpu.memory_space<vmem>>
    %dma_start3A_64 = tpu.memref_squeeze %dma_start3A_63 : memref<1x128x128xf32, #tpu.memory_space<vmem>> -> memref<128x128xf32, #tpu.memory_space<vmem>>
    %dma_start3A_65 = arith.constant 0 : i32
    %dma_start3A_66 = tpu.memref_slice %arg6[%dma_start3A_59, %dma_start3A_65] : memref<40x128xi32, #tpu.memory_space<vmem>> -> memref<1x128xi32, #tpu.memory_space<vmem>>
    %dma_start3A_67 = tpu.memref_squeeze %dma_start3A_66 : memref<1x128xi32, #tpu.memory_space<vmem>> -> memref<128xi32, #tpu.memory_space<vmem>>
    %dma_start3A_68 = arith.constant 0 : i32
    %dma_start3A_69 = arith.constant 0 : i32
    %dma_start3A_70 = tpu.memref_slice %arg4[%dma_start3A_68, %dma_start3A_69] : memref<10000x128xf32, #tpu.memory_space<hbm>> -> memref<10000x128xf32, #tpu.memory_space<hbm>>
    tpu.enqueue_indirect_dma source(%dma_start3A_70 : memref<10000x128xf32, #tpu.memory_space<hbm>>) target(%dma_start3A_64 : memref<128x128xf32, #tpu.memory_space<vmem>>) offsets(%dma_start3A_67 : memref<128xi32, #tpu.memory_space<vmem>>) semaphore(%arg10 : memref<!tpu.dma_semaphore, #tpu.memory_space<semaphore_mem>>)
    %scan3A_71 = arith.constant 0 : i32
    %scan3A_72 = arith.constant 0 : i32
    %scan3A_73 = arith.constant 20 : i32
    %scan3A_74 = arith.addi %scan3A_72, %scan3A_73 : i32
    %scan3A_75 = arith.constant 1 : i32
    %scan3A_76 = scf.for %scan3A_113 = %scan3A_72 to %scan3A_74 step %scan3A_75 iter_args(%scan3A_114 = %scan3A_71) -> (i32)  : i32 {
      %mul3A_115 = arith.constant 2 : i32
      %mul3A_116 = arith.muli %mul3A_115, %scan3A_113 : i32
      %mul3A_117 = arith.constant 2 : i32
      %mul3A_118 = arith.muli %mul3A_117, %scan3A_113 : i32
      %add3A_119 = arith.constant 1 : i32
      %add3A_120 = arith.addi %mul3A_118, %add3A_119 : i32
      %dma_wait3A_121 = arith.constant 0 : i32
      %dma_wait3A_122 = arith.constant 0 : i32
      %dma_wait3A_123 = arith.constant 0 : i32
      %dma_wait3A_124 = tpu.memref_slice %arg8[%dma_wait3A_121, %dma_wait3A_122, %dma_wait3A_123] : memref<2x128x128xf32, #tpu.memory_space<vmem>> -> memref<1x128x128xf32, #tpu.memory_space<vmem>>
      %dma_wait3A_125 = tpu.memref_squeeze %dma_wait3A_124 : memref<1x128x128xf32, #tpu.memory_space<vmem>> -> memref<128x128xf32, #tpu.memory_space<vmem>>
      %dma_wait3A_126 = arith.constant 0 : i32
      %dma_wait3A_127 = tpu.memref_slice %arg6[%mul3A_116, %dma_wait3A_126] : memref<40x128xi32, #tpu.memory_space<vmem>> -> memref<1x128xi32, #tpu.memory_space<vmem>>
      %dma_wait3A_128 = tpu.memref_squeeze %dma_wait3A_127 : memref<1x128xi32, #tpu.memory_space<vmem>> -> memref<128xi32, #tpu.memory_space<vmem>>
      %dma_wait3A_129 = arith.constant 0 : i32
      %dma_wait3A_130 = arith.constant 0 : i32
      %dma_wait3A_131 = tpu.memref_slice %arg4[%dma_wait3A_129, %dma_wait3A_130] : memref<10000x128xf32, #tpu.memory_space<hbm>> -> memref<10000x128xf32, #tpu.memory_space<hbm>>
      tpu.wait_indirect_dma semaphore(%arg10 : memref<!tpu.dma_semaphore, #tpu.memory_space<semaphore_mem>>) src(%dma_wait3A_131 : memref<10000x128xf32, #tpu.memory_space<hbm>>) dst(%dma_wait3A_125 : memref<128x128xf32, #tpu.memory_space<vmem>>)
      %gt3A = arith.constant 0 : i32
      %gt3A_132 = arith.cmpi sgt, %scan3A_113, %gt3A : i32
      %convert_element_type3A_133 = arith.extui %gt3A_132 : i1 to i32
      %cond3A_134 = arith.constant 0 : i32
      %cond3A_135 = arith.cmpi ne, %convert_element_type3A_133, %cond3A_134 : i32
      scf.if %cond3A_135 {
        %sub3A = arith.constant 2 : i32
        %sub3A_191 = arith.subi %add3A_120, %sub3A : i32
        %dma_wait3A_192 = arith.constant 1 : i32
        %dma_wait3A_193 = arith.constant 0 : i32
        %dma_wait3A_194 = arith.constant 0 : i32
        %dma_wait3A_195 = tpu.memref_slice %arg8[%dma_wait3A_192, %dma_wait3A_193, %dma_wait3A_194] : memref<2x128x128xf32, #tpu.memory_space<vmem>> -> memref<1x128x128xf32, #tpu.memory_space<vmem>>
        %dma_wait3A_196 = tpu.memref_squeeze %dma_wait3A_195 : memref<1x128x128xf32, #tpu.memory_space<vmem>> -> memref<128x128xf32, #tpu.memory_space<vmem>>
        %dma_wait3A_197 = arith.constant 0 : i32
        %dma_wait3A_198 = tpu.memref_slice %arg7[%sub3A_191, %dma_wait3A_197] : memref<40x128xi32, #tpu.memory_space<vmem>> -> memref<1x128xi32, #tpu.memory_space<vmem>>
        %dma_wait3A_199 = tpu.memref_squeeze %dma_wait3A_198 : memref<1x128xi32, #tpu.memory_space<vmem>> -> memref<128xi32, #tpu.memory_space<vmem>>
        %dma_wait3A_200 = arith.constant 0 : i32
        %dma_wait3A_201 = arith.constant 0 : i32
        %dma_wait3A_202 = tpu.memref_slice %arg9[%dma_wait3A_200, %dma_wait3A_201] : memref<10016x128xf32, #tpu.memory_space<vmem_shared>> -> memref<10016x128xf32, #tpu.memory_space<vmem_shared>>
        tpu.wait_indirect_dma semaphore(%arg13 : memref<!tpu.dma_semaphore, #tpu.memory_space<semaphore_mem>>) src(%dma_wait3A_196 : memref<128x128xf32, #tpu.memory_space<vmem>>) dst(%dma_wait3A_202 : memref<10016x128xf32, #tpu.memory_space<vmem_shared>>)
      } else {
      }
      %dma_start3A_136 = arith.constant 1 : i32
      %dma_start3A_137 = arith.constant 0 : i32
      %dma_start3A_138 = arith.constant 0 : i32
      %dma_start3A_139 = tpu.memref_slice %arg8[%dma_start3A_136, %dma_start3A_137, %dma_start3A_138] : memref<2x128x128xf32, #tpu.memory_space<vmem>> -> memref<1x128x128xf32, #tpu.memory_space<vmem>>
      %dma_start3A_140 = tpu.memref_squeeze %dma_start3A_139 : memref<1x128x128xf32, #tpu.memory_space<vmem>> -> memref<128x128xf32, #tpu.memory_space<vmem>>
      %dma_start3A_141 = arith.constant 0 : i32
      %dma_start3A_142 = tpu.memref_slice %arg6[%add3A_120, %dma_start3A_141] : memref<40x128xi32, #tpu.memory_space<vmem>> -> memref<1x128xi32, #tpu.memory_space<vmem>>
      %dma_start3A_143 = tpu.memref_squeeze %dma_start3A_142 : memref<1x128xi32, #tpu.memory_space<vmem>> -> memref<128xi32, #tpu.memory_space<vmem>>
      %dma_start3A_144 = arith.constant 0 : i32
      %dma_start3A_145 = arith.constant 0 : i32
      %dma_start3A_146 = tpu.memref_slice %arg4[%dma_start3A_144, %dma_start3A_145] : memref<10000x128xf32, #tpu.memory_space<hbm>> -> memref<10000x128xf32, #tpu.memory_space<hbm>>
      tpu.enqueue_indirect_dma source(%dma_start3A_146 : memref<10000x128xf32, #tpu.memory_space<hbm>>) target(%dma_start3A_140 : memref<128x128xf32, #tpu.memory_space<vmem>>) offsets(%dma_start3A_143 : memref<128xi32, #tpu.memory_space<vmem>>) semaphore(%arg11 : memref<!tpu.dma_semaphore, #tpu.memory_space<semaphore_mem>>)
      %dma_start3A_147 = arith.constant 0 : i32
      %dma_start3A_148 = arith.constant 0 : i32
      %dma_start3A_149 = arith.constant 0 : i32
      %dma_start3A_150 = tpu.memref_slice %arg8[%dma_start3A_147, %dma_start3A_148, %dma_start3A_149] : memref<2x128x128xf32, #tpu.memory_space<vmem>> -> memref<1x128x128xf32, #tpu.memory_space<vmem>>
      %dma_start3A_151 = tpu.memref_squeeze %dma_start3A_150 : memref<1x128x128xf32, #tpu.memory_space<vmem>> -> memref<128x128xf32, #tpu.memory_space<vmem>>
      %dma_start3A_152 = arith.constant 0 : i32
      %dma_start3A_153 = tpu.memref_slice %arg7[%mul3A_116, %dma_start3A_152] : memref<40x128xi32, #tpu.memory_space<vmem>> -> memref<1x128xi32, #tpu.memory_space<vmem>>
      %dma_start3A_154 = tpu.memref_squeeze %dma_start3A_153 : memref<1x128xi32, #tpu.memory_space<vmem>> -> memref<128xi32, #tpu.memory_space<vmem>>
      %dma_start3A_155 = arith.constant 0 : i32
      %dma_start3A_156 = arith.constant 0 : i32
      %dma_start3A_157 = tpu.memref_slice %arg9[%dma_start3A_155, %dma_start3A_156] : memref<10016x128xf32, #tpu.memory_space<vmem_shared>> -> memref<10016x128xf32, #tpu.memory_space<vmem_shared>>
      tpu.enqueue_indirect_dma source(%dma_start3A_151 : memref<128x128xf32, #tpu.memory_space<vmem>>) target(%dma_start3A_157 : memref<10016x128xf32, #tpu.memory_space<vmem_shared>>) offsets(%dma_start3A_154 : memref<128xi32, #tpu.memory_space<vmem>>) semaphore(%arg12 : memref<!tpu.dma_semaphore, #tpu.memory_space<semaphore_mem>>) {add = true}
      %dma_wait3A_158 = arith.constant 1 : i32
      %dma_wait3A_159 = arith.constant 0 : i32
      %dma_wait3A_160 = arith.constant 0 : i32
      %dma_wait3A_161 = tpu.memref_slice %arg8[%dma_wait3A_158, %dma_wait3A_159, %dma_wait3A_160] : memref<2x128x128xf32, #tpu.memory_space<vmem>> -> memref<1x128x128xf32, #tpu.memory_space<vmem>>
      %dma_wait3A_162 = tpu.memref_squeeze %dma_wait3A_161 : memref<1x128x128xf32, #tpu.memory_space<vmem>> -> memref<128x128xf32, #tpu.memory_space<vmem>>
      %dma_wait3A_163 = arith.constant 0 : i32
      %dma_wait3A_164 = tpu.memref_slice %arg6[%add3A_120, %dma_wait3A_163] : memref<40x128xi32, #tpu.memory_space<vmem>> -> memref<1x128xi32, #tpu.memory_space<vmem>>
      %dma_wait3A_165 = tpu.memref_squeeze %dma_wait3A_164 : memref<1x128xi32, #tpu.memory_space<vmem>> -> memref<128xi32, #tpu.memory_space<vmem>>
      %dma_wait3A_166 = arith.constant 0 : i32
      %dma_wait3A_167 = arith.constant 0 : i32
      %dma_wait3A_168 = tpu.memref_slice %arg4[%dma_wait3A_166, %dma_wait3A_167] : memref<10000x128xf32, #tpu.memory_space<hbm>> -> memref<10000x128xf32, #tpu.memory_space<hbm>>
      tpu.wait_indirect_dma semaphore(%arg11 : memref<!tpu.dma_semaphore, #tpu.memory_space<semaphore_mem>>) src(%dma_wait3A_168 : memref<10000x128xf32, #tpu.memory_space<hbm>>) dst(%dma_wait3A_162 : memref<128x128xf32, #tpu.memory_space<vmem>>)
      %lt3A_169 = arith.constant 19 : i32
      %lt3A_170 = arith.cmpi slt, %scan3A_113, %lt3A_169 : i32
      %convert_element_type3A_171 = arith.extui %lt3A_170 : i1 to i32
      %cond3A_172 = arith.constant 0 : i32
      %cond3A_173 = arith.cmpi ne, %convert_element_type3A_171, %cond3A_172 : i32
      scf.if %cond3A_173 {
        %dma_wait3A_191 = arith.constant 0 : i32
        %dma_wait3A_192 = arith.constant 0 : i32
        %dma_wait3A_193 = arith.constant 0 : i32
        %dma_wait3A_194 = tpu.memref_slice %arg8[%dma_wait3A_191, %dma_wait3A_192, %dma_wait3A_193] : memref<2x128x128xf32, #tpu.memory_space<vmem>> -> memref<1x128x128xf32, #tpu.memory_space<vmem>>
        %dma_wait3A_195 = tpu.memref_squeeze %dma_wait3A_194 : memref<1x128x128xf32, #tpu.memory_space<vmem>> -> memref<128x128xf32, #tpu.memory_space<vmem>>
        %dma_wait3A_196 = arith.constant 0 : i32
        %dma_wait3A_197 = tpu.memref_slice %arg7[%mul3A_116, %dma_wait3A_196] : memref<40x128xi32, #tpu.memory_space<vmem>> -> memref<1x128xi32, #tpu.memory_space<vmem>>
        %dma_wait3A_198 = tpu.memref_squeeze %dma_wait3A_197 : memref<1x128xi32, #tpu.memory_space<vmem>> -> memref<128xi32, #tpu.memory_space<vmem>>
        %dma_wait3A_199 = arith.constant 0 : i32
        %dma_wait3A_200 = arith.constant 0 : i32
        %dma_wait3A_201 = tpu.memref_slice %arg9[%dma_wait3A_199, %dma_wait3A_200] : memref<10016x128xf32, #tpu.memory_space<vmem_shared>> -> memref<10016x128xf32, #tpu.memory_space<vmem_shared>>
        tpu.wait_indirect_dma semaphore(%arg12 : memref<!tpu.dma_semaphore, #tpu.memory_space<semaphore_mem>>) src(%dma_wait3A_195 : memref<128x128xf32, #tpu.memory_space<vmem>>) dst(%dma_wait3A_201 : memref<10016x128xf32, #tpu.memory_space<vmem_shared>>)
      } else {
      }
      %lt3A_174 = arith.constant 19 : i32
      %lt3A_175 = arith.cmpi slt, %scan3A_113, %lt3A_174 : i32
      %convert_element_type3A_176 = arith.extui %lt3A_175 : i1 to i32
      %cond3A_177 = arith.constant 0 : i32
      %cond3A_178 = arith.cmpi ne, %convert_element_type3A_176, %cond3A_177 : i32
      scf.if %cond3A_178 {
        %add3A_191 = arith.constant 2 : i32
        %add3A_192 = arith.addi %mul3A_116, %add3A_191 : i32
        %dma_start3A_193 = arith.constant 0 : i32
        %dma_start3A_194 = arith.constant 0 : i32
        %dma_start3A_195 = arith.constant 0 : i32
        %dma_start3A_196 = tpu.memref_slice %arg8[%dma_start3A_193, %dma_start3A_194, %dma_start3A_195] : memref<2x128x128xf32, #tpu.memory_space<vmem>> -> memref<1x128x128xf32, #tpu.memory_space<vmem>>
        %dma_start3A_197 = tpu.memref_squeeze %dma_start3A_196 : memref<1x128x128xf32, #tpu.memory_space<vmem>> -> memref<128x128xf32, #tpu.memory_space<vmem>>
        %dma_start3A_198 = arith.constant 0 : i32
        %dma_start3A_199 = tpu.memref_slice %arg6[%add3A_192, %dma_start3A_198] : memref<40x128xi32, #tpu.memory_space<vmem>> -> memref<1x128xi32, #tpu.memory_space<vmem>>
        %dma_start3A_200 = tpu.memref_squeeze %dma_start3A_199 : memref<1x128xi32, #tpu.memory_space<vmem>> -> memref<128xi32, #tpu.memory_space<vmem>>
        %dma_start3A_201 = arith.constant 0 : i32
        %dma_start3A_202 = arith.constant 0 : i32
        %dma_start3A_203 = tpu.memref_slice %arg4[%dma_start3A_201, %dma_start3A_202] : memref<10000x128xf32, #tpu.memory_space<hbm>> -> memref<10000x128xf32, #tpu.memory_space<hbm>>
        tpu.enqueue_indirect_dma source(%dma_start3A_203 : memref<10000x128xf32, #tpu.memory_space<hbm>>) target(%dma_start3A_197 : memref<128x128xf32, #tpu.memory_space<vmem>>) offsets(%dma_start3A_200 : memref<128xi32, #tpu.memory_space<vmem>>) semaphore(%arg10 : memref<!tpu.dma_semaphore, #tpu.memory_space<semaphore_mem>>)
      } else {
      }
      %dma_start3A_179 = arith.constant 1 : i32
      %dma_start3A_180 = arith.constant 0 : i32
      %dma_start3A_181 = arith.constant 0 : i32
      %dma_start3A_182 = tpu.memref_slice %arg8[%dma_start3A_179, %dma_start3A_180, %dma_start3A_181] : memref<2x128x128xf32, #tpu.memory_space<vmem>> -> memref<1x128x128xf32, #tpu.memory_space<vmem>>
      %dma_start3A_183 = tpu.memref_squeeze %dma_start3A_182 : memref<1x128x128xf32, #tpu.memory_space<vmem>> -> memref<128x128xf32, #tpu.memory_space<vmem>>
      %dma_start3A_184 = arith.constant 0 : i32
      %dma_start3A_185 = tpu.memref_slice %arg7[%add3A_120, %dma_start3A_184] : memref<40x128xi32, #tpu.memory_space<vmem>> -> memref<1x128xi32, #tpu.memory_space<vmem>>
      %dma_start3A_186 = tpu.memref_squeeze %dma_start3A_185 : memref<1x128xi32, #tpu.memory_space<vmem>> -> memref<128xi32, #tpu.memory_space<vmem>>
      %dma_start3A_187 = arith.constant 0 : i32
      %dma_start3A_188 = arith.constant 0 : i32
      %dma_start3A_189 = tpu.memref_slice %arg9[%dma_start3A_187, %dma_start3A_188] : memref<10016x128xf32, #tpu.memory_space<vmem_shared>> -> memref<10016x128xf32, #tpu.memory_space<vmem_shared>>
      tpu.enqueue_indirect_dma source(%dma_start3A_183 : memref<128x128xf32, #tpu.memory_space<vmem>>) target(%dma_start3A_189 : memref<10016x128xf32, #tpu.memory_space<vmem_shared>>) offsets(%dma_start3A_186 : memref<128xi32, #tpu.memory_space<vmem>>) semaphore(%arg13 : memref<!tpu.dma_semaphore, #tpu.memory_space<semaphore_mem>>) {add = true}
      %scan3A_190 = arith.constant 0 : i32
      scf.yield %scan3A_190 : i32
    }
    %scan3A_77 = arith.constant 20 : i32
    %dma_wait3A_78 = arith.constant 0 : i32
    %dma_wait3A_79 = arith.constant 38 : i32
    %dma_wait3A_80 = arith.constant 0 : i32
    %dma_wait3A_81 = arith.constant 0 : i32
    %dma_wait3A_82 = tpu.memref_slice %arg8[%dma_wait3A_78, %dma_wait3A_80, %dma_wait3A_81] : memref<2x128x128xf32, #tpu.memory_space<vmem>> -> memref<1x128x128xf32, #tpu.memory_space<vmem>>
    %dma_wait3A_83 = tpu.memref_squeeze %dma_wait3A_82 : memref<1x128x128xf32, #tpu.memory_space<vmem>> -> memref<128x128xf32, #tpu.memory_space<vmem>>
    %dma_wait3A_84 = arith.constant 0 : i32
    %dma_wait3A_85 = tpu.memref_slice %arg7[%dma_wait3A_79, %dma_wait3A_84] : memref<40x128xi32, #tpu.memory_space<vmem>> -> memref<1x128xi32, #tpu.memory_space<vmem>>
    %dma_wait3A_86 = tpu.memref_squeeze %dma_wait3A_85 : memref<1x128xi32, #tpu.memory_space<vmem>> -> memref<128xi32, #tpu.memory_space<vmem>>
    %dma_wait3A_87 = arith.constant 0 : i32
    %dma_wait3A_88 = arith.constant 0 : i32
    %dma_wait3A_89 = tpu.memref_slice %arg9[%dma_wait3A_87, %dma_wait3A_88] : memref<10016x128xf32, #tpu.memory_space<vmem_shared>> -> memref<10016x128xf32, #tpu.memory_space<vmem_shared>>
    tpu.wait_indirect_dma semaphore(%arg12 : memref<!tpu.dma_semaphore, #tpu.memory_space<semaphore_mem>>) src(%dma_wait3A_83 : memref<128x128xf32, #tpu.memory_space<vmem>>) dst(%dma_wait3A_89 : memref<10016x128xf32, #tpu.memory_space<vmem_shared>>)
    %dma_wait3A_90 = arith.constant 1 : i32
    %dma_wait3A_91 = arith.constant 39 : i32
    %dma_wait3A_92 = arith.constant 0 : i32
    %dma_wait3A_93 = arith.constant 0 : i32
    %dma_wait3A_94 = tpu.memref_slice %arg8[%dma_wait3A_90, %dma_wait3A_92, %dma_wait3A_93] : memref<2x128x128xf32, #tpu.memory_space<vmem>> -> memref<1x128x128xf32, #tpu.memory_space<vmem>>
    %dma_wait3A_95 = tpu.memref_squeeze %dma_wait3A_94 : memref<1x128x128xf32, #tpu.memory_space<vmem>> -> memref<128x128xf32, #tpu.memory_space<vmem>>
    %dma_wait3A_96 = arith.constant 0 : i32
    %dma_wait3A_97 = tpu.memref_slice %arg7[%dma_wait3A_91, %dma_wait3A_96] : memref<40x128xi32, #tpu.memory_space<vmem>> -> memref<1x128xi32, #tpu.memory_space<vmem>>
    %dma_wait3A_98 = tpu.memref_squeeze %dma_wait3A_97 : memref<1x128xi32, #tpu.memory_space<vmem>> -> memref<128xi32, #tpu.memory_space<vmem>>
    %dma_wait3A_99 = arith.constant 0 : i32
    %dma_wait3A_100 = arith.constant 0 : i32
    %dma_wait3A_101 = tpu.memref_slice %arg9[%dma_wait3A_99, %dma_wait3A_100] : memref<10016x128xf32, #tpu.memory_space<vmem_shared>> -> memref<10016x128xf32, #tpu.memory_space<vmem_shared>>
    tpu.wait_indirect_dma semaphore(%arg13 : memref<!tpu.dma_semaphore, #tpu.memory_space<semaphore_mem>>) src(%dma_wait3A_95 : memref<128x128xf32, #tpu.memory_space<vmem>>) dst(%dma_wait3A_101 : memref<10016x128xf32, #tpu.memory_space<vmem_shared>>)
    %barrier3A_102 = arith.constant 0 : index
    tpu.barrier barrier_id(%barrier3A_102)
    %lt3A_103 = arith.constant 15 : i32
    %lt3A_104 = arith.cmpi slt, %arg1, %lt3A_103 : i32
    %convert_element_type3A_105 = arith.extui %lt3A_104 : i1 to i32
    %cond3A_106 = arith.constant 0 : i32
    %cond3A_107 = arith.cmpi ne, %convert_element_type3A_105, %cond3A_106 : i32
    scf.if %cond3A_107 {
      "tpu.region"() ({
        %run_scoped3A = tpu.sem_alloc : memref<!tpu.dma_semaphore, #tpu.memory_space<semaphore_mem>>
        %dma_start3A_113 = arith.constant 0 : i32
        %dma_start3A_114 = tpu.memref_slice %arg5[%arg0, %mul3A_0, %dma_start3A_113] : memref<2x10000x128xf32, #tpu.memory_space<hbm>> -> memref<1x624x128xf32, #tpu.memory_space<hbm>>
        %dma_start3A_115 = tpu.memref_squeeze %dma_start3A_114 : memref<1x624x128xf32, #tpu.memory_space<hbm>> -> memref<624x128xf32, #tpu.memory_space<hbm>>
        %dma_start3A_116 = arith.constant 0 : i32
        %dma_start3A_117 = tpu.memref_slice %arg9[%mul3A_0, %dma_start3A_116] : memref<10016x128xf32, #tpu.memory_space<vmem_shared>> -> memref<624x128xf32, #tpu.memory_space<vmem_shared>>
        tpu.enqueue_dma source(%dma_start3A_117 : memref<624x128xf32, #tpu.memory_space<vmem_shared>>) target(%dma_start3A_115 : memref<624x128xf32, #tpu.memory_space<hbm>>) target_semaphore(%run_scoped3A : memref<!tpu.dma_semaphore, #tpu.memory_space<semaphore_mem>>)
        %dma_wait3A_118 = arith.constant 0 : i32
        %dma_wait3A_119 = tpu.memref_slice %arg5[%arg0, %mul3A_0, %dma_wait3A_118] : memref<2x10000x128xf32, #tpu.memory_space<hbm>> -> memref<1x624x128xf32, #tpu.memory_space<hbm>>
        %dma_wait3A_120 = tpu.memref_squeeze %dma_wait3A_119 : memref<1x624x128xf32, #tpu.memory_space<hbm>> -> memref<624x128xf32, #tpu.memory_space<hbm>>
        %dma_wait3A_121 = arith.constant 0 : i32
        %dma_wait3A_122 = tpu.memref_slice %arg9[%mul3A_0, %dma_wait3A_121] : memref<10016x128xf32, #tpu.memory_space<vmem_shared>> -> memref<624x128xf32, #tpu.memory_space<vmem_shared>>
        tpu.wait_dma2 semaphore(%run_scoped3A : memref<!tpu.dma_semaphore, #tpu.memory_space<semaphore_mem>>) src(%dma_wait3A_122 : memref<624x128xf32, #tpu.memory_space<vmem_shared>>) dst(%dma_wait3A_120 : memref<624x128xf32, #tpu.memory_space<hbm>>)
        tpu.yield
      }) : () -> ()
    } else {
    }
    %eq3A_108 = arith.constant 15 : i32
    %eq3A_109 = arith.cmpi eq, %arg1, %eq3A_108 : i32
    %convert_element_type3A_110 = arith.extui %eq3A_109 : i1 to i32
    %cond3A_111 = arith.constant 0 : i32
    %cond3A_112 = arith.cmpi ne, %convert_element_type3A_110, %cond3A_111 : i32
    scf.if %cond3A_112 {
      "tpu.region"() ({
        %run_scoped3A = tpu.sem_alloc : memref<!tpu.dma_semaphore, #tpu.memory_space<semaphore_mem>>
        %dma_start3A_113 = arith.constant 9360 : i32
        %dma_start3A_114 = arith.constant 0 : i32
        %dma_start3A_115 = tpu.memref_slice %arg5[%arg0, %dma_start3A_113, %dma_start3A_114] : memref<2x10000x128xf32, #tpu.memory_space<hbm>> -> memref<1x640x128xf32, #tpu.memory_space<hbm>>
        %dma_start3A_116 = tpu.memref_squeeze %dma_start3A_115 : memref<1x640x128xf32, #tpu.memory_space<hbm>> -> memref<640x128xf32, #tpu.memory_space<hbm>>
        %dma_start3A_117 = arith.constant 9360 : i32
        %dma_start3A_118 = arith.constant 0 : i32
        %dma_start3A_119 = tpu.memref_slice %arg9[%dma_start3A_117, %dma_start3A_118] : memref<10016x128xf32, #tpu.memory_space<vmem_shared>> -> memref<640x128xf32, #tpu.memory_space<vmem_shared>>
        tpu.enqueue_dma source(%dma_start3A_119 : memref<640x128xf32, #tpu.memory_space<vmem_shared>>) target(%dma_start3A_116 : memref<640x128xf32, #tpu.memory_space<hbm>>) target_semaphore(%run_scoped3A : memref<!tpu.dma_semaphore, #tpu.memory_space<semaphore_mem>>)
        %dma_wait3A_120 = arith.constant 9360 : i32
        %dma_wait3A_121 = arith.constant 0 : i32
        %dma_wait3A_122 = tpu.memref_slice %arg5[%arg0, %dma_wait3A_120, %dma_wait3A_121] : memref<2x10000x128xf32, #tpu.memory_space<hbm>> -> memref<1x640x128xf32, #tpu.memory_space<hbm>>
        %dma_wait3A_123 = tpu.memref_squeeze %dma_wait3A_122 : memref<1x640x128xf32, #tpu.memory_space<hbm>> -> memref<640x128xf32, #tpu.memory_space<hbm>>
        %dma_wait3A_124 = arith.constant 9360 : i32
        %dma_wait3A_125 = arith.constant 0 : i32
        %dma_wait3A_126 = tpu.memref_slice %arg9[%dma_wait3A_124, %dma_wait3A_125] : memref<10016x128xf32, #tpu.memory_space<vmem_shared>> -> memref<640x128xf32, #tpu.memory_space<vmem_shared>>
        tpu.wait_dma2 semaphore(%run_scoped3A : memref<!tpu.dma_semaphore, #tpu.memory_space<semaphore_mem>>) src(%dma_wait3A_126 : memref<640x128xf32, #tpu.memory_space<vmem_shared>>) dst(%dma_wait3A_123 : memref<640x128xf32, #tpu.memory_space<hbm>>)
        tpu.yield
      }) : () -> ()
    } else {
    }
    return
  }
}

module attributes {stable_mosaic.version = 14 : i64} {
  func.func @_tc_first_body(%arg0: i32, %arg1: memref<400x128xf32, #tpu.memory_space<vmem>>, %arg2: memref<32x400x1xf32, #tpu.memory_space<vmem>>, %arg3: memref<128x128xf32, #tpu.memory_space<vmem>>, %arg4: memref<400x128xf32, #tpu.memory_space<vmem>>, %arg5: memref<400x1xf32, #tpu.memory_space<vmem>>) attributes {dimension_semantics = [#tpu.dimension_semantics<arbitrary>], iteration_bounds = array<i64: 25>, scalar_prefetch = 0 : i64, scratch_operands = 0 : i64, tpu.core_type = #tpu.core_type<tc>, window_params = [{transform_indices = @transform_0, window_bounds = array<i64: 400, 128>}, {transform_indices = @transform_1, window_bounds = array<i64: 32, 400, 1>}, {pipeline_mode = #tpu.pipeline_mode<synchronous>, transform_indices = @transform_2, window_bounds = array<i64: 128, 128>}, {transform_indices = @transform_3, window_bounds = array<i64: 400, 128>}, {transform_indices = @transform_4, window_bounds = array<i64: 400, 1>}]} {
    %get3A = arith.constant 0 : index
    %get3A_0 = arith.constant 0 : index
    %get3A_1 = arith.constant 0 : index
    %get3A_2 = vector.load %arg2[%get3A, %get3A_0, %get3A_1] : memref<32x400x1xf32, #tpu.memory_space<vmem>>, vector<32x400x1xf32>
    %reduce_sum3A = arith.constant dense<0.000000e+00> : vector<400x1xf32>
    %reduce_sum3A_3 = vector.multi_reduction <add>, %get3A_2, %reduce_sum3A [0] : vector<32x400x1xf32> to vector<400x1xf32>
    %add3A = arith.constant 1.000000e+00 : f32
    %add3A_4 = vector.broadcast %add3A : f32 to vector<400x1xf32>
    %add3A_5 = arith.addf %reduce_sum3A_3, %add3A_4 : vector<400x1xf32>
    %rsqrt3A = math.rsqrt %add3A_5 : vector<400x1xf32>
    %get3A_6 = arith.constant 0 : index
    %get3A_7 = arith.constant 0 : index
    %get3A_8 = vector.load %arg1[%get3A_6, %get3A_7] : memref<400x128xf32, #tpu.memory_space<vmem>>, vector<400x128xf32>
    %get3A_9 = arith.constant 0 : index
    %get3A_10 = arith.constant 0 : index
    %get3A_11 = vector.load %arg3[%get3A_9, %get3A_10] : memref<128x128xf32, #tpu.memory_space<vmem>>, vector<128x128xf32>
    %dot_general3A = arith.constant dense<0.000000e+00> : vector<400x128xf32>
    %dot_general3A_12 = tpu.matmul %get3A_8, %get3A_11, %dot_general3A {dimension_numbers = #tpu.dot_dimension_numbers<[1], [0], [0], [1], [0, 0, 1, 1], [], []>, transpose_lhs_hint = false} : vector<400x128xf32>, vector<128x128xf32>, vector<400x128xf32> -> vector<400x128xf32>
    %mul3A = vector.broadcast %rsqrt3A : vector<400x1xf32> to vector<400x128xf32>
    %mul3A_13 = arith.mulf %dot_general3A_12, %mul3A : vector<400x128xf32>
    %swap3A = arith.constant 0 : index
    %swap3A_14 = arith.constant 0 : index
    %swap3A_15 = vector.load %arg4[%swap3A, %swap3A_14] : memref<400x128xf32, #tpu.memory_space<vmem>>, vector<400x128xf32>
    tpu.vector_store %arg4[%swap3A, %swap3A_14], %mul3A_13 {strides = array<i32>} : memref<400x128xf32, #tpu.memory_space<vmem>>, vector<400x128xf32>,
    %swap3A_16 = arith.constant 0 : index
    %swap3A_17 = arith.constant 0 : index
    %swap3A_18 = vector.load %arg5[%swap3A_16, %swap3A_17] : memref<400x1xf32, #tpu.memory_space<vmem>>, vector<400x1xf32>
    tpu.vector_store %arg5[%swap3A_16, %swap3A_17], %rsqrt3A {strides = array<i32>} : memref<400x1xf32, #tpu.memory_space<vmem>>, vector<400x1xf32>,
    return
  }
  func.func @transform_0(%arg0: i32) -> (i32, i32) {
    %c0_i32 = arith.constant 0 : i32
    %c0_i32_0 = arith.constant 0 : i32
    return %arg0, %c0_i32 : i32, i32
  }
  func.func @transform_1(%arg0: i32) -> (i32, i32, i32) {
    %c0_i32 = arith.constant 0 : i32
    %c0_i32_0 = arith.constant 0 : i32
    %c0_i32_1 = arith.constant 0 : i32
    return %c0_i32, %arg0, %c0_i32_0 : i32, i32, i32
  }
  func.func @transform_2(%arg0: i32) -> (i32, i32) {
    %c0_i32 = arith.constant 0 : i32
    %c0_i32_0 = arith.constant 0 : i32
    %c0_i32_1 = arith.constant 0 : i32
    return %c0_i32, %c0_i32_0 : i32, i32
  }
  func.func @transform_3(%arg0: i32) -> (i32, i32) {
    %c0_i32 = arith.constant 0 : i32
    %c0_i32_0 = arith.constant 0 : i32
    return %arg0, %c0_i32 : i32, i32
  }
  func.func @transform_4(%arg0: i32) -> (i32, i32) {
    %c0_i32 = arith.constant 0 : i32
    %c0_i32_0 = arith.constant 0 : i32
    return %arg0, %c0_i32 : i32, i32
  }
}

module attributes {stable_mosaic.version = 14 : i64} {
  func.func @_tc_mid_body(%arg0: i32, %arg1: memref<2x400x128xf32, #tpu.memory_space<vmem>>, %arg2: memref<400x128xf32, #tpu.memory_space<vmem>>, %arg3: memref<400x1xf32, #tpu.memory_space<vmem>>, %arg4: memref<1x128xf32, #tpu.memory_space<vmem>>, %arg5: memref<128x128xf32, #tpu.memory_space<vmem>>, %arg6: memref<400x128xf32, #tpu.memory_space<vmem>>) attributes {dimension_semantics = [#tpu.dimension_semantics<arbitrary>], iteration_bounds = array<i64: 25>, scalar_prefetch = 0 : i64, scratch_operands = 0 : i64, tpu.core_type = #tpu.core_type<tc>, window_params = [{transform_indices = @transform_0, window_bounds = array<i64: 2, 400, 128>}, {transform_indices = @transform_1, window_bounds = array<i64: 400, 128>}, {transform_indices = @transform_2, window_bounds = array<i64: 400, 1>}, {pipeline_mode = #tpu.pipeline_mode<synchronous>, transform_indices = @transform_3, window_bounds = array<i64: 1, 128>}, {pipeline_mode = #tpu.pipeline_mode<synchronous>, transform_indices = @transform_4, window_bounds = array<i64: 128, 128>}, {transform_indices = @transform_5, window_bounds = array<i64: 400, 128>}]} {
    %get3A = arith.constant 0 : index
    %get3A_0 = arith.constant 0 : index
    %get3A_1 = arith.constant 0 : index
    %get3A_2 = vector.load %arg1[%get3A, %get3A_0, %get3A_1] : memref<2x400x128xf32, #tpu.memory_space<vmem>>, vector<1x400x128xf32>
    %get3A_3 = vector.shape_cast %get3A_2 : vector<1x400x128xf32> to vector<400x128xf32>
    %get3A_4 = arith.constant 1 : index
    %get3A_5 = arith.constant 0 : index
    %get3A_6 = arith.constant 0 : index
    %get3A_7 = vector.load %arg1[%get3A_4, %get3A_5, %get3A_6] : memref<2x400x128xf32, #tpu.memory_space<vmem>>, vector<1x400x128xf32>
    %get3A_8 = vector.shape_cast %get3A_7 : vector<1x400x128xf32> to vector<400x128xf32>
    %add3A = arith.addf %get3A_3, %get3A_8 : vector<400x128xf32>
    %get3A_9 = arith.constant 0 : index
    %get3A_10 = arith.constant 0 : index
    %get3A_11 = vector.load %arg2[%get3A_9, %get3A_10] : memref<400x128xf32, #tpu.memory_space<vmem>>, vector<400x128xf32>
    %sub3A = arith.subf %add3A, %get3A_11 : vector<400x128xf32>
    %get3A_12 = arith.constant 0 : index
    %get3A_13 = arith.constant 0 : index
    %get3A_14 = vector.load %arg3[%get3A_12, %get3A_13] : memref<400x1xf32, #tpu.memory_space<vmem>>, vector<400x1xf32>
    %mul3A = vector.broadcast %get3A_14 : vector<400x1xf32> to vector<400x128xf32>
    %mul3A_15 = arith.mulf %sub3A, %mul3A : vector<400x128xf32>
    %get3A_16 = arith.constant 0 : index
    %get3A_17 = arith.constant 0 : index
    %get3A_18 = vector.load %arg4[%get3A_16, %get3A_17] : memref<1x128xf32, #tpu.memory_space<vmem>>, vector<1x128xf32>
    %add3A_19 = vector.broadcast %get3A_18 : vector<1x128xf32> to vector<400x128xf32>
    %add3A_20 = arith.addf %mul3A_15, %add3A_19 : vector<400x128xf32>
    %max3A = arith.constant 0.000000e+00 : f32
    %max3A_21 = vector.broadcast %max3A : f32 to vector<400x128xf32>
    %max3A_22 = arith.maximumf %add3A_20, %max3A_21 : vector<400x128xf32>
    %get3A_23 = arith.constant 0 : index
    %get3A_24 = arith.constant 0 : index
    %get3A_25 = vector.load %arg5[%get3A_23, %get3A_24] : memref<128x128xf32, #tpu.memory_space<vmem>>, vector<128x128xf32>
    %dot_general3A = arith.constant dense<0.000000e+00> : vector<400x128xf32>
    %dot_general3A_26 = tpu.matmul %max3A_22, %get3A_25, %dot_general3A {dimension_numbers = #tpu.dot_dimension_numbers<[1], [0], [0], [1], [0, 0, 1, 1], [], []>, transpose_lhs_hint = false} : vector<400x128xf32>, vector<128x128xf32>, vector<400x128xf32> -> vector<400x128xf32>
    %mul3A_27 = vector.broadcast %get3A_14 : vector<400x1xf32> to vector<400x128xf32>
    %mul3A_28 = arith.mulf %dot_general3A_26, %mul3A_27 : vector<400x128xf32>
    %swap3A = arith.constant 0 : index
    %swap3A_29 = arith.constant 0 : index
    %swap3A_30 = vector.load %arg6[%swap3A, %swap3A_29] : memref<400x128xf32, #tpu.memory_space<vmem>>, vector<400x128xf32>
    tpu.vector_store %arg6[%swap3A, %swap3A_29], %mul3A_28 {strides = array<i32>} : memref<400x128xf32, #tpu.memory_space<vmem>>, vector<400x128xf32>,
    return
  }
  func.func @transform_0(%arg0: i32) -> (i32, i32, i32) {
    %c0_i32 = arith.constant 0 : i32
    %c0_i32_0 = arith.constant 0 : i32
    %c0_i32_1 = arith.constant 0 : i32
    return %c0_i32, %arg0, %c0_i32_0 : i32, i32, i32
  }
  func.func @transform_1(%arg0: i32) -> (i32, i32) {
    %c0_i32 = arith.constant 0 : i32
    %c0_i32_0 = arith.constant 0 : i32
    return %arg0, %c0_i32 : i32, i32
  }
  func.func @transform_2(%arg0: i32) -> (i32, i32) {
    %c0_i32 = arith.constant 0 : i32
    %c0_i32_0 = arith.constant 0 : i32
    return %arg0, %c0_i32 : i32, i32
  }
  func.func @transform_3(%arg0: i32) -> (i32, i32) {
    %c0_i32 = arith.constant 0 : i32
    %c0_i32_0 = arith.constant 0 : i32
    %c0_i32_1 = arith.constant 0 : i32
    return %c0_i32, %c0_i32_0 : i32, i32
  }
  func.func @transform_4(%arg0: i32) -> (i32, i32) {
    %c0_i32 = arith.constant 0 : i32
    %c0_i32_0 = arith.constant 0 : i32
    %c0_i32_1 = arith.constant 0 : i32
    return %c0_i32, %c0_i32_0 : i32, i32
  }
  func.func @transform_5(%arg0: i32) -> (i32, i32) {
    %c0_i32 = arith.constant 0 : i32
    %c0_i32_0 = arith.constant 0 : i32
    return %arg0, %c0_i32 : i32, i32
  }
}

module attributes {stable_mosaic.version = 14 : i64} {
  func.func @_tc_scale_body(%arg0: i32, %arg1: memref<2x400x128xf32, #tpu.memory_space<vmem>>, %arg2: memref<400x128xf32, #tpu.memory_space<vmem>>, %arg3: memref<400x1xf32, #tpu.memory_space<vmem>>, %arg4: memref<1x128xf32, #tpu.memory_space<vmem>>, %arg5: memref<400x128xf32, #tpu.memory_space<vmem>>) attributes {dimension_semantics = [#tpu.dimension_semantics<arbitrary>], iteration_bounds = array<i64: 25>, scalar_prefetch = 0 : i64, scratch_operands = 0 : i64, tpu.core_type = #tpu.core_type<tc>, window_params = [{transform_indices = @transform_0, window_bounds = array<i64: 2, 400, 128>}, {transform_indices = @transform_1, window_bounds = array<i64: 400, 128>}, {transform_indices = @transform_2, window_bounds = array<i64: 400, 1>}, {pipeline_mode = #tpu.pipeline_mode<synchronous>, transform_indices = @transform_3, window_bounds = array<i64: 1, 128>}, {transform_indices = @transform_4, window_bounds = array<i64: 400, 128>}]} {
    %get3A = arith.constant 0 : index
    %get3A_0 = arith.constant 0 : index
    %get3A_1 = arith.constant 0 : index
    %get3A_2 = vector.load %arg1[%get3A, %get3A_0, %get3A_1] : memref<2x400x128xf32, #tpu.memory_space<vmem>>, vector<1x400x128xf32>
    %get3A_3 = vector.shape_cast %get3A_2 : vector<1x400x128xf32> to vector<400x128xf32>
    %get3A_4 = arith.constant 1 : index
    %get3A_5 = arith.constant 0 : index
    %get3A_6 = arith.constant 0 : index
    %get3A_7 = vector.load %arg1[%get3A_4, %get3A_5, %get3A_6] : memref<2x400x128xf32, #tpu.memory_space<vmem>>, vector<1x400x128xf32>
    %get3A_8 = vector.shape_cast %get3A_7 : vector<1x400x128xf32> to vector<400x128xf32>
    %add3A = arith.addf %get3A_3, %get3A_8 : vector<400x128xf32>
    %get3A_9 = arith.constant 0 : index
    %get3A_10 = arith.constant 0 : index
    %get3A_11 = vector.load %arg2[%get3A_9, %get3A_10] : memref<400x128xf32, #tpu.memory_space<vmem>>, vector<400x128xf32>
    %sub3A = arith.subf %add3A, %get3A_11 : vector<400x128xf32>
    %get3A_12 = arith.constant 0 : index
    %get3A_13 = arith.constant 0 : index
    %get3A_14 = vector.load %arg3[%get3A_12, %get3A_13] : memref<400x1xf32, #tpu.memory_space<vmem>>, vector<400x1xf32>
    %mul3A = vector.broadcast %get3A_14 : vector<400x1xf32> to vector<400x128xf32>
    %mul3A_15 = arith.mulf %sub3A, %mul3A : vector<400x128xf32>
    %get3A_16 = arith.constant 0 : index
    %get3A_17 = arith.constant 0 : index
    %get3A_18 = vector.load %arg4[%get3A_16, %get3A_17] : memref<1x128xf32, #tpu.memory_space<vmem>>, vector<1x128xf32>
    %add3A_19 = vector.broadcast %get3A_18 : vector<1x128xf32> to vector<400x128xf32>
    %add3A_20 = arith.addf %mul3A_15, %add3A_19 : vector<400x128xf32>
    %max3A = arith.constant 0.000000e+00 : f32
    %max3A_21 = vector.broadcast %max3A : f32 to vector<400x128xf32>
    %max3A_22 = arith.maximumf %add3A_20, %max3A_21 : vector<400x128xf32>
    %mul3A_23 = vector.broadcast %get3A_14 : vector<400x1xf32> to vector<400x128xf32>
    %mul3A_24 = arith.mulf %max3A_22, %mul3A_23 : vector<400x128xf32>
    %swap3A = arith.constant 0 : index
    %swap3A_25 = arith.constant 0 : index
    %swap3A_26 = vector.load %arg5[%swap3A, %swap3A_25] : memref<400x128xf32, #tpu.memory_space<vmem>>, vector<400x128xf32>
    tpu.vector_store %arg5[%swap3A, %swap3A_25], %mul3A_24 {strides = array<i32>} : memref<400x128xf32, #tpu.memory_space<vmem>>, vector<400x128xf32>,
    return
  }
  func.func @transform_0(%arg0: i32) -> (i32, i32, i32) {
    %c0_i32 = arith.constant 0 : i32
    %c0_i32_0 = arith.constant 0 : i32
    %c0_i32_1 = arith.constant 0 : i32
    return %c0_i32, %arg0, %c0_i32_0 : i32, i32, i32
  }
  func.func @transform_1(%arg0: i32) -> (i32, i32) {
    %c0_i32 = arith.constant 0 : i32
    %c0_i32_0 = arith.constant 0 : i32
    return %arg0, %c0_i32 : i32, i32
  }
  func.func @transform_2(%arg0: i32) -> (i32, i32) {
    %c0_i32 = arith.constant 0 : i32
    %c0_i32_0 = arith.constant 0 : i32
    return %arg0, %c0_i32 : i32, i32
  }
  func.func @transform_3(%arg0: i32) -> (i32, i32) {
    %c0_i32 = arith.constant 0 : i32
    %c0_i32_0 = arith.constant 0 : i32
    %c0_i32_1 = arith.constant 0 : i32
    return %c0_i32, %c0_i32_0 : i32, i32
  }
  func.func @transform_4(%arg0: i32) -> (i32, i32) {
    %c0_i32 = arith.constant 0 : i32
    %c0_i32_0 = arith.constant 0 : i32
    return %arg0, %c0_i32 : i32, i32
  }
}

module attributes {stable_mosaic.version = 14 : i64} {
  func.func @_tc_last_body(%arg0: i32, %arg1: memref<2x400x128xf32, #tpu.memory_space<vmem>>, %arg2: memref<400x128xf32, #tpu.memory_space<vmem>>, %arg3: memref<400x1xf32, #tpu.memory_space<vmem>>, %arg4: memref<1x64xf32, #tpu.memory_space<vmem>>, %arg5: memref<128x64xf32, #tpu.memory_space<vmem>>, %arg6: memref<400x64xf32, #tpu.memory_space<vmem>>) attributes {dimension_semantics = [#tpu.dimension_semantics<arbitrary>], iteration_bounds = array<i64: 25>, scalar_prefetch = 0 : i64, scratch_operands = 0 : i64, tpu.core_type = #tpu.core_type<tc>, window_params = [{transform_indices = @transform_0, window_bounds = array<i64: 2, 400, 128>}, {transform_indices = @transform_1, window_bounds = array<i64: 400, 128>}, {transform_indices = @transform_2, window_bounds = array<i64: 400, 1>}, {pipeline_mode = #tpu.pipeline_mode<synchronous>, transform_indices = @transform_3, window_bounds = array<i64: 1, 64>}, {pipeline_mode = #tpu.pipeline_mode<synchronous>, transform_indices = @transform_4, window_bounds = array<i64: 128, 64>}, {transform_indices = @transform_5, window_bounds = array<i64: 400, 64>}]} {
    %get3A = arith.constant 0 : index
    %get3A_0 = arith.constant 0 : index
    %get3A_1 = arith.constant 0 : index
    %get3A_2 = vector.load %arg1[%get3A, %get3A_0, %get3A_1] : memref<2x400x128xf32, #tpu.memory_space<vmem>>, vector<1x400x128xf32>
    %get3A_3 = vector.shape_cast %get3A_2 : vector<1x400x128xf32> to vector<400x128xf32>
    %get3A_4 = arith.constant 1 : index
    %get3A_5 = arith.constant 0 : index
    %get3A_6 = arith.constant 0 : index
    %get3A_7 = vector.load %arg1[%get3A_4, %get3A_5, %get3A_6] : memref<2x400x128xf32, #tpu.memory_space<vmem>>, vector<1x400x128xf32>
    %get3A_8 = vector.shape_cast %get3A_7 : vector<1x400x128xf32> to vector<400x128xf32>
    %add3A = arith.addf %get3A_3, %get3A_8 : vector<400x128xf32>
    %get3A_9 = arith.constant 0 : index
    %get3A_10 = arith.constant 0 : index
    %get3A_11 = vector.load %arg2[%get3A_9, %get3A_10] : memref<400x128xf32, #tpu.memory_space<vmem>>, vector<400x128xf32>
    %sub3A = arith.subf %add3A, %get3A_11 : vector<400x128xf32>
    %get3A_12 = arith.constant 0 : index
    %get3A_13 = arith.constant 0 : index
    %get3A_14 = vector.load %arg5[%get3A_12, %get3A_13] : memref<128x64xf32, #tpu.memory_space<vmem>>, vector<128x64xf32>
    %dot_general3A = arith.constant dense<0.000000e+00> : vector<400x64xf32>
    %dot_general3A_15 = tpu.matmul %sub3A, %get3A_14, %dot_general3A {dimension_numbers = #tpu.dot_dimension_numbers<[1], [0], [0], [1], [0, 0, 1, 1], [], []>, transpose_lhs_hint = false} : vector<400x128xf32>, vector<128x64xf32>, vector<400x64xf32> -> vector<400x64xf32>
    %get3A_16 = arith.constant 0 : index
    %get3A_17 = arith.constant 0 : index
    %get3A_18 = vector.load %arg3[%get3A_16, %get3A_17] : memref<400x1xf32, #tpu.memory_space<vmem>>, vector<400x1xf32>
    %mul3A = vector.broadcast %get3A_18 : vector<400x1xf32> to vector<400x64xf32>
    %mul3A_19 = arith.mulf %dot_general3A_15, %mul3A : vector<400x64xf32>
    %get3A_20 = arith.constant 0 : index
    %get3A_21 = arith.constant 0 : index
    %get3A_22 = vector.load %arg4[%get3A_20, %get3A_21] : memref<1x64xf32, #tpu.memory_space<vmem>>, vector<1x64xf32>
    %add3A_23 = vector.broadcast %get3A_22 : vector<1x64xf32> to vector<400x64xf32>
    %add3A_24 = arith.addf %mul3A_19, %add3A_23 : vector<400x64xf32>
    %reduce_max3A = arith.constant dense<0xFF800000> : vector<400xf32>
    %reduce_max3A_25 = vector.multi_reduction <maximumf>, %add3A_24, %reduce_max3A [1] : vector<400x64xf32> to vector<400xf32>
    %broadcast_in_dim3A = vector.shape_cast %reduce_max3A_25 : vector<400xf32> to vector<400x1xf32>
    %sub3A_26 = vector.broadcast %broadcast_in_dim3A : vector<400x1xf32> to vector<400x64xf32>
    %sub3A_27 = arith.subf %add3A_24, %sub3A_26 : vector<400x64xf32>
    %exp3A = math.exp %sub3A_27 : vector<400x64xf32>
    %reduce_sum3A = arith.constant dense<0.000000e+00> : vector<400xf32>
    %reduce_sum3A_28 = vector.multi_reduction <add>, %exp3A, %reduce_sum3A [1] : vector<400x64xf32> to vector<400xf32>
    %broadcast_in_dim3A_29 = vector.shape_cast %reduce_sum3A_28 : vector<400xf32> to vector<400x1xf32>
    %log3A = math.log %broadcast_in_dim3A_29 : vector<400x1xf32>
    %sub3A_30 = vector.broadcast %broadcast_in_dim3A : vector<400x1xf32> to vector<400x64xf32>
    %sub3A_31 = arith.subf %add3A_24, %sub3A_30 : vector<400x64xf32>
    %sub3A_32 = vector.broadcast %log3A : vector<400x1xf32> to vector<400x64xf32>
    %sub3A_33 = arith.subf %sub3A_31, %sub3A_32 : vector<400x64xf32>
    %swap3A = arith.constant 0 : index
    %swap3A_34 = arith.constant 0 : index
    %swap3A_35 = vector.load %arg6[%swap3A, %swap3A_34] : memref<400x64xf32, #tpu.memory_space<vmem>>, vector<400x64xf32>
    tpu.vector_store %arg6[%swap3A, %swap3A_34], %sub3A_33 {strides = array<i32>} : memref<400x64xf32, #tpu.memory_space<vmem>>, vector<400x64xf32>,
    return
  }
  func.func @transform_0(%arg0: i32) -> (i32, i32, i32) {
    %c0_i32 = arith.constant 0 : i32
    %c0_i32_0 = arith.constant 0 : i32
    %c0_i32_1 = arith.constant 0 : i32
    return %c0_i32, %arg0, %c0_i32_0 : i32, i32, i32
  }
  func.func @transform_1(%arg0: i32) -> (i32, i32) {
    %c0_i32 = arith.constant 0 : i32
    %c0_i32_0 = arith.constant 0 : i32
    return %arg0, %c0_i32 : i32, i32
  }
  func.func @transform_2(%arg0: i32) -> (i32, i32) {
    %c0_i32 = arith.constant 0 : i32
    %c0_i32_0 = arith.constant 0 : i32
    return %arg0, %c0_i32 : i32, i32
  }
  func.func @transform_3(%arg0: i32) -> (i32, i32) {
    %c0_i32 = arith.constant 0 : i32
    %c0_i32_0 = arith.constant 0 : i32
    %c0_i32_1 = arith.constant 0 : i32
    return %c0_i32, %c0_i32_0 : i32, i32
  }
  func.func @transform_4(%arg0: i32) -> (i32, i32) {
    %c0_i32 = arith.constant 0 : i32
    %c0_i32_0 = arith.constant 0 : i32
    %c0_i32_1 = arith.constant 0 : i32
    return %c0_i32, %c0_i32_0 : i32, i32
  }
  func.func @transform_5(%arg0: i32) -> (i32, i32) {
    %c0_i32 = arith.constant 0 : i32
    %c0_i32_0 = arith.constant 0 : i32
    return %arg0, %c0_i32 : i32, i32
  }
}

</mosaic_0001>

<sc_bundles>
// kernel: kernel.10.cloned.1.call-start
scs
__scs_entry_jumppad:
0x0: {  	(pc) =	sbr.rel $0x88, $3  }
0x1: {  	(tag) =	ssettag $0x0;
	lr =	simm.s32 $0x1  }
0x2: {  	[smem:$0x3F99] =	sst lr;
	_ =	strace $0xD0000000  }
0x3: {  	_ = 	snop  }
0x4: {  	_ = 	snop  }
0x5: {  	_ = 	snop  }
0x6: {  	_ = 	snop  }
0x7: {  	_ = 	snop  }
__scs_overlays_trampoline_lowered:
0x8: {  	[smem:$0x3FA8] =	sst s0  }
0x9: {  	[smem:$0x3FA9] =	sst s1  }
0xa: {  	[smem:$0x3FAA] =	sst s2  }
0xb: {  	[smem:$0x3FAB] =	sst s3  }
0xc: {  	[smem:$0x3FAC] =	sst s4  }
0xd: {  	[smem:$0x3FAD] =	sst s5  }
0xe: {  	[smem:$0x3FAE] =	sst s6  }
0xf: {  	[smem:$0x3FAF] =	sst s7  }
0x10: {  	[smem:$0x3FB0] =	sst s8  }
0x11: {  	[smem:$0x3FB1] =	sst s9;
	s0 =	simm.s32 @!p0 $0x0  }
0x12: {  	s1 =	sld [smem:$0x3F97];
	s0 =	simm.s32 @p0 $0x1  }
0x13: {  	[smem:$0x3FB2] =	sst s0;
	s0 =	simm.s32 @!p1 $0x0  }
0x14: {  	s2 =	sld [smem:$0x3F96];
	s0 =	simm.s32 @p1 $0x1  }
0x15: {  	[smem:$0x3FB3] =	sst s0;
	s0 =	simm.s32 @!p2 $0x0  }
0x16: {  	s3 =	sld [smem:$0x3FDB];
	s0 =	simm.s32 @p2 $0x1  }
0x17: {  	s4 =	simm.s32 $0x1BF5;
	[smem:$0x3FB5] =	sst s0  }
0x18: {  	s0 =	sld [smem:$0x3F98];
	_ =	swait.ge [sflag:s4], $0x0  }
0x19: {  	s7 =	sld [smem:$0x3F99]  }
0x1a: {  	s8 =	sadd.s32 $0xFFFFE003, lr  }
0x1b: {  	s9 =	sadd.s32 $0xFFFFFEF7, lr;
	s5 =	simm.s32 $0xFFFFFFFF;
	p2 =	slt.u32 s8, $0xFFFFF086  }
0x1c: {  	p1 =	slt.u32 s9, $0xF7A;
	s5 =	simm.s32 @!p2 $0x0  }
0x1d: {  	s5 =	simm.s32 @p1 $0x1;
	p0 =	seq.s32 s7, s2  }
0x1e: {  	s7 =	smul.u32 @!p0 $0xF7A, s2;
	p2 =	seq.s32 @!p0 s5, $0x0  }
0x1f: {  	s9 =	smul.u32 $0xF7A, s1;
	s8 =	simm.s32 @!p0 $0x1BF5;
	p2 =	por !p2, p0  }
0x20: {  	[sflag:s8] =	ssyncset.s32 @!p0 $0xFFFFF086;
	s6 =	sadd.s32 @!p0 s3, s7;
	s7 =	simm.s32 @!p0 $0x108  }
0x21: {  	s3 =	sadd.s32 s3, s9;
	s6 =	sadd.s32 @!p0 $0x88, s6;
	s7 =	simm.s32 @p2 $0x1082  }
0x22: {  	[simem:s7], [sflag:s8] =	dma.local @!p0 [hbm:s6], $0xF7A  }
0x23: {  	s9 =	sor.u32 $0xD0000000, s2;
	s6 =	simm.s32 $0x108;
	_ =	swait.ge @!p0 [sflag:s8], $0x0  }
0x24: {  	s3 =	sadd.s32 $0x88, s3;
	s6 =	simm.s32 @!p1 $0x1082;
	[sflag:s4] =	ssyncset.s32 $0xFFFFF086  }
0x25: {  	[simem:s6], [sflag:s4] =	dma.local [hbm:s3], $0xF7A  }
0x26: {  	[smem:$0x3F99] =	sst s1;
	(tag) =	ssettag s2;
	_ =	strace s9  }
0x27: {  	s1 =	sld [smem:$0x3FA9]  }
0x28: {  	s2 =	sld [smem:$0x3FAA]  }
0x29: {  	s4 =	sld [smem:$0x3FAC]  }
0x2a: {  	p0 =	seq.s32 s5, $0x0;
	s5 =	sld [smem:$0x3FAD]  }
0x2b: {  	s6 =	sld [smem:$0x3FAE]  }
0x2c: {  	s7 =	sld [smem:$0x3FAF]  }
0x2d: {  	s3 =	simm.s32 $0x108;
	s8 =	sld [smem:$0x3FB0]  }
0x2e: {  	s3 =	simm.s32 @!p0 $0x1082;
	s9 =	sld [smem:$0x3FB1]  }
0x2f: {  	lr =	sadd.s32 s0, s3;
	s0 =	sld [smem:$0x3FA8]  }
0x30: {  	s3 =	sld [smem:$0x3FAB]  }
0x31: {  	[smem:$0x3FB4] =	sst s10  }
0x32: {  	s10 =	sld [smem:$0x3FB2];
	_ =	sdelay $0x3  }
0x33: {  	p0 =	seq.s32 s10, $0x1;
	s10 =	sld [smem:$0x3FB4];
	_ =	sdelay $0x3  }
0x34: {  	[smem:$0x3FB4] =	sst s10  }
0x35: {  	s10 =	sld [smem:$0x3FB3];
	_ =	sdelay $0x3  }
0x36: {  	p1 =	seq.s32 s10, $0x1;
	s10 =	sld [smem:$0x3FB4];
	_ =	sdelay $0x3  }
0x37: {  	[smem:$0x3FB4] =	sst s10  }
0x38: {  	s10 =	sld [smem:$0x3FB5]  }
0x39: {  	_ = 	snop;
	(pc) =	sbr.ind lr, $3  }
0x3a: {  	_ = 	snop  }
0x3b: {  	_ = 	snop  }
0x3c: {  	p2 =	seq.s32 s10, $0x1;
	s10 =	sld [smem:$0x3FB4]  }
0x3d: {  	_ =	shalt  }
0x3e: {  	_ =	shalt  }
0x3f: {  	_ =	shalt  }
0x40: {  	_ =	shalt  }
0x41: {  	_ =	shalt  }
0x42: {  	_ =	shalt  }
0x43: {  	_ =	shalt  }
0x44: {  	_ =	shalt  }
0x45: {  	_ =	shalt  }
0x46: {  	_ =	shalt  }
0x47: {  	_ =	shalt  }
0x48: {  	_ =	shalt  }
0x49: {  	_ =	shalt  }
0x4a: {  	_ =	shalt  }
0x4b: {  	_ =	shalt  }
0x4c: {  	_ =	shalt  }
0x4d: {  	_ =	shalt  }
0x4e: {  	_ =	shalt  }
0x4f: {  	_ =	shalt  }
0x50: {  	_ =	shalt  }
0x51: {  	_ =	shalt  }
0x52: {  	_ =	shalt  }
0x53: {  	_ =	shalt  }
0x54: {  	_ =	shalt  }
0x55: {  	_ =	shalt  }
0x56: {  	_ =	shalt  }
0x57: {  	_ =	shalt  }
0x58: {  	_ =	shalt  }
0x59: {  	_ =	shalt  }
0x5a: {  	_ =	shalt  }
0x5b: {  	_ =	shalt  }
0x5c: {  	_ =	shalt  }
0x5d: {  	_ =	shalt  }
0x5e: {  	_ =	shalt  }
0x5f: {  	_ =	shalt  }
0x60: {  	_ =	shalt  }
0x61: {  	_ =	shalt  }
0x62: {  	_ =	shalt  }
0x63: {  	_ =	shalt  }
0x64: {  	_ =	shalt  }
0x65: {  	_ =	shalt  }
0x66: {  	_ =	shalt  }
0x67: {  	_ =	shalt  }
0x68: {  	_ =	shalt  }
0x69: {  	_ =	shalt  }
0x6a: {  	_ =	shalt  }
0x6b: {  	_ =	shalt  }
0x6c: {  	_ =	shalt  }
0x6d: {  	_ =	shalt  }
0x6e: {  	_ =	shalt  }
0x6f: {  	_ =	shalt  }
0x70: {  	_ =	shalt  }
0x71: {  	_ =	shalt  }
0x72: {  	_ =	shalt  }
0x73: {  	_ =	shalt  }
0x74: {  	_ =	shalt  }
0x75: {  	_ =	shalt  }
0x76: {  	_ =	shalt  }
0x77: {  	_ =	shalt  }
0x78: {  	_ =	shalt  }
0x79: {  	_ =	shalt  }
0x7a: {  	_ =	shalt  }
0x7b: {  	_ =	shalt  }
0x7c: {  	_ =	shalt  }
0x7d: {  	_ =	shalt  }
0x7e: {  	_ =	shalt  }
0x7f: {  	_ =	shalt  }
0x80: {  	_ =	shalt  }
0x81: {  	_ =	shalt  }
0x82: {  	_ =	shalt  }
0x83: {  	_ =	shalt  }
0x84: {  	_ =	shalt  }
0x85: {  	_ =	shalt  }
0x86: {  	_ =	shalt  }
0x87: {  	_ =	shalt  }
.Lfunc_end0:
.L_simem_size_0:
called_computation_lowered:
.L_overlay_start_0:
0x88: {  	s2 =	sld [smem:$0x3FD9]  }
0x89: {  	s3 =	sld [smem:$0x3FFE];
	_ =	sdelay $0x1  }
0x8a: {  	s1 =	srdreg.scid  }
0x8b: {  	s0 =	sand.u32 $0x1, s1  }
0x8c: {  	s16 =	sshll.u32 s0, $0xA;
	s2 =	sadd.s32 s3, s2  }
0x8d: {  	s2 =	sadd.s32 s2, s16  }
0x8e: {  	[smem:$0x3FC0] =	sst s2  }
0x8f: {  	_ = 	snop  }
0x90: {  	(tm) =	ssettm $0x1  }
0x91: {  	s17 =	sld [smem:$0x3FFB];
	_ =	sdelay $0x3  }
0x92: {  	_ =	strace s17  }
0x93: {  	s2 =	sld [smem:$0x3FFC];
	_ =	sdelay $0x3  }
0x94: {  	_ =	strace s2  }
0x95: {  	s2 =	sld [smem:$0x3FFD];
	_ =	sdelay $0x3  }
0x96: {  	_ =	strace s2  }
0x97: {  	_ =	strace $0x8FFFFFFF  }
0x98: {  	s18 =	sld [smem:$0x3FDB];
	_ =	sdelay $0x1  }
0x99: {  	s19 =	simm.s32 $_scs_section_size  }
0x9a: {  	s4 =	simm.s32 $_size__tile_overlayer_lowered;
	s5 =	simm.s32 $_tile_overlayer_lowered  }
0x9b: {  	s22 =	simm.s32 $0x1BFF;
	s21 =	sshll.u32 s5, $0x1;
	s2 =	sadd.s32 s19, s18  }
0x9c: {  	s6 =	simm.s32 $0x0;
	s20 =	sshll.u32 s4, $0x1;
	s4 =	sadd.s32 s21, s2  }
0x9d: {  	[timem:s6], [sflag:s22] =	dma.local [hbm:s4], s20  }
0x9e: {  	_ =	swait.ge [sflag:s22], s20  }
0x9f: {  	s3 =	ssub.s32 $0x0, s20;
	[sflag:s22] =	ssyncset.done $0x0  }
0xa0: {  	[sflag:s22] =	ssyncadd.s32 s3;
	_ =	sdelay $0x1  }
0xa1: {  	s23 =	simm.s32 $0x1B8B  }
0xa2: {  	_ =	swait.ge [sflag:s23], $0x1  }
0xa3: {  	[sflag:s23] =	ssyncset.done $0x0  }
0xa4: {  	s25 =	simm.s32 $0x1B8E;
	s24 =	sld [smem:$0x3FFE];
	[sflag:s23] =	ssyncadd.s32 $0xFFFFFFFF  }
0xa5: {  	s26 =	simm.s32 $execute0_lowered;
	[smem:$0x3FD2] =	sst s25  }
0xa6: {  	s4 =	sshll.u32 s26, $0x1;
	_ =	strace $0x80000046;
	[dreg:$0x1] =	wrdreg $0xFFFFFFFF  }
0xa7: {  	s28 =	simm.s32 $_size_execute0_lowered;
	s2 =	sadd.s32 s2, s4;
	[dreg:$0x0] =	wrdreg $0x0  }
0xa8: {  	s4 =	sshll.u32 s28, $0x1;
	[dreg:$0x2] =	wrdreg s2  }
0xa9: {  	[dreg:$0x3] =	wrdreg s4  }
0xaa: {  	[dreg:$0x4] =	wrdreg $0xC0  }
0xab: {  	_ =	task [dreg:s6], $0x5FFFF  }
0xac: {  	[dreg:$0x1] =	wrdreg $0xFFFFFFFF  }
0xad: {  	[dreg:$0x0] =	wrdreg $0x60  }
0xae: {  	[dreg:$0x2] =	wrdreg s24  }
0xaf: {  	[dreg:$0x3] =	wrdreg $0x9  }
0xb0: {  	_ =	task.clear_ibuf [dreg:s6], $0x4FFFF;
	_ =	strace $0x90000046  }
0xb1: {  	s29 =	simm.s32 $0x9;
	_ =	strace $0x80000048  }
0xb2: {  	_ =	swait.ge [sflag:s29], $0x1  }
0xb3: {  	[sflag:s29] =	ssyncadd.s32 $0xFFFFFFFF  }
0xb4: {  	_ =	strace $0x90000048  }
0xb5: {  	_ =	sfence  }
0xb6: {  	s30 =	sld [smem:$0x0];
	_ =	sdelay $0x2  }
0xb7: {  	s31 =	sshll.u32 s1, $0xD;
	s1 =	sshrl.u32 s1, $0x2  }
0xb8: {  	s3 =	sand.u32 $0x4000, s31;
	s1 =	sadd.s32 s1, s30  }
0xb9: {  	s0 =	sor.u32 s3, s0;
	s1 =	sshll.u32 s1, $0x11  }
0xba: {  	s0 =	sor.u32 s1, s0  }
0xbb: {  	s0 =	sadd.s32 $0x8F2B, s0  }
0xbc: {  	[sflag:s0] =	ssyncadd.remote.s32 $0x1  }
0xbd: {  	_ =	sfence.sel $0xFFFF  }
0xbe: {  	[dreg:$0x0] =	wrdreg $0xFFFFFFFF;
	(pc) =	sbr.abs _section_cstart, $3  }
0xbf: {  	[dreg:$0x1] =	wrdreg $0xFFFFFFFF  }
0xc0: {  	_ =	task.clear_ibuf [dreg:s6], $0x2FFFF;
	_ =	strace $0x9FFFFFFF  }
0xc1: {  	(tm) =	ssettm $0x7FFFFFFF  }
tec
execute0_lowered:
.L_overlay_start_1:
0x0: {  	(tag) =	ssettag $0x1  }
0x1: {  	s0 =	srdreg.scid  }
0x2: {  	s3 =	sand.u32 $0x1, s0  }
0x3: {  	s4 =	rddreg [dreg:$0x0];
	s0 =	stileid.u32;
	s1 =	sshll.u32 s3, $0x4  }
0x4: {  	s2 =	simm.s32 $0x0;
	s8 =	simm.s32 $0x80;
	s5 =	sor.u32 s0, s1  }
0x5: {  	s9 =	simm.s32 $0x400;
	[smem:$0x7FF] =	sst s2;
	s6 =	sshrl.u32 s5, $0x3  }
0x6: {  	s7 =	sshll.u32 s0, $0x7;
	s3 =	ssub.s32 $0x2, s3;
	s6 =	smul.u32 $0x13C00, s6  }
0x7: {  	s1 =	rddreg [dreg:$0x1];
	s7 =	sand.u32 $0x380, s7;
	s5 =	smul.u32 $0x500, s5  }
0x8: {  	_ =	strace $0x80000047;
	s30 =	sshrl.u32 s3, $0x1;
	s6 =	sor.u32 s7, s6  }
0x9: {  	s31 =	ssub.s32 s3, s30;
	s5 =	sadd.s32 s5, s4;
	s6 =	sshrl.u32 s6, $0x3  }
0xa: {  	s3 =	sadd.s32 $0x3000, s5;
	s5 =	smax.u32 s31, $0x1;
	s4 =	sadd.s32 s6, s4  }
0xb: {  	v0 =	vimm.f32 $0.0e+00;
	v1 =	vimm.f32 $1.000000000e+00;
	s7 =	simm.s32 $0x2800;
	s6 =	simm.s32 $0x1;
	s4 =	sadd.s32 $0xD000, s4  }
.LBB2_1:
0xc: {  	s10 =	simm.s32 $0x40;
	s11 =	simm.s32 $0x0  }
.LBB2_2:
0xd: {  	p0 =	sne.s32 s10, $0x9C40;
	[tilespmem:s11+$0x2800] =	vst v0;
	s11 =	smov.u32 s10;
	s10 =	sadd.s32 $0x40, s10  }
.Ltmp0:
0xe: {  	(pc) =	sbr.rel @p0 .LBB2_2-.Ltmp0, $2  }
0xf: {  	_ =	sdelay $0x2  }
0x10: {  	s11 =	sshra.s32 s11, $0x2  }
0x11: {  	[tilespmem:s11+$0x2800] =	vst v0;
	s10 =	simm.s32 $0x0  }
0x12: {  	[tilespmem:s10], [sflag:$0x1] =	stream.linear.gather [hbm4b:s3+s10], $0x2800, $0x38;
	[tilespmem:$0x4F80] =	vst v63  }
0x13: {  	_ =	swait.ge [sflag:s6], $0x2800  }
0x14: {  	[sflag:s6] =	ssyncset.done $0x0  }
0x15: {  	[sflag:s6] =	ssyncadd.s32 $0xFFFFD800  }
.LBB2_4:
0x16: {  	s11 =	sshra.s32 s10, $0x2  }
0x17: {  	v2 =	vld [tilespmem:s11+$0x0];
	_ =	sdelay $0x7  }
0x18: {  	[tilespmem:v2+s7+$0x0] =	vst.idx.add.f32.msk $0xffff, v1  }
0x19: {  	v2 =	vld [tilespmem:s11+$0x10];
	_ =	sdelay $0x7  }
0x1a: {  	[tilespmem:v2+s7+$0x0] =	vst.idx.add.f32.msk $0xffff, v1  }
0x1b: {  	v2 =	vld [tilespmem:s11+$0x20];
	_ =	sdelay $0x7  }
0x1c: {  	[tilespmem:v2+s7+$0x0] =	vst.idx.add.f32.msk $0xffff, v1  }
0x1d: {  	v2 =	vld [tilespmem:s11+$0x30];
	_ =	sdelay $0x7  }
0x1e: {  	[tilespmem:v2+s7+$0x0] =	vst.idx.add.f32.msk $0xffff, v1  }
0x1f: {  	v2 =	vld [tilespmem:s11+$0x40];
	_ =	sdelay $0x7  }
0x20: {  	[tilespmem:v2+s7+$0x0] =	vst.idx.add.f32.msk $0xffff, v1  }
0x21: {  	v2 =	vld [tilespmem:s11+$0x50];
	_ =	sdelay $0x7  }
0x22: {  	[tilespmem:v2+s7+$0x0] =	vst.idx.add.f32.msk $0xffff, v1  }
0x23: {  	v2 =	vld [tilespmem:s11+$0x60];
	_ =	sdelay $0x7  }
0x24: {  	[tilespmem:v2+s7+$0x0] =	vst.idx.add.f32.msk $0xffff, v1  }
0x25: {  	v2 =	vld [tilespmem:s11+$0x70];
	_ =	sdelay $0x2  }
0x26: {  	p0 =	sne.s32 s10, $0x9E00  }
.Ltmp1:
0x27: {  	_ = 	snop;
	(pc) =	sbr.rel @p0 .LBB2_4-.Ltmp1, $2  }
0x28: {  	_ =	sdelay $0x2  }
0x29: {  	s10 =	sadd.s32 $0x200, s10;
	[tilespmem:v2+s7+$0x0] =	vst.idx.add.f32.msk $0xffff, v1  }
0x2a: {  	s2 =	sadd.s32 $0x1, s2  }
0x2b: {  	p0 =	sne.s32 s2, s5  }
.Ltmp2:
0x2c: {  	_ = 	snop;
	(pc) =	sbr.rel @p0 .LBB2_1-.Ltmp2, $4  }
0x2d: {  	[hbm4b:s4+s8] =	stream.strided.scatter [tilespmem:s7], [sflag:$0x1], $0x2780, s9, s8, $0x38;
	[tilespmem:$0x4F80] =	vst v63  }
0x2e: {  	_ =	swait.ge [sflag:s6], $0x2780  }
0x2f: {  	[sflag:s6] =	ssyncset.done $0x0  }
0x30: {  	[sflag:s6] =	ssyncadd.s32 $0xFFFFD880  }
0x31: {  	_ =	sfence.sel $0x180000  }
0x32: {  	[bflag:$0x0] =	sbarrier.arrive $0xFFFF  }
0x33: {  	p0 =	sne.s32 s0, $0x0;
	_ =	strace $0x90000047  }
0x34: {  	s0 =	sadd.s32 @!p0 $0x100000, s1;
	[bflag:$0x2] =	sbarrier.arrive $0xFFFF  }
0x35: {  	[sflag:s0] =	ssyncadd.tile.s32 @!p0 $0x1;
	_ =	shalt  }
.Lfunc_end2:
_tile_overlayer_lowered:
.L_overlay_start_2:
0x36: {  	(tag) =	ssettag $0x2  }
0x37: {  	s0 =	rddreg [dreg:$0x0];
	s2 =	stileid.u32  }
0x38: {  	s1 =	rddreg [dreg:$0x1];
	p0 =	sne.s32 s2, $0x0  }
0x39: {  	s3 =	rddreg [dreg:$0x2];
	[bflag:$0x3] =	sbarrier.arrive $0xFFFF;
	s2 =	simm.s32 @!p0 $0x1C01  }
0x3a: {  	[timem:s3], [sflag:s2] =	dma.local @!p0 [hbm:s0], s1  }
0x3b: {  	s0 =	simm.s32 @!p0 $0x1  }
0x3c: {  	_ =	swait.ge @!p0 [sflag:s0], s1  }
0x3d: {  	s1 =	ssub.s32 @!p0 $0x0, s1;
	[sflag:s0] =	ssyncset.done @!p0 $0x0  }
0x3e: {  	[sflag:s0] =	ssyncadd.s32 @!p0 s1  }
0x3f: {  	[bflag:$0x3] =	sbarrier.arrive $0xFFFF  }
0x40: {  	_ =	shalt  }

// kernel: kernel.13.cloned.1.call-start
scs
__scs_entry_jumppad:
0x0: {  	(pc) =	sbr.rel $0x88, $3  }
0x1: {  	(tag) =	ssettag $0x0;
	lr =	simm.s32 $0x1  }
0x2: {  	[smem:$0x3F99] =	sst lr;
	_ =	strace $0xD0000000  }
0x3: {  	_ = 	snop  }
0x4: {  	_ = 	snop  }
0x5: {  	_ = 	snop  }
0x6: {  	_ = 	snop  }
0x7: {  	_ = 	snop  }
__scs_overlays_trampoline_lowered:
0x8: {  	[smem:$0x3FA8] =	sst s0  }
0x9: {  	[smem:$0x3FA9] =	sst s1  }
0xa: {  	[smem:$0x3FAA] =	sst s2  }
0xb: {  	[smem:$0x3FAB] =	sst s3  }
0xc: {  	[smem:$0x3FAC] =	sst s4  }
0xd: {  	[smem:$0x3FAD] =	sst s5  }
0xe: {  	[smem:$0x3FAE] =	sst s6  }
0xf: {  	[smem:$0x3FAF] =	sst s7  }
0x10: {  	[smem:$0x3FB0] =	sst s8  }
0x11: {  	[smem:$0x3FB1] =	sst s9;
	s0 =	simm.s32 @!p0 $0x0  }
0x12: {  	s1 =	sld [smem:$0x3F97];
	s0 =	simm.s32 @p0 $0x1  }
0x13: {  	[smem:$0x3FB2] =	sst s0;
	s0 =	simm.s32 @!p1 $0x0  }
0x14: {  	s2 =	sld [smem:$0x3F96];
	s0 =	simm.s32 @p1 $0x1  }
0x15: {  	[smem:$0x3FB3] =	sst s0;
	s0 =	simm.s32 @!p2 $0x0  }
0x16: {  	s3 =	sld [smem:$0x3FDB];
	s0 =	simm.s32 @p2 $0x1  }
0x17: {  	s4 =	simm.s32 $0x1BF5;
	[smem:$0x3FB5] =	sst s0  }
0x18: {  	s0 =	sld [smem:$0x3F98];
	_ =	swait.ge [sflag:s4], $0x0  }
0x19: {  	s7 =	sld [smem:$0x3F99]  }
0x1a: {  	s8 =	sadd.s32 $0xFFFFE003, lr  }
0x1b: {  	s9 =	sadd.s32 $0xFFFFFEF7, lr;
	s5 =	simm.s32 $0xFFFFFFFF;
	p2 =	slt.u32 s8, $0xFFFFF086  }
0x1c: {  	p1 =	slt.u32 s9, $0xF7A;
	s5 =	simm.s32 @!p2 $0x0  }
0x1d: {  	s5 =	simm.s32 @p1 $0x1;
	p0 =	seq.s32 s7, s2  }
0x1e: {  	s7 =	smul.u32 @!p0 $0xF7A, s2;
	p2 =	seq.s32 @!p0 s5, $0x0  }
0x1f: {  	s9 =	smul.u32 $0xF7A, s1;
	s8 =	simm.s32 @!p0 $0x1BF5;
	p2 =	por !p2, p0  }
0x20: {  	[sflag:s8] =	ssyncset.s32 @!p0 $0xFFFFF086;
	s6 =	sadd.s32 @!p0 s3, s7;
	s7 =	simm.s32 @!p0 $0x108  }
0x21: {  	s3 =	sadd.s32 s3, s9;
	s6 =	sadd.s32 @!p0 $0x88, s6;
	s7 =	simm.s32 @p2 $0x1082  }
0x22: {  	[simem:s7], [sflag:s8] =	dma.local @!p0 [hbm:s6], $0xF7A  }
0x23: {  	s9 =	sor.u32 $0xD0000000, s2;
	s6 =	simm.s32 $0x108;
	_ =	swait.ge @!p0 [sflag:s8], $0x0  }
0x24: {  	s3 =	sadd.s32 $0x88, s3;
	s6 =	simm.s32 @!p1 $0x1082;
	[sflag:s4] =	ssyncset.s32 $0xFFFFF086  }
0x25: {  	[simem:s6], [sflag:s4] =	dma.local [hbm:s3], $0xF7A  }
0x26: {  	[smem:$0x3F99] =	sst s1;
	(tag) =	ssettag s2;
	_ =	strace s9  }
0x27: {  	s1 =	sld [smem:$0x3FA9]  }
0x28: {  	s2 =	sld [smem:$0x3FAA]  }
0x29: {  	s4 =	sld [smem:$0x3FAC]  }
0x2a: {  	p0 =	seq.s32 s5, $0x0;
	s5 =	sld [smem:$0x3FAD]  }
0x2b: {  	s6 =	sld [smem:$0x3FAE]  }
0x2c: {  	s7 =	sld [smem:$0x3FAF]  }
0x2d: {  	s3 =	simm.s32 $0x108;
	s8 =	sld [smem:$0x3FB0]  }
0x2e: {  	s3 =	simm.s32 @!p0 $0x1082;
	s9 =	sld [smem:$0x3FB1]  }
0x2f: {  	lr =	sadd.s32 s0, s3;
	s0 =	sld [smem:$0x3FA8]  }
0x30: {  	s3 =	sld [smem:$0x3FAB]  }
0x31: {  	[smem:$0x3FB4] =	sst s10  }
0x32: {  	s10 =	sld [smem:$0x3FB2];
	_ =	sdelay $0x3  }
0x33: {  	p0 =	seq.s32 s10, $0x1;
	s10 =	sld [smem:$0x3FB4];
	_ =	sdelay $0x3  }
0x34: {  	[smem:$0x3FB4] =	sst s10  }
0x35: {  	s10 =	sld [smem:$0x3FB3];
	_ =	sdelay $0x3  }
0x36: {  	p1 =	seq.s32 s10, $0x1;
	s10 =	sld [smem:$0x3FB4];
	_ =	sdelay $0x3  }
0x37: {  	[smem:$0x3FB4] =	sst s10  }
0x38: {  	s10 =	sld [smem:$0x3FB5]  }
0x39: {  	_ = 	snop;
	(pc) =	sbr.ind lr, $3  }
0x3a: {  	_ = 	snop  }
0x3b: {  	_ = 	snop  }
0x3c: {  	p2 =	seq.s32 s10, $0x1;
	s10 =	sld [smem:$0x3FB4]  }
0x3d: {  	_ =	shalt  }
0x3e: {  	_ =	shalt  }
0x3f: {  	_ =	shalt  }
0x40: {  	_ =	shalt  }
0x41: {  	_ =	shalt  }
0x42: {  	_ =	shalt  }
0x43: {  	_ =	shalt  }
0x44: {  	_ =	shalt  }
0x45: {  	_ =	shalt  }
0x46: {  	_ =	shalt  }
0x47: {  	_ =	shalt  }
0x48: {  	_ =	shalt  }
0x49: {  	_ =	shalt  }
0x4a: {  	_ =	shalt  }
0x4b: {  	_ =	shalt  }
0x4c: {  	_ =	shalt  }
0x4d: {  	_ =	shalt  }
0x4e: {  	_ =	shalt  }
0x4f: {  	_ =	shalt  }
0x50: {  	_ =	shalt  }
0x51: {  	_ =	shalt  }
0x52: {  	_ =	shalt  }
0x53: {  	_ =	shalt  }
0x54: {  	_ =	shalt  }
0x55: {  	_ =	shalt  }
0x56: {  	_ =	shalt  }
0x57: {  	_ =	shalt  }
0x58: {  	_ =	shalt  }
0x59: {  	_ =	shalt  }
0x5a: {  	_ =	shalt  }
0x5b: {  	_ =	shalt  }
0x5c: {  	_ =	shalt  }
0x5d: {  	_ =	shalt  }
0x5e: {  	_ =	shalt  }
0x5f: {  	_ =	shalt  }
0x60: {  	_ =	shalt  }
0x61: {  	_ =	shalt  }
0x62: {  	_ =	shalt  }
0x63: {  	_ =	shalt  }
0x64: {  	_ =	shalt  }
0x65: {  	_ =	shalt  }
0x66: {  	_ =	shalt  }
0x67: {  	_ =	shalt  }
0x68: {  	_ =	shalt  }
0x69: {  	_ =	shalt  }
0x6a: {  	_ =	shalt  }
0x6b: {  	_ =	shalt  }
0x6c: {  	_ =	shalt  }
0x6d: {  	_ =	shalt  }
0x6e: {  	_ =	shalt  }
0x6f: {  	_ =	shalt  }
0x70: {  	_ =	shalt  }
0x71: {  	_ =	shalt  }
0x72: {  	_ =	shalt  }
0x73: {  	_ =	shalt  }
0x74: {  	_ =	shalt  }
0x75: {  	_ =	shalt  }
0x76: {  	_ =	shalt  }
0x77: {  	_ =	shalt  }
0x78: {  	_ =	shalt  }
0x79: {  	_ =	shalt  }
0x7a: {  	_ =	shalt  }
0x7b: {  	_ =	shalt  }
0x7c: {  	_ =	shalt  }
0x7d: {  	_ =	shalt  }
0x7e: {  	_ =	shalt  }
0x7f: {  	_ =	shalt  }
0x80: {  	_ =	shalt  }
0x81: {  	_ =	shalt  }
0x82: {  	_ =	shalt  }
0x83: {  	_ =	shalt  }
0x84: {  	_ =	shalt  }
0x85: {  	_ =	shalt  }
0x86: {  	_ =	shalt  }
0x87: {  	_ =	shalt  }
.Lfunc_end0:
.L_simem_size_0:
called_computation.1_lowered:
.L_overlay_start_0:
0x88: {  	s2 =	sld [smem:$0x3FD9]  }
0x89: {  	s3 =	sld [smem:$0x3FFE];
	_ =	sdelay $0x1  }
0x8a: {  	s1 =	srdreg.scid  }
0x8b: {  	s0 =	sand.u32 $0x1, s1  }
0x8c: {  	s17 =	sshll.u32 s0, $0xA;
	s2 =	sadd.s32 s3, s2  }
0x8d: {  	s2 =	sadd.s32 s2, s17  }
0x8e: {  	[smem:$0x3FC0] =	sst s2  }
0x8f: {  	_ = 	snop  }
0x90: {  	s2 =	sld [smem:$0x3FD0];
	(tm) =	ssettm $0x1  }
0x91: {  	s18 =	sld [smem:$0x3FFB];
	_ =	sdelay $0x3  }
0x92: {  	_ =	strace s18  }
0x93: {  	s3 =	sld [smem:$0x3FFC];
	_ =	sdelay $0x3  }
0x94: {  	_ =	strace s3  }
0x95: {  	s3 =	sld [smem:$0x3FFD];
	_ =	sdelay $0x3  }
0x96: {  	_ =	strace s3  }
0x97: {  	_ =	strace $0x8FFFFFFF  }
0x98: {  	s19 =	sld [smem:$0x3FDB];
	_ =	sdelay $0x1  }
0x99: {  	s4 =	simm.s32 $_scs_section_size  }
0x9a: {  	s5 =	simm.s32 $_size__tile_overlayer_lowered;
	s6 =	simm.s32 $_tile_overlayer_lowered  }
0x9b: {  	s22 =	simm.s32 $0x1BFF;
	s21 =	sshll.u32 s6, $0x1;
	s3 =	sadd.s32 s4, s19  }
0x9c: {  	s7 =	simm.s32 $0x0;
	s20 =	sshll.u32 s5, $0x1;
	s5 =	sadd.s32 s21, s3  }
0x9d: {  	[timem:s7], [sflag:s22] =	dma.local [hbm:s5], s20  }
0x9e: {  	_ =	swait.ge [sflag:s22], s20  }
0x9f: {  	s4 =	ssub.s32 $0x0, s20;
	[sflag:s22] =	ssyncset.done $0x0  }
0xa0: {  	[sflag:s22] =	ssyncadd.s32 s4;
	_ =	sdelay $0x1  }
0xa1: {  	s23 =	simm.s32 $0x1B8B  }
0xa2: {  	_ =	swait.ge [sflag:s23], $0x1  }
0xa3: {  	[sflag:s23] =	ssyncset.done $0x0  }
0xa4: {  	s25 =	simm.s32 $0x1B8E;
	s24 =	sld [smem:$0x3FFE];
	[sflag:s23] =	ssyncadd.s32 $0xFFFFFFFF  }
0xa5: {  	s26 =	simm.s32 $execute0_lowered;
	[smem:$0x3FD2] =	sst s25  }
0xa6: {  	s5 =	sshll.u32 s26, $0x1;
	_ =	strace $0x80000049;
	[dreg:$0x1] =	wrdreg $0xFFFFFFFF  }
0xa7: {  	s28 =	simm.s32 $_size_execute0_lowered;
	s3 =	sadd.s32 s3, s5;
	[dreg:$0x0] =	wrdreg $0x0  }
0xa8: {  	s5 =	sshll.u32 s28, $0x1;
	[dreg:$0x2] =	wrdreg s3  }
0xa9: {  	[dreg:$0x3] =	wrdreg s5  }
0xaa: {  	[dreg:$0x4] =	wrdreg $0xC0  }
0xab: {  	_ =	task [dreg:s7], $0x5FFFF  }
0xac: {  	[dreg:$0x1] =	wrdreg $0xFFFFFFFF  }
0xad: {  	[dreg:$0x0] =	wrdreg $0x60  }
0xae: {  	[dreg:$0x2] =	wrdreg s2  }
0xaf: {  	[dreg:$0x3] =	wrdreg s24  }
0xb0: {  	[dreg:$0x4] =	wrdreg $0xA8000  }
0xb1: {  	[dreg:$0x5] =	wrdreg $0x9  }
0xb2: {  	_ =	task.clear_ibuf [dreg:s7], $0x6FFFF;
	_ =	strace $0x90000049  }
0xb3: {  	s29 =	simm.s32 $0x9;
	_ =	strace $0x8000004B  }
0xb4: {  	_ =	swait.ge [sflag:s29], $0x1  }
0xb5: {  	[sflag:s29] =	ssyncadd.s32 $0xFFFFFFFF  }
0xb6: {  	_ =	strace $0x9000004B  }
0xb7: {  	_ =	sfence  }
0xb8: {  	s30 =	sld [smem:$0x0];
	_ =	sdelay $0x2  }
0xb9: {  	s31 =	sshll.u32 s1, $0xD;
	s1 =	sshrl.u32 s1, $0x2  }
0xba: {  	s3 =	sand.u32 $0x4000, s31;
	s1 =	sadd.s32 s1, s30  }
0xbb: {  	s0 =	sor.u32 s3, s0;
	s1 =	sshll.u32 s1, $0x11  }
0xbc: {  	s0 =	sor.u32 s1, s0  }
0xbd: {  	s0 =	sadd.s32 $0x8F2B, s0  }
0xbe: {  	[sflag:s0] =	ssyncadd.remote.s32 $0x1  }
0xbf: {  	_ =	sfence.sel $0xFFFF  }
0xc0: {  	[dreg:$0x0] =	wrdreg $0xFFFFFFFF;
	(pc) =	sbr.abs _section_cstart, $3  }
0xc1: {  	[dreg:$0x1] =	wrdreg $0xFFFFFFFF  }
0xc2: {  	_ =	task.clear_ibuf [dreg:s7], $0x2FFFF;
	_ =	strace $0x9FFFFFFF  }
0xc3: {  	(tm) =	ssettm $0x7FFFFFFF  }
tec
execute0_lowered:
.L_overlay_start_1:
0x0: {  	(tag) =	ssettag $0x1  }
0x1: {  	s0 =	rddreg [dreg:$0x0]  }
0x2: {  	s6 =	rddreg [dreg:$0x1]  }
0x3: {  	s2 =	rddreg [dreg:$0x2];
	s3 =	simm.s32 $0x0  }
0x4: {  	s1 =	stileid.u32;
	s4 =	srdreg.scid;
	s18 =	simm.s32 $0x1400  }
0x5: {  	s19 =	simm.s32 $0x80;
	s20 =	simm.s32 $0x2800;
	s21 =	simm.s32 $0x1  }
0x6: {  	s28 =	simm.s32 $0x4;
	s29 =	simm.s32 $0x0;
	s5 =	smul.u32 $0x4E000, s1  }
0x7: {  	[smem:$0x7FF] =	sst s3;
	s10 =	sadd.s32 $0x3000, s6;
	s8 =	smul.u32 $0x2700, s1  }
0x8: {  	s7 =	sand.u32 $0x1, s4;
	s4 =	sadd.s32 $0xD000, s6;
	s13 =	smul.u32 $0x50, s1  }
0x9: {  	s14 =	sadd.s32 $0x34200, s6;
	s17 =	sadd.s32 $0x124800, s2;
	s24 =	smul.u32 $0x13800, s1  }
0xa: {  	s6 =	sadd.s32 $0x31900, s6;
	p0 =	seq.s32 s1, $0xF;
	s9 =	ssub.s32 $0x2, s7  }
0xb: {  	_ =	strace $0x8000004A;
	s11 =	smul.u32 $0x500, s7;
	s12 =	sshrl.u32 s9, $0x1  }
0xc: {  	s23 =	smul.u32 $0x138800, s7;
	s5 =	sshrl.u32 s5, $0x2;
	s15 =	ssub.s32 s9, s12  }
0xd: {  	s16 =	sadd.s32 s5, s2;
	s5 =	sadd.s32 s4, s8;
	s22 =	sadd.s32 s13, s11  }
0xe: {  	s26 =	sadd.s32 s24, s23;
	s30 =	sshrl.u32 s23, $0x3;
	s23 =	simm.s32 $0x2  }
0xf: {  	s24 =	simm.s32 $0x3;
	s8 =	sshll.u32 s22, $0x4;
	s31 =	sadd.s32 s14, s30  }
0x10: {  	s13 =	smax.u32 s15, $0x1;
	s16 =	sshrl.u32 @!p0 s16, $0x3;
	s22 =	simm.s32 $0x6800  }
.Ltmp0:
0x11: {  	s7 =	sadd.s32 s0, s8;
	s25 =	sadd.s32 $0x280, s8;
	(pc) =	sbr.rel .LBB2_1-.Ltmp0, $4  }
0x12: {  	s8 =	sadd.s32 s10, s8;
	s12 =	sadd.s32 $0x24900, s31;
	s9 =	sadd.s32 s0, s25  }
0x13: {  	s10 =	sadd.s32 s10, s25;
	s0 =	sshrl.u32 s26, $0x3;
	s25 =	simm.s32 $0x100  }
0x14: {  	s26 =	simm.s32 $0x1480;
	s11 =	sadd.s32 s14, s0;
	s0 =	sshll.u32 @!p0 s1, $0x6  }
0x15: {  	s14 =	sshrl.u32 @p0 s17, $0x3;
	s17 =	simm.s32 $0x5;
	s15 =	sor.u32 @!p0 $0x1C05, s0  }
.LBB2_7:
0x16: {  	[spmem:s2] =	stream.indirect.scatter.add.f32 [tilespmem:s22], [sflag:$0x4], $0x80, s0, s19, $0xb8;
	[tilespmem:$0x1E100] =	vst v63  }
0x17: {  	_ =	swait.ge [sflag:s24], $0x4000  }
0x18: {  	[sflag:s24] =	ssyncset.done $0x0  }
0x19: {  	[sflag:s24] =	ssyncadd.s32 $0xFFFFC000  }
0x1a: {  	_ =	swait.ge [sflag:s28], $0x4000  }
0x1b: {  	[sflag:s28] =	ssyncset.done $0x0  }
0x1c: {  	[sflag:s28] =	ssyncadd.s32 $0xFFFFC000  }
0x1d: {  	s0 =	simm.s32 @p0 $0x1FC5;
	[bflag:$0x0] =	sbarrier.arrive $0xFFFF  }
0x1e: {  	[hbm:s12], [sflag:s0] =	dma.local @p0 [spmem:s14], $0x2800  }
0x1f: {  	s0 =	simm.s32 @p0 $0x5  }
0x20: {  	s29 =	sadd.s32 $0x1, s29;
	_ =	swait.ge @p0 [sflag:s0], $0x2800  }
0x21: {  	p1 =	sne.s32 s29, s13;
	[sflag:s0] =	ssyncset.done @p0 $0x0  }
.Ltmp1:
0x22: {  	[sflag:s0] =	ssyncadd.s32 @p0 $0xFFFFD800;
	s0 =	simm.s32 @!p0 $0x5;
	(pc) =	sbr.rel @!p1 .LBB2_8-.Ltmp1, $4  }
0x23: {  	[hbm:s11], [sflag:s15] =	dma.local @!p0 [spmem:s16], $0x2700  }
0x24: {  	_ =	swait.ge @!p0 [sflag:s0], $0x2700  }
0x25: {  	[sflag:s0] =	ssyncset.done @!p0 $0x0  }
0x26: {  	[sflag:s0] =	ssyncadd.s32 @!p0 $0xFFFFD900  }
.LBB2_1:
0x27: {  	s0 =	simm.s32 @p0 $0x1FC5  }
0x28: {  	[spmem:s14], [sflag:s0] =	dma.local @p0 [hbm:s6], $0x2800  }
0x29: {  	s0 =	simm.s32 @p0 $0x5  }
0x2a: {  	_ =	swait.ge @p0 [sflag:s0], $0x2800  }
0x2b: {  	[sflag:s0] =	ssyncset.done @p0 $0x0  }
0x2c: {  	[sflag:s0] =	ssyncadd.s32 @p0 $0xFFFFD800;
	s0 =	simm.s32 @!p0 $0x5  }
0x2d: {  	[spmem:s16], [sflag:s15] =	dma.local @!p0 [hbm:s5], $0x2700  }
0x2e: {  	_ =	swait.ge @!p0 [sflag:s0], $0x2700  }
0x2f: {  	[sflag:s0] =	ssyncset.done @!p0 $0x0  }
0x30: {  	[sflag:s0] =	ssyncadd.s32 @!p0 $0xFFFFD900  }
0x31: {  	[bflag:$0x0] =	sbarrier.arrive $0xFFFF  }
0x32: {  	[tilespmem:s3], [sflag:$0x5] =	stream.linear.gather [hbm4b:s7+s3], $0x1400, $0x38;
	[tilespmem:$0x1E100] =	vst v63  }
0x33: {  	_ =	swait.ge [sflag:s17], $0x1400  }
0x34: {  	[sflag:s17] =	ssyncset.done $0x0  }
0x35: {  	[sflag:s17] =	ssyncadd.s32 $0xFFFFEC00  }
0x36: {  	[tilespmem:s18], [sflag:$0x5] =	stream.linear.gather [hbm4b:s8+s3], $0x1400, $0x38;
	[tilespmem:$0x1E100] =	vst v63  }
0x37: {  	_ =	swait.ge [sflag:s17], $0x1400  }
0x38: {  	[sflag:s17] =	ssyncset.done $0x0  }
0x39: {  	[sflag:s17] =	ssyncadd.s32 $0xFFFFEC00  }
0x3a: {  	[tilespmem:s20], [sflag:$0x1] =	stream.indirect.gather [hbm4b:s4+s19], $0x80, s3, s19, $0xb8;
	[tilespmem:$0x1E100] =	vst v63  }
0x3b: {  	_ =	swait.ge [sflag:s21], $0x4000  }
0x3c: {  	[sflag:s21] =	ssyncset.done $0x0  }
0x3d: {  	[sflag:s21] =	ssyncadd.s32 $0xFFFFC000  }
0x3e: {  	[tilespmem:s22], [sflag:$0x2] =	stream.indirect.gather [hbm4b:s4+s19], $0x80, s19, s19, $0xb8;
	[tilespmem:$0x1E100] =	vst v63  }
0x3f: {  	_ = 	snop  }
0x40: {  	[spmem:s2] =	stream.indirect.scatter.add.f32 [tilespmem:s20], [sflag:$0x3], $0x80, s18, s19, $0xb8;
	[tilespmem:$0x1E100] =	vst v63  }
0x41: {  	_ =	swait.ge [sflag:s23], $0x4000  }
0x42: {  	[sflag:s23] =	ssyncset.done $0x0  }
0x43: {  	[sflag:s23] =	ssyncadd.s32 $0xFFFFC000  }
0x44: {  	_ =	swait.ge [sflag:s24], $0x4000  }
0x45: {  	[sflag:s24] =	ssyncset.done $0x0  }
0x46: {  	[sflag:s24] =	ssyncadd.s32 $0xFFFFC000  }
0x47: {  	[tilespmem:s20], [sflag:$0x1] =	stream.indirect.gather [hbm4b:s4+s19], $0x80, s25, s19, $0xb8;
	[tilespmem:$0x1E100] =	vst v63  }
0x48: {  	s30 =	simm.s32 $0xFFFFB800  }
0x49: {  	[spmem:s2] =	stream.indirect.scatter.add.f32 [tilespmem:s22], [sflag:$0x4], $0x80, s26, s19, $0xb8;
	[tilespmem:$0x1E100] =	vst v63  }
.LBB2_2:
0x4a: {  	_ =	swait.ge [sflag:s21], $0x4000  }
0x4b: {  	[sflag:s21] =	ssyncset.done $0x0  }
0x4c: {  	[sflag:s21] =	ssyncadd.s32 $0xFFFFC000  }
0x4d: {  	_ =	swait.ge [sflag:s28], $0x4000  }
0x4e: {  	s31 =	sshra.s32 s30, $0x2;
	[sflag:s28] =	ssyncset.done $0x0  }
0x4f: {  	p1 =	seq.s32 s30, $0x0;
	s0 =	sadd.s32 $0x1380, s31;
	[sflag:s28] =	ssyncadd.s32 $0xFFFFC000  }
0x50: {  	[tilespmem:s22], [sflag:$0x2] =	stream.indirect.gather [hbm4b:s4+s19], $0x80, s0, s19, $0xb8;
	[tilespmem:$0x1E100] =	vst v63  }
.Ltmp2:
0x51: {  	s0 =	sadd.s32 $0x2700, s31;
	(pc) =	sbr.rel @p1 .LBB2_4-.Ltmp2, $4  }
0x52: {  	[spmem:s2] =	stream.indirect.scatter.add.f32 [tilespmem:s20], [sflag:$0x3], $0x80, s0, s19, $0xb8;
	[tilespmem:$0x1E100] =	vst v63  }
0x53: {  	_ =	swait.ge [sflag:s23], $0x4000  }
0x54: {  	[sflag:s23] =	ssyncset.done $0x0  }
0x55: {  	s0 =	sadd.s32 $0x2780, s31;
	[sflag:s23] =	ssyncadd.s32 $0xFFFFC000  }
0x56: {  	_ =	swait.ge [sflag:s24], $0x4000  }
.Ltmp3:
0x57: {  	[sflag:s24] =	ssyncset.done $0x0;
	(pc) =	sbr.rel .LBB2_2-.Ltmp3, $4  }
0x58: {  	s31 =	sadd.s32 $0x1400, s31;
	[sflag:s24] =	ssyncadd.s32 $0xFFFFC000  }
0x59: {  	[tilespmem:s20], [sflag:$0x1] =	stream.indirect.gather [hbm4b:s4+s19], $0x80, s31, s19, $0xb8;
	[tilespmem:$0x1E100] =	vst v63  }
0x5a: {  	s30 =	sadd.s32 $0x400, s30  }
0x5b: {  	[spmem:s2] =	stream.indirect.scatter.add.f32 [tilespmem:s22], [sflag:$0x4], $0x80, s0, s19, $0xb8;
	[tilespmem:$0x1E100] =	vst v63  }
.LBB2_4:
0x5c: {  	[spmem:s2] =	stream.indirect.scatter.add.f32 [tilespmem:s22], [sflag:$0x4], $0x80, s0, s19, $0xb8;
	[tilespmem:$0x1E100] =	vst v63  }
0x5d: {  	_ =	swait.ge [sflag:s24], $0x4000  }
0x5e: {  	[sflag:s24] =	ssyncset.done $0x0  }
0x5f: {  	[sflag:s24] =	ssyncadd.s32 $0xFFFFC000  }
0x60: {  	_ =	swait.ge [sflag:s28], $0x4000  }
0x61: {  	[sflag:s28] =	ssyncset.done $0x0  }
0x62: {  	[sflag:s28] =	ssyncadd.s32 $0xFFFFC000  }
0x63: {  	[tilespmem:s3], [sflag:$0x5] =	stream.linear.gather [hbm4b:s9+s3], $0x1400, $0x38;
	[tilespmem:$0x1E100] =	vst v63  }
0x64: {  	_ =	swait.ge [sflag:s17], $0x1400  }
0x65: {  	[sflag:s17] =	ssyncset.done $0x0  }
0x66: {  	[sflag:s17] =	ssyncadd.s32 $0xFFFFEC00  }
0x67: {  	[tilespmem:s18], [sflag:$0x5] =	stream.linear.gather [hbm4b:s10+s3], $0x1400, $0x38;
	[tilespmem:$0x1E100] =	vst v63  }
0x68: {  	_ =	swait.ge [sflag:s17], $0x1400  }
0x69: {  	[sflag:s17] =	ssyncset.done $0x0  }
0x6a: {  	[sflag:s17] =	ssyncadd.s32 $0xFFFFEC00  }
0x6b: {  	[tilespmem:s20], [sflag:$0x1] =	stream.indirect.gather [hbm4b:s4+s19], $0x80, s3, s19, $0xb8;
	[tilespmem:$0x1E100] =	vst v63  }
0x6c: {  	_ =	swait.ge [sflag:s21], $0x4000  }
0x6d: {  	[sflag:s21] =	ssyncset.done $0x0  }
0x6e: {  	[sflag:s21] =	ssyncadd.s32 $0xFFFFC000  }
0x6f: {  	[tilespmem:s22], [sflag:$0x2] =	stream.indirect.gather [hbm4b:s4+s19], $0x80, s19, s19, $0xb8;
	[tilespmem:$0x1E100] =	vst v63  }
0x70: {  	_ = 	snop  }
0x71: {  	[spmem:s2] =	stream.indirect.scatter.add.f32 [tilespmem:s20], [sflag:$0x3], $0x80, s18, s19, $0xb8;
	[tilespmem:$0x1E100] =	vst v63  }
0x72: {  	_ =	swait.ge [sflag:s23], $0x4000  }
0x73: {  	[sflag:s23] =	ssyncset.done $0x0  }
0x74: {  	[sflag:s23] =	ssyncadd.s32 $0xFFFFC000  }
0x75: {  	_ =	swait.ge [sflag:s24], $0x4000  }
0x76: {  	[sflag:s24] =	ssyncset.done $0x0  }
0x77: {  	[sflag:s24] =	ssyncadd.s32 $0xFFFFC000  }
0x78: {  	[tilespmem:s20], [sflag:$0x1] =	stream.indirect.gather [hbm4b:s4+s19], $0x80, s25, s19, $0xb8;
	[tilespmem:$0x1E100] =	vst v63  }
0x79: {  	s30 =	simm.s32 $0xFFFFB800  }
0x7a: {  	[spmem:s2] =	stream.indirect.scatter.add.f32 [tilespmem:s22], [sflag:$0x4], $0x80, s26, s19, $0xb8;
	[tilespmem:$0x1E100] =	vst v63  }
.LBB2_5:
0x7b: {  	_ =	swait.ge [sflag:s21], $0x4000  }
0x7c: {  	[sflag:s21] =	ssyncset.done $0x0  }
0x7d: {  	[sflag:s21] =	ssyncadd.s32 $0xFFFFC000  }
0x7e: {  	_ =	swait.ge [sflag:s28], $0x4000  }
0x7f: {  	s31 =	sshra.s32 s30, $0x2;
	[sflag:s28] =	ssyncset.done $0x0  }
0x80: {  	p1 =	seq.s32 s30, $0x0;
	s0 =	sadd.s32 $0x1380, s31;
	[sflag:s28] =	ssyncadd.s32 $0xFFFFC000  }
0x81: {  	[tilespmem:s22], [sflag:$0x2] =	stream.indirect.gather [hbm4b:s4+s19], $0x80, s0, s19, $0xb8;
	[tilespmem:$0x1E100] =	vst v63  }
.Ltmp4:
0x82: {  	s0 =	sadd.s32 $0x2700, s31;
	(pc) =	sbr.rel @p1 .LBB2_7-.Ltmp4, $4  }
0x83: {  	[spmem:s2] =	stream.indirect.scatter.add.f32 [tilespmem:s20], [sflag:$0x3], $0x80, s0, s19, $0xb8;
	[tilespmem:$0x1E100] =	vst v63  }
0x84: {  	_ =	swait.ge [sflag:s23], $0x4000  }
0x85: {  	[sflag:s23] =	ssyncset.done $0x0  }
0x86: {  	s0 =	sadd.s32 $0x2780, s31;
	[sflag:s23] =	ssyncadd.s32 $0xFFFFC000  }
0x87: {  	_ =	swait.ge [sflag:s24], $0x4000  }
.Ltmp5:
0x88: {  	[sflag:s24] =	ssyncset.done $0x0;
	(pc) =	sbr.rel .LBB2_5-.Ltmp5, $4  }
0x89: {  	s31 =	sadd.s32 $0x1400, s31;
	[sflag:s24] =	ssyncadd.s32 $0xFFFFC000  }
0x8a: {  	[tilespmem:s20], [sflag:$0x1] =	stream.indirect.gather [hbm4b:s4+s19], $0x80, s31, s19, $0xb8;
	[tilespmem:$0x1E100] =	vst v63  }
0x8b: {  	s30 =	sadd.s32 $0x400, s30  }
0x8c: {  	[spmem:s2] =	stream.indirect.scatter.add.f32 [tilespmem:s22], [sflag:$0x4], $0x80, s0, s19, $0xb8;
	[tilespmem:$0x1E100] =	vst v63  }
.LBB2_8:
0x8d: {  	_ =	sfence.sel $0x180000  }
0x8e: {  	[bflag:$0x0] =	sbarrier.arrive $0xFFFF  }
0x8f: {  	_ =	strace $0x9000004A  }
0x90: {  	[bflag:$0x2] =	sbarrier.arrive $0xFFFF  }
0x91: {  	p0 =	sne.s32 s1, $0x0;
	s0 =	rddreg [dreg:$0x3]  }
0x92: {  	s0 =	sadd.s32 @!p0 $0x100000, s0  }
0x93: {  	[sflag:s0] =	ssyncadd.tile.s32 @!p0 $0x1;
	_ =	shalt  }
.Lfunc_end2:
_tile_overlayer_lowered:
.L_overlay_start_2:
0x94: {  	(tag) =	ssettag $0x2  }
0x95: {  	s0 =	rddreg [dreg:$0x0];
	s2 =	stileid.u32  }
0x96: {  	s1 =	rddreg [dreg:$0x1];
	p0 =	sne.s32 s2, $0x0  }
0x97: {  	s3 =	rddreg [dreg:$0x2];
	[bflag:$0x3] =	sbarrier.arrive $0xFFFF;
	s2 =	simm.s32 @!p0 $0x1C05  }
0x98: {  	[timem:s3], [sflag:s2] =	dma.local @!p0 [hbm:s0], s1  }
0x99: {  	s0 =	simm.s32 @!p0 $0x5  }
0x9a: {  	_ =	swait.ge @!p0 [sflag:s0], s1  }
0x9b: {  	s1 =	ssub.s32 @!p0 $0x0, s1;
	[sflag:s0] =	ssyncset.done @!p0 $0x0  }
0x9c: {  	[sflag:s0] =	ssyncadd.s32 @!p0 s1  }
0x9d: {  	[bflag:$0x3] =	sbarrier.arrive $0xFFFF  }
0x9e: {  	_ =	shalt  }

// kernel: kernel.16.cloned.1.call-start
scs
__scs_entry_jumppad:
0x0: {  	(pc) =	sbr.rel $0x88, $3  }
0x1: {  	(tag) =	ssettag $0x0;
	lr =	simm.s32 $0x1  }
0x2: {  	[smem:$0x3F99] =	sst lr;
	_ =	strace $0xD0000000  }
0x3: {  	_ = 	snop  }
0x4: {  	_ = 	snop  }
0x5: {  	_ = 	snop  }
0x6: {  	_ = 	snop  }
0x7: {  	_ = 	snop  }
__scs_overlays_trampoline_lowered:
0x8: {  	[smem:$0x3FA8] =	sst s0  }
0x9: {  	[smem:$0x3FA9] =	sst s1  }
0xa: {  	[smem:$0x3FAA] =	sst s2  }
0xb: {  	[smem:$0x3FAB] =	sst s3  }
0xc: {  	[smem:$0x3FAC] =	sst s4  }
0xd: {  	[smem:$0x3FAD] =	sst s5  }
0xe: {  	[smem:$0x3FAE] =	sst s6  }
0xf: {  	[smem:$0x3FAF] =	sst s7  }
0x10: {  	[smem:$0x3FB0] =	sst s8  }
0x11: {  	[smem:$0x3FB1] =	sst s9;
	s0 =	simm.s32 @!p0 $0x0  }
0x12: {  	s1 =	sld [smem:$0x3F97];
	s0 =	simm.s32 @p0 $0x1  }
0x13: {  	[smem:$0x3FB2] =	sst s0;
	s0 =	simm.s32 @!p1 $0x0  }
0x14: {  	s2 =	sld [smem:$0x3F96];
	s0 =	simm.s32 @p1 $0x1  }
0x15: {  	[smem:$0x3FB3] =	sst s0;
	s0 =	simm.s32 @!p2 $0x0  }
0x16: {  	s3 =	sld [smem:$0x3FDB];
	s0 =	simm.s32 @p2 $0x1  }
0x17: {  	s4 =	simm.s32 $0x1BF5;
	[smem:$0x3FB5] =	sst s0  }
0x18: {  	s0 =	sld [smem:$0x3F98];
	_ =	swait.ge [sflag:s4], $0x0  }
0x19: {  	s7 =	sld [smem:$0x3F99]  }
0x1a: {  	s8 =	sadd.s32 $0xFFFFE003, lr  }
0x1b: {  	s9 =	sadd.s32 $0xFFFFFEF7, lr;
	s5 =	simm.s32 $0xFFFFFFFF;
	p2 =	slt.u32 s8, $0xFFFFF086  }
0x1c: {  	p1 =	slt.u32 s9, $0xF7A;
	s5 =	simm.s32 @!p2 $0x0  }
0x1d: {  	s5 =	simm.s32 @p1 $0x1;
	p0 =	seq.s32 s7, s2  }
0x1e: {  	s7 =	smul.u32 @!p0 $0xF7A, s2;
	p2 =	seq.s32 @!p0 s5, $0x0  }
0x1f: {  	s9 =	smul.u32 $0xF7A, s1;
	s8 =	simm.s32 @!p0 $0x1BF5;
	p2 =	por !p2, p0  }
0x20: {  	[sflag:s8] =	ssyncset.s32 @!p0 $0xFFFFF086;
	s6 =	sadd.s32 @!p0 s3, s7;
	s7 =	simm.s32 @!p0 $0x108  }
0x21: {  	s3 =	sadd.s32 s3, s9;
	s6 =	sadd.s32 @!p0 $0x88, s6;
	s7 =	simm.s32 @p2 $0x1082  }
0x22: {  	[simem:s7], [sflag:s8] =	dma.local @!p0 [hbm:s6], $0xF7A  }
0x23: {  	s9 =	sor.u32 $0xD0000000, s2;
	s6 =	simm.s32 $0x108;
	_ =	swait.ge @!p0 [sflag:s8], $0x0  }
0x24: {  	s3 =	sadd.s32 $0x88, s3;
	s6 =	simm.s32 @!p1 $0x1082;
	[sflag:s4] =	ssyncset.s32 $0xFFFFF086  }
0x25: {  	[simem:s6], [sflag:s4] =	dma.local [hbm:s3], $0xF7A  }
0x26: {  	[smem:$0x3F99] =	sst s1;
	(tag) =	ssettag s2;
	_ =	strace s9  }
0x27: {  	s1 =	sld [smem:$0x3FA9]  }
0x28: {  	s2 =	sld [smem:$0x3FAA]  }
0x29: {  	s4 =	sld [smem:$0x3FAC]  }
0x2a: {  	p0 =	seq.s32 s5, $0x0;
	s5 =	sld [smem:$0x3FAD]  }
0x2b: {  	s6 =	sld [smem:$0x3FAE]  }
0x2c: {  	s7 =	sld [smem:$0x3FAF]  }
0x2d: {  	s3 =	simm.s32 $0x108;
	s8 =	sld [smem:$0x3FB0]  }
0x2e: {  	s3 =	simm.s32 @!p0 $0x1082;
	s9 =	sld [smem:$0x3FB1]  }
0x2f: {  	lr =	sadd.s32 s0, s3;
	s0 =	sld [smem:$0x3FA8]  }
0x30: {  	s3 =	sld [smem:$0x3FAB]  }
0x31: {  	[smem:$0x3FB4] =	sst s10  }
0x32: {  	s10 =	sld [smem:$0x3FB2];
	_ =	sdelay $0x3  }
0x33: {  	p0 =	seq.s32 s10, $0x1;
	s10 =	sld [smem:$0x3FB4];
	_ =	sdelay $0x3  }
0x34: {  	[smem:$0x3FB4] =	sst s10  }
0x35: {  	s10 =	sld [smem:$0x3FB3];
	_ =	sdelay $0x3  }
0x36: {  	p1 =	seq.s32 s10, $0x1;
	s10 =	sld [smem:$0x3FB4];
	_ =	sdelay $0x3  }
0x37: {  	[smem:$0x3FB4] =	sst s10  }
0x38: {  	s10 =	sld [smem:$0x3FB5]  }
0x39: {  	_ = 	snop;
	(pc) =	sbr.ind lr, $3  }
0x3a: {  	_ = 	snop  }
0x3b: {  	_ = 	snop  }
0x3c: {  	p2 =	seq.s32 s10, $0x1;
	s10 =	sld [smem:$0x3FB4]  }
0x3d: {  	_ =	shalt  }
0x3e: {  	_ =	shalt  }
0x3f: {  	_ =	shalt  }
0x40: {  	_ =	shalt  }
0x41: {  	_ =	shalt  }
0x42: {  	_ =	shalt  }
0x43: {  	_ =	shalt  }
0x44: {  	_ =	shalt  }
0x45: {  	_ =	shalt  }
0x46: {  	_ =	shalt  }
0x47: {  	_ =	shalt  }
0x48: {  	_ =	shalt  }
0x49: {  	_ =	shalt  }
0x4a: {  	_ =	shalt  }
0x4b: {  	_ =	shalt  }
0x4c: {  	_ =	shalt  }
0x4d: {  	_ =	shalt  }
0x4e: {  	_ =	shalt  }
0x4f: {  	_ =	shalt  }
0x50: {  	_ =	shalt  }
0x51: {  	_ =	shalt  }
0x52: {  	_ =	shalt  }
0x53: {  	_ =	shalt  }
0x54: {  	_ =	shalt  }
0x55: {  	_ =	shalt  }
0x56: {  	_ =	shalt  }
0x57: {  	_ =	shalt  }
0x58: {  	_ =	shalt  }
0x59: {  	_ =	shalt  }
0x5a: {  	_ =	shalt  }
0x5b: {  	_ =	shalt  }
0x5c: {  	_ =	shalt  }
0x5d: {  	_ =	shalt  }
0x5e: {  	_ =	shalt  }
0x5f: {  	_ =	shalt  }
0x60: {  	_ =	shalt  }
0x61: {  	_ =	shalt  }
0x62: {  	_ =	shalt  }
0x63: {  	_ =	shalt  }
0x64: {  	_ =	shalt  }
0x65: {  	_ =	shalt  }
0x66: {  	_ =	shalt  }
0x67: {  	_ =	shalt  }
0x68: {  	_ =	shalt  }
0x69: {  	_ =	shalt  }
0x6a: {  	_ =	shalt  }
0x6b: {  	_ =	shalt  }
0x6c: {  	_ =	shalt  }
0x6d: {  	_ =	shalt  }
0x6e: {  	_ =	shalt  }
0x6f: {  	_ =	shalt  }
0x70: {  	_ =	shalt  }
0x71: {  	_ =	shalt  }
0x72: {  	_ =	shalt  }
0x73: {  	_ =	shalt  }
0x74: {  	_ =	shalt  }
0x75: {  	_ =	shalt  }
0x76: {  	_ =	shalt  }
0x77: {  	_ =	shalt  }
0x78: {  	_ =	shalt  }
0x79: {  	_ =	shalt  }
0x7a: {  	_ =	shalt  }
0x7b: {  	_ =	shalt  }
0x7c: {  	_ =	shalt  }
0x7d: {  	_ =	shalt  }
0x7e: {  	_ =	shalt  }
0x7f: {  	_ =	shalt  }
0x80: {  	_ =	shalt  }
0x81: {  	_ =	shalt  }
0x82: {  	_ =	shalt  }
0x83: {  	_ =	shalt  }
0x84: {  	_ =	shalt  }
0x85: {  	_ =	shalt  }
0x86: {  	_ =	shalt  }
0x87: {  	_ =	shalt  }
.Lfunc_end0:
.L_simem_size_0:
called_computation.2_lowered:
.L_overlay_start_0:
0x88: {  	s2 =	sld [smem:$0x3FD9]  }
0x89: {  	s3 =	sld [smem:$0x3FFE];
	_ =	sdelay $0x1  }
0x8a: {  	s1 =	srdreg.scid  }
0x8b: {  	s0 =	sand.u32 $0x1, s1  }
0x8c: {  	s17 =	sshll.u32 s0, $0xA;
	s2 =	sadd.s32 s3, s2  }
0x8d: {  	s2 =	sadd.s32 s2, s17  }
0x8e: {  	[smem:$0x3FC0] =	sst s2  }
0x8f: {  	_ = 	snop  }
0x90: {  	s2 =	sld [smem:$0x3FD0];
	(tm) =	ssettm $0x1  }
0x91: {  	s18 =	sld [smem:$0x3FFB];
	_ =	sdelay $0x3  }
0x92: {  	_ =	strace s18  }
0x93: {  	s3 =	sld [smem:$0x3FFC];
	_ =	sdelay $0x3  }
0x94: {  	_ =	strace s3  }
0x95: {  	s3 =	sld [smem:$0x3FFD];
	_ =	sdelay $0x3  }
0x96: {  	_ =	strace s3  }
0x97: {  	_ =	strace $0x8FFFFFFF  }
0x98: {  	s19 =	sld [smem:$0x3FDB];
	_ =	sdelay $0x1  }
0x99: {  	s4 =	simm.s32 $_scs_section_size  }
0x9a: {  	s5 =	simm.s32 $_size__tile_overlayer_lowered;
	s6 =	simm.s32 $_tile_overlayer_lowered  }
0x9b: {  	s22 =	simm.s32 $0x1BFF;
	s21 =	sshll.u32 s6, $0x1;
	s3 =	sadd.s32 s4, s19  }
0x9c: {  	s7 =	simm.s32 $0x0;
	s20 =	sshll.u32 s5, $0x1;
	s5 =	sadd.s32 s21, s3  }
0x9d: {  	[timem:s7], [sflag:s22] =	dma.local [hbm:s5], s20  }
0x9e: {  	_ =	swait.ge [sflag:s22], s20  }
0x9f: {  	s4 =	ssub.s32 $0x0, s20;
	[sflag:s22] =	ssyncset.done $0x0  }
0xa0: {  	[sflag:s22] =	ssyncadd.s32 s4;
	_ =	sdelay $0x1  }
0xa1: {  	s23 =	simm.s32 $0x1B8B  }
0xa2: {  	_ =	swait.ge [sflag:s23], $0x1  }
0xa3: {  	[sflag:s23] =	ssyncset.done $0x0  }
0xa4: {  	s25 =	simm.s32 $0x1B8E;
	s24 =	sld [smem:$0x3FFE];
	[sflag:s23] =	ssyncadd.s32 $0xFFFFFFFF  }
0xa5: {  	s26 =	simm.s32 $execute0_lowered;
	[smem:$0x3FD2] =	sst s25  }
0xa6: {  	s5 =	sshll.u32 s26, $0x1;
	_ =	strace $0x8000004C;
	[dreg:$0x1] =	wrdreg $0xFFFFFFFF  }
0xa7: {  	s28 =	simm.s32 $_size_execute0_lowered;
	s3 =	sadd.s32 s3, s5;
	[dreg:$0x0] =	wrdreg $0x0  }
0xa8: {  	s5 =	sshll.u32 s28, $0x1;
	[dreg:$0x2] =	wrdreg s3  }
0xa9: {  	[dreg:$0x3] =	wrdreg s5  }
0xaa: {  	[dreg:$0x4] =	wrdreg $0xC0  }
0xab: {  	_ =	task [dreg:s7], $0x5FFFF  }
0xac: {  	[dreg:$0x1] =	wrdreg $0xFFFFFFFF  }
0xad: {  	[dreg:$0x0] =	wrdreg $0x60  }
0xae: {  	[dreg:$0x2] =	wrdreg s2  }
0xaf: {  	[dreg:$0x3] =	wrdreg s24  }
0xb0: {  	[dreg:$0x4] =	wrdreg $0xA8000  }
0xb1: {  	[dreg:$0x5] =	wrdreg $0x9  }
0xb2: {  	_ =	task.clear_ibuf [dreg:s7], $0x6FFFF;
	_ =	strace $0x9000004C  }
0xb3: {  	s29 =	simm.s32 $0x9;
	_ =	strace $0x8000004E  }
0xb4: {  	_ =	swait.ge [sflag:s29], $0x1  }
0xb5: {  	[sflag:s29] =	ssyncadd.s32 $0xFFFFFFFF  }
0xb6: {  	_ =	strace $0x9000004E  }
0xb7: {  	_ =	sfence  }
0xb8: {  	s30 =	sld [smem:$0x0];
	_ =	sdelay $0x2  }
0xb9: {  	s31 =	sshll.u32 s1, $0xD;
	s1 =	sshrl.u32 s1, $0x2  }
0xba: {  	s3 =	sand.u32 $0x4000, s31;
	s1 =	sadd.s32 s1, s30  }
0xbb: {  	s0 =	sor.u32 s3, s0;
	s1 =	sshll.u32 s1, $0x11  }
0xbc: {  	s0 =	sor.u32 s1, s0  }
0xbd: {  	s0 =	sadd.s32 $0x8F2B, s0  }
0xbe: {  	[sflag:s0] =	ssyncadd.remote.s32 $0x1  }
0xbf: {  	_ =	sfence.sel $0xFFFF  }
0xc0: {  	[dreg:$0x0] =	wrdreg $0xFFFFFFFF;
	(pc) =	sbr.abs _section_cstart, $3  }
0xc1: {  	[dreg:$0x1] =	wrdreg $0xFFFFFFFF  }
0xc2: {  	_ =	task.clear_ibuf [dreg:s7], $0x2FFFF;
	_ =	strace $0x9FFFFFFF  }
0xc3: {  	(tm) =	ssettm $0x7FFFFFFF  }
tec
execute0_lowered:
.L_overlay_start_1:
0x0: {  	(tag) =	ssettag $0x1  }
0x1: {  	s0 =	rddreg [dreg:$0x0]  }
0x2: {  	s6 =	rddreg [dreg:$0x1]  }
0x3: {  	s2 =	rddreg [dreg:$0x2];
	s3 =	simm.s32 $0x0  }
0x4: {  	s1 =	stileid.u32;
	s4 =	srdreg.scid;
	s18 =	simm.s32 $0x1400  }
0x5: {  	s19 =	simm.s32 $0x80;
	s20 =	simm.s32 $0x2800;
	s21 =	simm.s32 $0x1  }
0x6: {  	s28 =	simm.s32 $0x4;
	s29 =	simm.s32 $0x0;
	s5 =	smul.u32 $0x4E000, s1  }
0x7: {  	[smem:$0x7FF] =	sst s3;
	s10 =	sadd.s32 $0x3000, s6;
	s8 =	smul.u32 $0x2700, s1  }
0x8: {  	s7 =	sand.u32 $0x1, s4;
	s4 =	sadd.s32 $0xD000, s6;
	s13 =	smul.u32 $0x50, s1  }
0x9: {  	s14 =	sadd.s32 $0x34200, s6;
	s17 =	sadd.s32 $0x124800, s2;
	s24 =	smul.u32 $0x13800, s1  }
0xa: {  	s6 =	sadd.s32 $0x31900, s6;
	p0 =	seq.s32 s1, $0xF;
	s9 =	ssub.s32 $0x2, s7  }
0xb: {  	_ =	strace $0x8000004D;
	s11 =	smul.u32 $0x500, s7;
	s12 =	sshrl.u32 s9, $0x1  }
0xc: {  	s23 =	smul.u32 $0x138800, s7;
	s5 =	sshrl.u32 s5, $0x2;
	s15 =	ssub.s32 s9, s12  }
0xd: {  	s16 =	sadd.s32 s5, s2;
	s5 =	sadd.s32 s4, s8;
	s22 =	sadd.s32 s13, s11  }
0xe: {  	s26 =	sadd.s32 s24, s23;
	s30 =	sshrl.u32 s23, $0x3;
	s23 =	simm.s32 $0x2  }
0xf: {  	s24 =	simm.s32 $0x3;
	s8 =	sshll.u32 s22, $0x4;
	s31 =	sadd.s32 s14, s30  }
0x10: {  	s13 =	smax.u32 s15, $0x1;
	s16 =	sshrl.u32 @!p0 s16, $0x3;
	s22 =	simm.s32 $0x6800  }
.Ltmp0:
0x11: {  	s7 =	sadd.s32 s0, s8;
	s25 =	sadd.s32 $0x280, s8;
	(pc) =	sbr.rel .LBB2_1-.Ltmp0, $4  }
0x12: {  	s8 =	sadd.s32 s10, s8;
	s12 =	sadd.s32 $0x24900, s31;
	s9 =	sadd.s32 s0, s25  }
0x13: {  	s10 =	sadd.s32 s10, s25;
	s0 =	sshrl.u32 s26, $0x3;
	s25 =	simm.s32 $0x100  }
0x14: {  	s26 =	simm.s32 $0x1480;
	s11 =	sadd.s32 s14, s0;
	s0 =	sshll.u32 @!p0 s1, $0x6  }
0x15: {  	s14 =	sshrl.u32 @p0 s17, $0x3;
	s17 =	simm.s32 $0x5;
	s15 =	sor.u32 @!p0 $0x1C05, s0  }
.LBB2_7:
0x16: {  	[spmem:s2] =	stream.indirect.scatter.add.f32 [tilespmem:s22], [sflag:$0x4], $0x80, s0, s19, $0xb8;
	[tilespmem:$0x1E100] =	vst v63  }
0x17: {  	_ =	swait.ge [sflag:s24], $0x4000  }
0x18: {  	[sflag:s24] =	ssyncset.done $0x0  }
0x19: {  	[sflag:s24] =	ssyncadd.s32 $0xFFFFC000  }
0x1a: {  	_ =	swait.ge [sflag:s28], $0x4000  }
0x1b: {  	[sflag:s28] =	ssyncset.done $0x0  }
0x1c: {  	[sflag:s28] =	ssyncadd.s32 $0xFFFFC000  }
0x1d: {  	s0 =	simm.s32 @p0 $0x1FC5;
	[bflag:$0x0] =	sbarrier.arrive $0xFFFF  }
0x1e: {  	[hbm:s12], [sflag:s0] =	dma.local @p0 [spmem:s14], $0x2800  }
0x1f: {  	s0 =	simm.s32 @p0 $0x5  }
0x20: {  	s29 =	sadd.s32 $0x1, s29;
	_ =	swait.ge @p0 [sflag:s0], $0x2800  }
0x21: {  	p1 =	sne.s32 s29, s13;
	[sflag:s0] =	ssyncset.done @p0 $0x0  }
.Ltmp1:
0x22: {  	[sflag:s0] =	ssyncadd.s32 @p0 $0xFFFFD800;
	s0 =	simm.s32 @!p0 $0x5;
	(pc) =	sbr.rel @!p1 .LBB2_8-.Ltmp1, $4  }
0x23: {  	[hbm:s11], [sflag:s15] =	dma.local @!p0 [spmem:s16], $0x2700  }
0x24: {  	_ =	swait.ge @!p0 [sflag:s0], $0x2700  }
0x25: {  	[sflag:s0] =	ssyncset.done @!p0 $0x0  }
0x26: {  	[sflag:s0] =	ssyncadd.s32 @!p0 $0xFFFFD900  }
.LBB2_1:
0x27: {  	s0 =	simm.s32 @p0 $0x1FC5  }
0x28: {  	[spmem:s14], [sflag:s0] =	dma.local @p0 [hbm:s6], $0x2800  }
0x29: {  	s0 =	simm.s32 @p0 $0x5  }
0x2a: {  	_ =	swait.ge @p0 [sflag:s0], $0x2800  }
0x2b: {  	[sflag:s0] =	ssyncset.done @p0 $0x0  }
0x2c: {  	[sflag:s0] =	ssyncadd.s32 @p0 $0xFFFFD800;
	s0 =	simm.s32 @!p0 $0x5  }
0x2d: {  	[spmem:s16], [sflag:s15] =	dma.local @!p0 [hbm:s5], $0x2700  }
0x2e: {  	_ =	swait.ge @!p0 [sflag:s0], $0x2700  }
0x2f: {  	[sflag:s0] =	ssyncset.done @!p0 $0x0  }
0x30: {  	[sflag:s0] =	ssyncadd.s32 @!p0 $0xFFFFD900  }
0x31: {  	[bflag:$0x0] =	sbarrier.arrive $0xFFFF  }
0x32: {  	[tilespmem:s3], [sflag:$0x5] =	stream.linear.gather [hbm4b:s7+s3], $0x1400, $0x38;
	[tilespmem:$0x1E100] =	vst v63  }
0x33: {  	_ =	swait.ge [sflag:s17], $0x1400  }
0x34: {  	[sflag:s17] =	ssyncset.done $0x0  }
0x35: {  	[sflag:s17] =	ssyncadd.s32 $0xFFFFEC00  }
0x36: {  	[tilespmem:s18], [sflag:$0x5] =	stream.linear.gather [hbm4b:s8+s3], $0x1400, $0x38;
	[tilespmem:$0x1E100] =	vst v63  }
0x37: {  	_ =	swait.ge [sflag:s17], $0x1400  }
0x38: {  	[sflag:s17] =	ssyncset.done $0x0  }
0x39: {  	[sflag:s17] =	ssyncadd.s32 $0xFFFFEC00  }
0x3a: {  	[tilespmem:s20], [sflag:$0x1] =	stream.indirect.gather [hbm4b:s4+s19], $0x80, s3, s19, $0xb8;
	[tilespmem:$0x1E100] =	vst v63  }
0x3b: {  	_ =	swait.ge [sflag:s21], $0x4000  }
0x3c: {  	[sflag:s21] =	ssyncset.done $0x0  }
0x3d: {  	[sflag:s21] =	ssyncadd.s32 $0xFFFFC000  }
0x3e: {  	[tilespmem:s22], [sflag:$0x2] =	stream.indirect.gather [hbm4b:s4+s19], $0x80, s19, s19, $0xb8;
	[tilespmem:$0x1E100] =	vst v63  }
0x3f: {  	_ = 	snop  }
0x40: {  	[spmem:s2] =	stream.indirect.scatter.add.f32 [tilespmem:s20], [sflag:$0x3], $0x80, s18, s19, $0xb8;
	[tilespmem:$0x1E100] =	vst v63  }
0x41: {  	_ =	swait.ge [sflag:s23], $0x4000  }
0x42: {  	[sflag:s23] =	ssyncset.done $0x0  }
0x43: {  	[sflag:s23] =	ssyncadd.s32 $0xFFFFC000  }
0x44: {  	_ =	swait.ge [sflag:s24], $0x4000  }
0x45: {  	[sflag:s24] =	ssyncset.done $0x0  }
0x46: {  	[sflag:s24] =	ssyncadd.s32 $0xFFFFC000  }
0x47: {  	[tilespmem:s20], [sflag:$0x1] =	stream.indirect.gather [hbm4b:s4+s19], $0x80, s25, s19, $0xb8;
	[tilespmem:$0x1E100] =	vst v63  }
0x48: {  	s30 =	simm.s32 $0xFFFFB800  }
0x49: {  	[spmem:s2] =	stream.indirect.scatter.add.f32 [tilespmem:s22], [sflag:$0x4], $0x80, s26, s19, $0xb8;
	[tilespmem:$0x1E100] =	vst v63  }
.LBB2_2:
0x4a: {  	_ =	swait.ge [sflag:s21], $0x4000  }
0x4b: {  	[sflag:s21] =	ssyncset.done $0x0  }
0x4c: {  	[sflag:s21] =	ssyncadd.s32 $0xFFFFC000  }
0x4d: {  	_ =	swait.ge [sflag:s28], $0x4000  }
0x4e: {  	s31 =	sshra.s32 s30, $0x2;
	[sflag:s28] =	ssyncset.done $0x0  }
0x4f: {  	p1 =	seq.s32 s30, $0x0;
	s0 =	sadd.s32 $0x1380, s31;
	[sflag:s28] =	ssyncadd.s32 $0xFFFFC000  }
0x50: {  	[tilespmem:s22], [sflag:$0x2] =	stream.indirect.gather [hbm4b:s4+s19], $0x80, s0, s19, $0xb8;
	[tilespmem:$0x1E100] =	vst v63  }
.Ltmp2:
0x51: {  	s0 =	sadd.s32 $0x2700, s31;
	(pc) =	sbr.rel @p1 .LBB2_4-.Ltmp2, $4  }
0x52: {  	[spmem:s2] =	stream.indirect.scatter.add.f32 [tilespmem:s20], [sflag:$0x3], $0x80, s0, s19, $0xb8;
	[tilespmem:$0x1E100] =	vst v63  }
0x53: {  	_ =	swait.ge [sflag:s23], $0x4000  }
0x54: {  	[sflag:s23] =	ssyncset.done $0x0  }
0x55: {  	s0 =	sadd.s32 $0x2780, s31;
	[sflag:s23] =	ssyncadd.s32 $0xFFFFC000  }
0x56: {  	_ =	swait.ge [sflag:s24], $0x4000  }
.Ltmp3:
0x57: {  	[sflag:s24] =	ssyncset.done $0x0;
	(pc) =	sbr.rel .LBB2_2-.Ltmp3, $4  }
0x58: {  	s31 =	sadd.s32 $0x1400, s31;
	[sflag:s24] =	ssyncadd.s32 $0xFFFFC000  }
0x59: {  	[tilespmem:s20], [sflag:$0x1] =	stream.indirect.gather [hbm4b:s4+s19], $0x80, s31, s19, $0xb8;
	[tilespmem:$0x1E100] =	vst v63  }
0x5a: {  	s30 =	sadd.s32 $0x400, s30  }
0x5b: {  	[spmem:s2] =	stream.indirect.scatter.add.f32 [tilespmem:s22], [sflag:$0x4], $0x80, s0, s19, $0xb8;
	[tilespmem:$0x1E100] =	vst v63  }
.LBB2_4:
0x5c: {  	[spmem:s2] =	stream.indirect.scatter.add.f32 [tilespmem:s22], [sflag:$0x4], $0x80, s0, s19, $0xb8;
	[tilespmem:$0x1E100] =	vst v63  }
0x5d: {  	_ =	swait.ge [sflag:s24], $0x4000  }
0x5e: {  	[sflag:s24] =	ssyncset.done $0x0  }
0x5f: {  	[sflag:s24] =	ssyncadd.s32 $0xFFFFC000  }
0x60: {  	_ =	swait.ge [sflag:s28], $0x4000  }
0x61: {  	[sflag:s28] =	ssyncset.done $0x0  }
0x62: {  	[sflag:s28] =	ssyncadd.s32 $0xFFFFC000  }
0x63: {  	[tilespmem:s3], [sflag:$0x5] =	stream.linear.gather [hbm4b:s9+s3], $0x1400, $0x38;
	[tilespmem:$0x1E100] =	vst v63  }
0x64: {  	_ =	swait.ge [sflag:s17], $0x1400  }
0x65: {  	[sflag:s17] =	ssyncset.done $0x0  }
0x66: {  	[sflag:s17] =	ssyncadd.s32 $0xFFFFEC00  }
0x67: {  	[tilespmem:s18], [sflag:$0x5] =	stream.linear.gather [hbm4b:s10+s3], $0x1400, $0x38;
	[tilespmem:$0x1E100] =	vst v63  }
0x68: {  	_ =	swait.ge [sflag:s17], $0x1400  }
0x69: {  	[sflag:s17] =	ssyncset.done $0x0  }
0x6a: {  	[sflag:s17] =	ssyncadd.s32 $0xFFFFEC00  }
0x6b: {  	[tilespmem:s20], [sflag:$0x1] =	stream.indirect.gather [hbm4b:s4+s19], $0x80, s3, s19, $0xb8;
	[tilespmem:$0x1E100] =	vst v63  }
0x6c: {  	_ =	swait.ge [sflag:s21], $0x4000  }
0x6d: {  	[sflag:s21] =	ssyncset.done $0x0  }
0x6e: {  	[sflag:s21] =	ssyncadd.s32 $0xFFFFC000  }
0x6f: {  	[tilespmem:s22], [sflag:$0x2] =	stream.indirect.gather [hbm4b:s4+s19], $0x80, s19, s19, $0xb8;
	[tilespmem:$0x1E100] =	vst v63  }
0x70: {  	_ = 	snop  }
0x71: {  	[spmem:s2] =	stream.indirect.scatter.add.f32 [tilespmem:s20], [sflag:$0x3], $0x80, s18, s19, $0xb8;
	[tilespmem:$0x1E100] =	vst v63  }
0x72: {  	_ =	swait.ge [sflag:s23], $0x4000  }
0x73: {  	[sflag:s23] =	ssyncset.done $0x0  }
0x74: {  	[sflag:s23] =	ssyncadd.s32 $0xFFFFC000  }
0x75: {  	_ =	swait.ge [sflag:s24], $0x4000  }
0x76: {  	[sflag:s24] =	ssyncset.done $0x0  }
0x77: {  	[sflag:s24] =	ssyncadd.s32 $0xFFFFC000  }
0x78: {  	[tilespmem:s20], [sflag:$0x1] =	stream.indirect.gather [hbm4b:s4+s19], $0x80, s25, s19, $0xb8;
	[tilespmem:$0x1E100] =	vst v63  }
0x79: {  	s30 =	simm.s32 $0xFFFFB800  }
0x7a: {  	[spmem:s2] =	stream.indirect.scatter.add.f32 [tilespmem:s22], [sflag:$0x4], $0x80, s26, s19, $0xb8;
	[tilespmem:$0x1E100] =	vst v63  }
.LBB2_5:
0x7b: {  	_ =	swait.ge [sflag:s21], $0x4000  }
0x7c: {  	[sflag:s21] =	ssyncset.done $0x0  }
0x7d: {  	[sflag:s21] =	ssyncadd.s32 $0xFFFFC000  }
0x7e: {  	_ =	swait.ge [sflag:s28], $0x4000  }
0x7f: {  	s31 =	sshra.s32 s30, $0x2;
	[sflag:s28] =	ssyncset.done $0x0  }
0x80: {  	p1 =	seq.s32 s30, $0x0;
	s0 =	sadd.s32 $0x1380, s31;
	[sflag:s28] =	ssyncadd.s32 $0xFFFFC000  }
0x81: {  	[tilespmem:s22], [sflag:$0x2] =	stream.indirect.gather [hbm4b:s4+s19], $0x80, s0, s19, $0xb8;
	[tilespmem:$0x1E100] =	vst v63  }
.Ltmp4:
0x82: {  	s0 =	sadd.s32 $0x2700, s31;
	(pc) =	sbr.rel @p1 .LBB2_7-.Ltmp4, $4  }
0x83: {  	[spmem:s2] =	stream.indirect.scatter.add.f32 [tilespmem:s20], [sflag:$0x3], $0x80, s0, s19, $0xb8;
	[tilespmem:$0x1E100] =	vst v63  }
0x84: {  	_ =	swait.ge [sflag:s23], $0x4000  }
0x85: {  	[sflag:s23] =	ssyncset.done $0x0  }
0x86: {  	s0 =	sadd.s32 $0x2780, s31;
	[sflag:s23] =	ssyncadd.s32 $0xFFFFC000  }
0x87: {  	_ =	swait.ge [sflag:s24], $0x4000  }
.Ltmp5:
0x88: {  	[sflag:s24] =	ssyncset.done $0x0;
	(pc) =	sbr.rel .LBB2_5-.Ltmp5, $4  }
0x89: {  	s31 =	sadd.s32 $0x1400, s31;
	[sflag:s24] =	ssyncadd.s32 $0xFFFFC000  }
0x8a: {  	[tilespmem:s20], [sflag:$0x1] =	stream.indirect.gather [hbm4b:s4+s19], $0x80, s31, s19, $0xb8;
	[tilespmem:$0x1E100] =	vst v63  }
0x8b: {  	s30 =	sadd.s32 $0x400, s30  }
0x8c: {  	[spmem:s2] =	stream.indirect.scatter.add.f32 [tilespmem:s22], [sflag:$0x4], $0x80, s0, s19, $0xb8;
	[tilespmem:$0x1E100] =	vst v63  }
.LBB2_8:
0x8d: {  	_ =	sfence.sel $0x180000  }
0x8e: {  	[bflag:$0x0] =	sbarrier.arrive $0xFFFF  }
0x8f: {  	_ =	strace $0x9000004D  }
0x90: {  	[bflag:$0x2] =	sbarrier.arrive $0xFFFF  }
0x91: {  	p0 =	sne.s32 s1, $0x0;
	s0 =	rddreg [dreg:$0x3]  }
0x92: {  	s0 =	sadd.s32 @!p0 $0x100000, s0  }
0x93: {  	[sflag:s0] =	ssyncadd.tile.s32 @!p0 $0x1;
	_ =	shalt  }
.Lfunc_end2:
_tile_overlayer_lowered:
.L_overlay_start_2:
0x94: {  	(tag) =	ssettag $0x2  }
0x95: {  	s0 =	rddreg [dreg:$0x0];
	s2 =	stileid.u32  }
0x96: {  	s1 =	rddreg [dreg:$0x1];
	p0 =	sne.s32 s2, $0x0  }
0x97: {  	s3 =	rddreg [dreg:$0x2];
	[bflag:$0x3] =	sbarrier.arrive $0xFFFF;
	s2 =	simm.s32 @!p0 $0x1C05  }
0x98: {  	[timem:s3], [sflag:s2] =	dma.local @!p0 [hbm:s0], s1  }
0x99: {  	s0 =	simm.s32 @!p0 $0x5  }
0x9a: {  	_ =	swait.ge @!p0 [sflag:s0], s1  }
0x9b: {  	s1 =	ssub.s32 @!p0 $0x0, s1;
	[sflag:s0] =	ssyncset.done @!p0 $0x0  }
0x9c: {  	[sflag:s0] =	ssyncadd.s32 @!p0 s1  }
0x9d: {  	[bflag:$0x3] =	sbarrier.arrive $0xFFFF  }
0x9e: {  	_ =	shalt  }

// kernel: kernel.19.cloned.1.call-start
scs
__scs_entry_jumppad:
0x0: {  	(pc) =	sbr.rel $0x88, $3  }
0x1: {  	(tag) =	ssettag $0x0;
	lr =	simm.s32 $0x1  }
0x2: {  	[smem:$0x3F99] =	sst lr;
	_ =	strace $0xD0000000  }
0x3: {  	_ = 	snop  }
0x4: {  	_ = 	snop  }
0x5: {  	_ = 	snop  }
0x6: {  	_ = 	snop  }
0x7: {  	_ = 	snop  }
__scs_overlays_trampoline_lowered:
0x8: {  	[smem:$0x3FA8] =	sst s0  }
0x9: {  	[smem:$0x3FA9] =	sst s1  }
0xa: {  	[smem:$0x3FAA] =	sst s2  }
0xb: {  	[smem:$0x3FAB] =	sst s3  }
0xc: {  	[smem:$0x3FAC] =	sst s4  }
0xd: {  	[smem:$0x3FAD] =	sst s5  }
0xe: {  	[smem:$0x3FAE] =	sst s6  }
0xf: {  	[smem:$0x3FAF] =	sst s7  }
0x10: {  	[smem:$0x3FB0] =	sst s8  }
0x11: {  	[smem:$0x3FB1] =	sst s9;
	s0 =	simm.s32 @!p0 $0x0  }
0x12: {  	s1 =	sld [smem:$0x3F97];
	s0 =	simm.s32 @p0 $0x1  }
0x13: {  	[smem:$0x3FB2] =	sst s0;
	s0 =	simm.s32 @!p1 $0x0  }
0x14: {  	s2 =	sld [smem:$0x3F96];
	s0 =	simm.s32 @p1 $0x1  }
0x15: {  	[smem:$0x3FB3] =	sst s0;
	s0 =	simm.s32 @!p2 $0x0  }
0x16: {  	s3 =	sld [smem:$0x3FDB];
	s0 =	simm.s32 @p2 $0x1  }
0x17: {  	s4 =	simm.s32 $0x1BF5;
	[smem:$0x3FB5] =	sst s0  }
0x18: {  	s0 =	sld [smem:$0x3F98];
	_ =	swait.ge [sflag:s4], $0x0  }
0x19: {  	s7 =	sld [smem:$0x3F99]  }
0x1a: {  	s8 =	sadd.s32 $0xFFFFE003, lr  }
0x1b: {  	s9 =	sadd.s32 $0xFFFFFEF7, lr;
	s5 =	simm.s32 $0xFFFFFFFF;
	p2 =	slt.u32 s8, $0xFFFFF086  }
0x1c: {  	p1 =	slt.u32 s9, $0xF7A;
	s5 =	simm.s32 @!p2 $0x0  }
0x1d: {  	s5 =	simm.s32 @p1 $0x1;
	p0 =	seq.s32 s7, s2  }
0x1e: {  	s7 =	smul.u32 @!p0 $0xF7A, s2;
	p2 =	seq.s32 @!p0 s5, $0x0  }
0x1f: {  	s9 =	smul.u32 $0xF7A, s1;
	s8 =	simm.s32 @!p0 $0x1BF5;
	p2 =	por !p2, p0  }
0x20: {  	[sflag:s8] =	ssyncset.s32 @!p0 $0xFFFFF086;
	s6 =	sadd.s32 @!p0 s3, s7;
	s7 =	simm.s32 @!p0 $0x108  }
0x21: {  	s3 =	sadd.s32 s3, s9;
	s6 =	sadd.s32 @!p0 $0x88, s6;
	s7 =	simm.s32 @p2 $0x1082  }
0x22: {  	[simem:s7], [sflag:s8] =	dma.local @!p0 [hbm:s6], $0xF7A  }
0x23: {  	s9 =	sor.u32 $0xD0000000, s2;
	s6 =	simm.s32 $0x108;
	_ =	swait.ge @!p0 [sflag:s8], $0x0  }
0x24: {  	s3 =	sadd.s32 $0x88, s3;
	s6 =	simm.s32 @!p1 $0x1082;
	[sflag:s4] =	ssyncset.s32 $0xFFFFF086  }
0x25: {  	[simem:s6], [sflag:s4] =	dma.local [hbm:s3], $0xF7A  }
0x26: {  	[smem:$0x3F99] =	sst s1;
	(tag) =	ssettag s2;
	_ =	strace s9  }
0x27: {  	s1 =	sld [smem:$0x3FA9]  }
0x28: {  	s2 =	sld [smem:$0x3FAA]  }
0x29: {  	s4 =	sld [smem:$0x3FAC]  }
0x2a: {  	p0 =	seq.s32 s5, $0x0;
	s5 =	sld [smem:$0x3FAD]  }
0x2b: {  	s6 =	sld [smem:$0x3FAE]  }
0x2c: {  	s7 =	sld [smem:$0x3FAF]  }
0x2d: {  	s3 =	simm.s32 $0x108;
	s8 =	sld [smem:$0x3FB0]  }
0x2e: {  	s3 =	simm.s32 @!p0 $0x1082;
	s9 =	sld [smem:$0x3FB1]  }
0x2f: {  	lr =	sadd.s32 s0, s3;
	s0 =	sld [smem:$0x3FA8]  }
0x30: {  	s3 =	sld [smem:$0x3FAB]  }
0x31: {  	[smem:$0x3FB4] =	sst s10  }
0x32: {  	s10 =	sld [smem:$0x3FB2];
	_ =	sdelay $0x3  }
0x33: {  	p0 =	seq.s32 s10, $0x1;
	s10 =	sld [smem:$0x3FB4];
	_ =	sdelay $0x3  }
0x34: {  	[smem:$0x3FB4] =	sst s10  }
0x35: {  	s10 =	sld [smem:$0x3FB3];
	_ =	sdelay $0x3  }
0x36: {  	p1 =	seq.s32 s10, $0x1;
	s10 =	sld [smem:$0x3FB4];
	_ =	sdelay $0x3  }
0x37: {  	[smem:$0x3FB4] =	sst s10  }
0x38: {  	s10 =	sld [smem:$0x3FB5]  }
0x39: {  	_ = 	snop;
	(pc) =	sbr.ind lr, $3  }
0x3a: {  	_ = 	snop  }
0x3b: {  	_ = 	snop  }
0x3c: {  	p2 =	seq.s32 s10, $0x1;
	s10 =	sld [smem:$0x3FB4]  }
0x3d: {  	_ =	shalt  }
0x3e: {  	_ =	shalt  }
0x3f: {  	_ =	shalt  }
0x40: {  	_ =	shalt  }
0x41: {  	_ =	shalt  }
0x42: {  	_ =	shalt  }
0x43: {  	_ =	shalt  }
0x44: {  	_ =	shalt  }
0x45: {  	_ =	shalt  }
0x46: {  	_ =	shalt  }
0x47: {  	_ =	shalt  }
0x48: {  	_ =	shalt  }
0x49: {  	_ =	shalt  }
0x4a: {  	_ =	shalt  }
0x4b: {  	_ =	shalt  }
0x4c: {  	_ =	shalt  }
0x4d: {  	_ =	shalt  }
0x4e: {  	_ =	shalt  }
0x4f: {  	_ =	shalt  }
0x50: {  	_ =	shalt  }
0x51: {  	_ =	shalt  }
0x52: {  	_ =	shalt  }
0x53: {  	_ =	shalt  }
0x54: {  	_ =	shalt  }
0x55: {  	_ =	shalt  }
0x56: {  	_ =	shalt  }
0x57: {  	_ =	shalt  }
0x58: {  	_ =	shalt  }
0x59: {  	_ =	shalt  }
0x5a: {  	_ =	shalt  }
0x5b: {  	_ =	shalt  }
0x5c: {  	_ =	shalt  }
0x5d: {  	_ =	shalt  }
0x5e: {  	_ =	shalt  }
0x5f: {  	_ =	shalt  }
0x60: {  	_ =	shalt  }
0x61: {  	_ =	shalt  }
0x62: {  	_ =	shalt  }
0x63: {  	_ =	shalt  }
0x64: {  	_ =	shalt  }
0x65: {  	_ =	shalt  }
0x66: {  	_ =	shalt  }
0x67: {  	_ =	shalt  }
0x68: {  	_ =	shalt  }
0x69: {  	_ =	shalt  }
0x6a: {  	_ =	shalt  }
0x6b: {  	_ =	shalt  }
0x6c: {  	_ =	shalt  }
0x6d: {  	_ =	shalt  }
0x6e: {  	_ =	shalt  }
0x6f: {  	_ =	shalt  }
0x70: {  	_ =	shalt  }
0x71: {  	_ =	shalt  }
0x72: {  	_ =	shalt  }
0x73: {  	_ =	shalt  }
0x74: {  	_ =	shalt  }
0x75: {  	_ =	shalt  }
0x76: {  	_ =	shalt  }
0x77: {  	_ =	shalt  }
0x78: {  	_ =	shalt  }
0x79: {  	_ =	shalt  }
0x7a: {  	_ =	shalt  }
0x7b: {  	_ =	shalt  }
0x7c: {  	_ =	shalt  }
0x7d: {  	_ =	shalt  }
0x7e: {  	_ =	shalt  }
0x7f: {  	_ =	shalt  }
0x80: {  	_ =	shalt  }
0x81: {  	_ =	shalt  }
0x82: {  	_ =	shalt  }
0x83: {  	_ =	shalt  }
0x84: {  	_ =	shalt  }
0x85: {  	_ =	shalt  }
0x86: {  	_ =	shalt  }
0x87: {  	_ =	shalt  }
.Lfunc_end0:
.L_simem_size_0:
called_computation.3_lowered:
.L_overlay_start_0:
0x88: {  	s2 =	sld [smem:$0x3FD9]  }
0x89: {  	s3 =	sld [smem:$0x3FFE];
	_ =	sdelay $0x1  }
0x8a: {  	s1 =	srdreg.scid  }
0x8b: {  	s0 =	sand.u32 $0x1, s1  }
0x8c: {  	s17 =	sshll.u32 s0, $0xA;
	s2 =	sadd.s32 s3, s2  }
0x8d: {  	s2 =	sadd.s32 s2, s17  }
0x8e: {  	[smem:$0x3FC0] =	sst s2  }
0x8f: {  	_ = 	snop  }
0x90: {  	s2 =	sld [smem:$0x3FD0];
	(tm) =	ssettm $0x1  }
0x91: {  	s18 =	sld [smem:$0x3FFB];
	_ =	sdelay $0x3  }
0x92: {  	_ =	strace s18  }
0x93: {  	s3 =	sld [smem:$0x3FFC];
	_ =	sdelay $0x3  }
0x94: {  	_ =	strace s3  }
0x95: {  	s3 =	sld [smem:$0x3FFD];
	_ =	sdelay $0x3  }
0x96: {  	_ =	strace s3  }
0x97: {  	_ =	strace $0x8FFFFFFF  }
0x98: {  	s19 =	sld [smem:$0x3FDB];
	_ =	sdelay $0x1  }
0x99: {  	s4 =	simm.s32 $_scs_section_size  }
0x9a: {  	s5 =	simm.s32 $_size__tile_overlayer_lowered;
	s6 =	simm.s32 $_tile_overlayer_lowered  }
0x9b: {  	s22 =	simm.s32 $0x1BFF;
	s21 =	sshll.u32 s6, $0x1;
	s3 =	sadd.s32 s4, s19  }
0x9c: {  	s7 =	simm.s32 $0x0;
	s20 =	sshll.u32 s5, $0x1;
	s5 =	sadd.s32 s21, s3  }
0x9d: {  	[timem:s7], [sflag:s22] =	dma.local [hbm:s5], s20  }
0x9e: {  	_ =	swait.ge [sflag:s22], s20  }
0x9f: {  	s4 =	ssub.s32 $0x0, s20;
	[sflag:s22] =	ssyncset.done $0x0  }
0xa0: {  	[sflag:s22] =	ssyncadd.s32 s4;
	_ =	sdelay $0x1  }
0xa1: {  	s23 =	simm.s32 $0x1B8B  }
0xa2: {  	_ =	swait.ge [sflag:s23], $0x1  }
0xa3: {  	[sflag:s23] =	ssyncset.done $0x0  }
0xa4: {  	s25 =	simm.s32 $0x1B8E;
	s24 =	sld [smem:$0x3FFE];
	[sflag:s23] =	ssyncadd.s32 $0xFFFFFFFF  }
0xa5: {  	s26 =	simm.s32 $execute0_lowered;
	[smem:$0x3FD2] =	sst s25  }
0xa6: {  	s5 =	sshll.u32 s26, $0x1;
	_ =	strace $0x8000004F;
	[dreg:$0x1] =	wrdreg $0xFFFFFFFF  }
0xa7: {  	s28 =	simm.s32 $_size_execute0_lowered;
	s3 =	sadd.s32 s3, s5;
	[dreg:$0x0] =	wrdreg $0x0  }
0xa8: {  	s5 =	sshll.u32 s28, $0x1;
	[dreg:$0x2] =	wrdreg s3  }
0xa9: {  	[dreg:$0x3] =	wrdreg s5  }
0xaa: {  	[dreg:$0x4] =	wrdreg $0xC0  }
0xab: {  	_ =	task [dreg:s7], $0x5FFFF  }
0xac: {  	[dreg:$0x1] =	wrdreg $0xFFFFFFFF  }
0xad: {  	[dreg:$0x0] =	wrdreg $0x60  }
0xae: {  	[dreg:$0x2] =	wrdreg s2  }
0xaf: {  	[dreg:$0x3] =	wrdreg s24  }
0xb0: {  	[dreg:$0x4] =	wrdreg $0xA8000  }
0xb1: {  	[dreg:$0x5] =	wrdreg $0x9  }
0xb2: {  	_ =	task.clear_ibuf [dreg:s7], $0x6FFFF;
	_ =	strace $0x9000004F  }
0xb3: {  	s29 =	simm.s32 $0x9;
	_ =	strace $0x80000051  }
0xb4: {  	_ =	swait.ge [sflag:s29], $0x1  }
0xb5: {  	[sflag:s29] =	ssyncadd.s32 $0xFFFFFFFF  }
0xb6: {  	_ =	strace $0x90000051  }
0xb7: {  	_ =	sfence  }
0xb8: {  	s30 =	sld [smem:$0x0];
	_ =	sdelay $0x2  }
0xb9: {  	s31 =	sshll.u32 s1, $0xD;
	s1 =	sshrl.u32 s1, $0x2  }
0xba: {  	s3 =	sand.u32 $0x4000, s31;
	s1 =	sadd.s32 s1, s30  }
0xbb: {  	s0 =	sor.u32 s3, s0;
	s1 =	sshll.u32 s1, $0x11  }
0xbc: {  	s0 =	sor.u32 s1, s0  }
0xbd: {  	s0 =	sadd.s32 $0x8F2B, s0  }
0xbe: {  	[sflag:s0] =	ssyncadd.remote.s32 $0x1  }
0xbf: {  	_ =	sfence.sel $0xFFFF  }
0xc0: {  	[dreg:$0x0] =	wrdreg $0xFFFFFFFF;
	(pc) =	sbr.abs _section_cstart, $3  }
0xc1: {  	[dreg:$0x1] =	wrdreg $0xFFFFFFFF  }
0xc2: {  	_ =	task.clear_ibuf [dreg:s7], $0x2FFFF;
	_ =	strace $0x9FFFFFFF  }
0xc3: {  	(tm) =	ssettm $0x7FFFFFFF  }
tec
execute0_lowered:
.L_overlay_start_1:
0x0: {  	(tag) =	ssettag $0x1  }
0x1: {  	s0 =	rddreg [dreg:$0x0]  }
0x2: {  	s6 =	rddreg [dreg:$0x1]  }
0x3: {  	s2 =	rddreg [dreg:$0x2];
	s3 =	simm.s32 $0x0  }
0x4: {  	s1 =	stileid.u32;
	s4 =	srdreg.scid;
	s18 =	simm.s32 $0x1400  }
0x5: {  	s19 =	simm.s32 $0x80;
	s20 =	simm.s32 $0x2800;
	s21 =	simm.s32 $0x1  }
0x6: {  	s28 =	simm.s32 $0x4;
	s29 =	simm.s32 $0x0;
	s5 =	smul.u32 $0x4E000, s1  }
0x7: {  	[smem:$0x7FF] =	sst s3;
	s10 =	sadd.s32 $0x3000, s6;
	s8 =	smul.u32 $0x2700, s1  }
0x8: {  	s7 =	sand.u32 $0x1, s4;
	s4 =	sadd.s32 $0xD000, s6;
	s13 =	smul.u32 $0x50, s1  }
0x9: {  	s14 =	sadd.s32 $0x34200, s6;
	s17 =	sadd.s32 $0x124800, s2;
	s24 =	smul.u32 $0x13800, s1  }
0xa: {  	s6 =	sadd.s32 $0x31900, s6;
	p0 =	seq.s32 s1, $0xF;
	s9 =	ssub.s32 $0x2, s7  }
0xb: {  	_ =	strace $0x80000050;
	s11 =	smul.u32 $0x500, s7;
	s12 =	sshrl.u32 s9, $0x1  }
0xc: {  	s23 =	smul.u32 $0x138800, s7;
	s5 =	sshrl.u32 s5, $0x2;
	s15 =	ssub.s32 s9, s12  }
0xd: {  	s16 =	sadd.s32 s5, s2;
	s5 =	sadd.s32 s4, s8;
	s22 =	sadd.s32 s13, s11  }
0xe: {  	s26 =	sadd.s32 s24, s23;
	s30 =	sshrl.u32 s23, $0x3;
	s23 =	simm.s32 $0x2  }
0xf: {  	s24 =	simm.s32 $0x3;
	s8 =	sshll.u32 s22, $0x4;
	s31 =	sadd.s32 s14, s30  }
0x10: {  	s13 =	smax.u32 s15, $0x1;
	s16 =	sshrl.u32 @!p0 s16, $0x3;
	s22 =	simm.s32 $0x6800  }
.Ltmp0:
0x11: {  	s7 =	sadd.s32 s0, s8;
	s25 =	sadd.s32 $0x280, s8;
	(pc) =	sbr.rel .LBB2_1-.Ltmp0, $4  }
0x12: {  	s8 =	sadd.s32 s10, s8;
	s12 =	sadd.s32 $0x24900, s31;
	s9 =	sadd.s32 s0, s25  }
0x13: {  	s10 =	sadd.s32 s10, s25;
	s0 =	sshrl.u32 s26, $0x3;
	s25 =	simm.s32 $0x100  }
0x14: {  	s26 =	simm.s32 $0x1480;
	s11 =	sadd.s32 s14, s0;
	s0 =	sshll.u32 @!p0 s1, $0x6  }
0x15: {  	s14 =	sshrl.u32 @p0 s17, $0x3;
	s17 =	simm.s32 $0x5;
	s15 =	sor.u32 @!p0 $0x1C05, s0  }
.LBB2_7:
0x16: {  	[spmem:s2] =	stream.indirect.scatter.add.f32 [tilespmem:s22], [sflag:$0x4], $0x80, s0, s19, $0xb8;
	[tilespmem:$0x1E100] =	vst v63  }
0x17: {  	_ =	swait.ge [sflag:s24], $0x4000  }
0x18: {  	[sflag:s24] =	ssyncset.done $0x0  }
0x19: {  	[sflag:s24] =	ssyncadd.s32 $0xFFFFC000  }
0x1a: {  	_ =	swait.ge [sflag:s28], $0x4000  }
0x1b: {  	[sflag:s28] =	ssyncset.done $0x0  }
0x1c: {  	[sflag:s28] =	ssyncadd.s32 $0xFFFFC000  }
0x1d: {  	s0 =	simm.s32 @p0 $0x1FC5;
	[bflag:$0x0] =	sbarrier.arrive $0xFFFF  }
0x1e: {  	[hbm:s12], [sflag:s0] =	dma.local @p0 [spmem:s14], $0x2800  }
0x1f: {  	s0 =	simm.s32 @p0 $0x5  }
0x20: {  	s29 =	sadd.s32 $0x1, s29;
	_ =	swait.ge @p0 [sflag:s0], $0x2800  }
0x21: {  	p1 =	sne.s32 s29, s13;
	[sflag:s0] =	ssyncset.done @p0 $0x0  }
.Ltmp1:
0x22: {  	[sflag:s0] =	ssyncadd.s32 @p0 $0xFFFFD800;
	s0 =	simm.s32 @!p0 $0x5;
	(pc) =	sbr.rel @!p1 .LBB2_8-.Ltmp1, $4  }
0x23: {  	[hbm:s11], [sflag:s15] =	dma.local @!p0 [spmem:s16], $0x2700  }
0x24: {  	_ =	swait.ge @!p0 [sflag:s0], $0x2700  }
0x25: {  	[sflag:s0] =	ssyncset.done @!p0 $0x0  }
0x26: {  	[sflag:s0] =	ssyncadd.s32 @!p0 $0xFFFFD900  }
.LBB2_1:
0x27: {  	s0 =	simm.s32 @p0 $0x1FC5  }
0x28: {  	[spmem:s14], [sflag:s0] =	dma.local @p0 [hbm:s6], $0x2800  }
0x29: {  	s0 =	simm.s32 @p0 $0x5  }
0x2a: {  	_ =	swait.ge @p0 [sflag:s0], $0x2800  }
0x2b: {  	[sflag:s0] =	ssyncset.done @p0 $0x0  }
0x2c: {  	[sflag:s0] =	ssyncadd.s32 @p0 $0xFFFFD800;
	s0 =	simm.s32 @!p0 $0x5  }
0x2d: {  	[spmem:s16], [sflag:s15] =	dma.local @!p0 [hbm:s5], $0x2700  }
0x2e: {  	_ =	swait.ge @!p0 [sflag:s0], $0x2700  }
0x2f: {  	[sflag:s0] =	ssyncset.done @!p0 $0x0  }
0x30: {  	[sflag:s0] =	ssyncadd.s32 @!p0 $0xFFFFD900  }
0x31: {  	[bflag:$0x0] =	sbarrier.arrive $0xFFFF  }
0x32: {  	[tilespmem:s3], [sflag:$0x5] =	stream.linear.gather [hbm4b:s7+s3], $0x1400, $0x38;
	[tilespmem:$0x1E100] =	vst v63  }
0x33: {  	_ =	swait.ge [sflag:s17], $0x1400  }
0x34: {  	[sflag:s17] =	ssyncset.done $0x0  }
0x35: {  	[sflag:s17] =	ssyncadd.s32 $0xFFFFEC00  }
0x36: {  	[tilespmem:s18], [sflag:$0x5] =	stream.linear.gather [hbm4b:s8+s3], $0x1400, $0x38;
	[tilespmem:$0x1E100] =	vst v63  }
0x37: {  	_ =	swait.ge [sflag:s17], $0x1400  }
0x38: {  	[sflag:s17] =	ssyncset.done $0x0  }
0x39: {  	[sflag:s17] =	ssyncadd.s32 $0xFFFFEC00  }
0x3a: {  	[tilespmem:s20], [sflag:$0x1] =	stream.indirect.gather [hbm4b:s4+s19], $0x80, s3, s19, $0xb8;
	[tilespmem:$0x1E100] =	vst v63  }
0x3b: {  	_ =	swait.ge [sflag:s21], $0x4000  }
0x3c: {  	[sflag:s21] =	ssyncset.done $0x0  }
0x3d: {  	[sflag:s21] =	ssyncadd.s32 $0xFFFFC000  }
0x3e: {  	[tilespmem:s22], [sflag:$0x2] =	stream.indirect.gather [hbm4b:s4+s19], $0x80, s19, s19, $0xb8;
	[tilespmem:$0x1E100] =	vst v63  }
0x3f: {  	_ = 	snop  }
0x40: {  	[spmem:s2] =	stream.indirect.scatter.add.f32 [tilespmem:s20], [sflag:$0x3], $0x80, s18, s19, $0xb8;
	[tilespmem:$0x1E100] =	vst v63  }
0x41: {  	_ =	swait.ge [sflag:s23], $0x4000  }
0x42: {  	[sflag:s23] =	ssyncset.done $0x0  }
0x43: {  	[sflag:s23] =	ssyncadd.s32 $0xFFFFC000  }
0x44: {  	_ =	swait.ge [sflag:s24], $0x4000  }
0x45: {  	[sflag:s24] =	ssyncset.done $0x0  }
0x46: {  	[sflag:s24] =	ssyncadd.s32 $0xFFFFC000  }
0x47: {  	[tilespmem:s20], [sflag:$0x1] =	stream.indirect.gather [hbm4b:s4+s19], $0x80, s25, s19, $0xb8;
	[tilespmem:$0x1E100] =	vst v63  }
0x48: {  	s30 =	simm.s32 $0xFFFFB800  }
0x49: {  	[spmem:s2] =	stream.indirect.scatter.add.f32 [tilespmem:s22], [sflag:$0x4], $0x80, s26, s19, $0xb8;
	[tilespmem:$0x1E100] =	vst v63  }
.LBB2_2:
0x4a: {  	_ =	swait.ge [sflag:s21], $0x4000  }
0x4b: {  	[sflag:s21] =	ssyncset.done $0x0  }
0x4c: {  	[sflag:s21] =	ssyncadd.s32 $0xFFFFC000  }
0x4d: {  	_ =	swait.ge [sflag:s28], $0x4000  }
0x4e: {  	s31 =	sshra.s32 s30, $0x2;
	[sflag:s28] =	ssyncset.done $0x0  }
0x4f: {  	p1 =	seq.s32 s30, $0x0;
	s0 =	sadd.s32 $0x1380, s31;
	[sflag:s28] =	ssyncadd.s32 $0xFFFFC000  }
0x50: {  	[tilespmem:s22], [sflag:$0x2] =	stream.indirect.gather [hbm4b:s4+s19], $0x80, s0, s19, $0xb8;
	[tilespmem:$0x1E100] =	vst v63  }
.Ltmp2:
0x51: {  	s0 =	sadd.s32 $0x2700, s31;
	(pc) =	sbr.rel @p1 .LBB2_4-.Ltmp2, $4  }
0x52: {  	[spmem:s2] =	stream.indirect.scatter.add.f32 [tilespmem:s20], [sflag:$0x3], $0x80, s0, s19, $0xb8;
	[tilespmem:$0x1E100] =	vst v63  }
0x53: {  	_ =	swait.ge [sflag:s23], $0x4000  }
0x54: {  	[sflag:s23] =	ssyncset.done $0x0  }
0x55: {  	s0 =	sadd.s32 $0x2780, s31;
	[sflag:s23] =	ssyncadd.s32 $0xFFFFC000  }
0x56: {  	_ =	swait.ge [sflag:s24], $0x4000  }
.Ltmp3:
0x57: {  	[sflag:s24] =	ssyncset.done $0x0;
	(pc) =	sbr.rel .LBB2_2-.Ltmp3, $4  }
0x58: {  	s31 =	sadd.s32 $0x1400, s31;
	[sflag:s24] =	ssyncadd.s32 $0xFFFFC000  }
0x59: {  	[tilespmem:s20], [sflag:$0x1] =	stream.indirect.gather [hbm4b:s4+s19], $0x80, s31, s19, $0xb8;
	[tilespmem:$0x1E100] =	vst v63  }
0x5a: {  	s30 =	sadd.s32 $0x400, s30  }
0x5b: {  	[spmem:s2] =	stream.indirect.scatter.add.f32 [tilespmem:s22], [sflag:$0x4], $0x80, s0, s19, $0xb8;
	[tilespmem:$0x1E100] =	vst v63  }
.LBB2_4:
0x5c: {  	[spmem:s2] =	stream.indirect.scatter.add.f32 [tilespmem:s22], [sflag:$0x4], $0x80, s0, s19, $0xb8;
	[tilespmem:$0x1E100] =	vst v63  }
0x5d: {  	_ =	swait.ge [sflag:s24], $0x4000  }
0x5e: {  	[sflag:s24] =	ssyncset.done $0x0  }
0x5f: {  	[sflag:s24] =	ssyncadd.s32 $0xFFFFC000  }
0x60: {  	_ =	swait.ge [sflag:s28], $0x4000  }
0x61: {  	[sflag:s28] =	ssyncset.done $0x0  }
0x62: {  	[sflag:s28] =	ssyncadd.s32 $0xFFFFC000  }
0x63: {  	[tilespmem:s3], [sflag:$0x5] =	stream.linear.gather [hbm4b:s9+s3], $0x1400, $0x38;
	[tilespmem:$0x1E100] =	vst v63  }
0x64: {  	_ =	swait.ge [sflag:s17], $0x1400  }
0x65: {  	[sflag:s17] =	ssyncset.done $0x0  }
0x66: {  	[sflag:s17] =	ssyncadd.s32 $0xFFFFEC00  }
0x67: {  	[tilespmem:s18], [sflag:$0x5] =	stream.linear.gather [hbm4b:s10+s3], $0x1400, $0x38;
	[tilespmem:$0x1E100] =	vst v63  }
0x68: {  	_ =	swait.ge [sflag:s17], $0x1400  }
0x69: {  	[sflag:s17] =	ssyncset.done $0x0  }
0x6a: {  	[sflag:s17] =	ssyncadd.s32 $0xFFFFEC00  }
0x6b: {  	[tilespmem:s20], [sflag:$0x1] =	stream.indirect.gather [hbm4b:s4+s19], $0x80, s3, s19, $0xb8;
	[tilespmem:$0x1E100] =	vst v63  }
0x6c: {  	_ =	swait.ge [sflag:s21], $0x4000  }
0x6d: {  	[sflag:s21] =	ssyncset.done $0x0  }
0x6e: {  	[sflag:s21] =	ssyncadd.s32 $0xFFFFC000  }
0x6f: {  	[tilespmem:s22], [sflag:$0x2] =	stream.indirect.gather [hbm4b:s4+s19], $0x80, s19, s19, $0xb8;
	[tilespmem:$0x1E100] =	vst v63  }
0x70: {  	_ = 	snop  }
0x71: {  	[spmem:s2] =	stream.indirect.scatter.add.f32 [tilespmem:s20], [sflag:$0x3], $0x80, s18, s19, $0xb8;
	[tilespmem:$0x1E100] =	vst v63  }
0x72: {  	_ =	swait.ge [sflag:s23], $0x4000  }
0x73: {  	[sflag:s23] =	ssyncset.done $0x0  }
0x74: {  	[sflag:s23] =	ssyncadd.s32 $0xFFFFC000  }
0x75: {  	_ =	swait.ge [sflag:s24], $0x4000  }
0x76: {  	[sflag:s24] =	ssyncset.done $0x0  }
0x77: {  	[sflag:s24] =	ssyncadd.s32 $0xFFFFC000  }
0x78: {  	[tilespmem:s20], [sflag:$0x1] =	stream.indirect.gather [hbm4b:s4+s19], $0x80, s25, s19, $0xb8;
	[tilespmem:$0x1E100] =	vst v63  }
0x79: {  	s30 =	simm.s32 $0xFFFFB800  }
0x7a: {  	[spmem:s2] =	stream.indirect.scatter.add.f32 [tilespmem:s22], [sflag:$0x4], $0x80, s26, s19, $0xb8;
	[tilespmem:$0x1E100] =	vst v63  }
.LBB2_5:
0x7b: {  	_ =	swait.ge [sflag:s21], $0x4000  }
0x7c: {  	[sflag:s21] =	ssyncset.done $0x0  }
0x7d: {  	[sflag:s21] =	ssyncadd.s32 $0xFFFFC000  }
0x7e: {  	_ =	swait.ge [sflag:s28], $0x4000  }
0x7f: {  	s31 =	sshra.s32 s30, $0x2;
	[sflag:s28] =	ssyncset.done $0x0  }
0x80: {  	p1 =	seq.s32 s30, $0x0;
	s0 =	sadd.s32 $0x1380, s31;
	[sflag:s28] =	ssyncadd.s32 $0xFFFFC000  }
0x81: {  	[tilespmem:s22], [sflag:$0x2] =	stream.indirect.gather [hbm4b:s4+s19], $0x80, s0, s19, $0xb8;
	[tilespmem:$0x1E100] =	vst v63  }
.Ltmp4:
0x82: {  	s0 =	sadd.s32 $0x2700, s31;
	(pc) =	sbr.rel @p1 .LBB2_7-.Ltmp4, $4  }
0x83: {  	[spmem:s2] =	stream.indirect.scatter.add.f32 [tilespmem:s20], [sflag:$0x3], $0x80, s0, s19, $0xb8;
	[tilespmem:$0x1E100] =	vst v63  }
0x84: {  	_ =	swait.ge [sflag:s23], $0x4000  }
0x85: {  	[sflag:s23] =	ssyncset.done $0x0  }
0x86: {  	s0 =	sadd.s32 $0x2780, s31;
	[sflag:s23] =	ssyncadd.s32 $0xFFFFC000  }
0x87: {  	_ =	swait.ge [sflag:s24], $0x4000  }
.Ltmp5:
0x88: {  	[sflag:s24] =	ssyncset.done $0x0;
	(pc) =	sbr.rel .LBB2_5-.Ltmp5, $4  }
0x89: {  	s31 =	sadd.s32 $0x1400, s31;
	[sflag:s24] =	ssyncadd.s32 $0xFFFFC000  }
0x8a: {  	[tilespmem:s20], [sflag:$0x1] =	stream.indirect.gather [hbm4b:s4+s19], $0x80, s31, s19, $0xb8;
	[tilespmem:$0x1E100] =	vst v63  }
0x8b: {  	s30 =	sadd.s32 $0x400, s30  }
0x8c: {  	[spmem:s2] =	stream.indirect.scatter.add.f32 [tilespmem:s22], [sflag:$0x4], $0x80, s0, s19, $0xb8;
	[tilespmem:$0x1E100] =	vst v63  }
.LBB2_8:
0x8d: {  	_ =	sfence.sel $0x180000  }
0x8e: {  	[bflag:$0x0] =	sbarrier.arrive $0xFFFF  }
0x8f: {  	_ =	strace $0x90000050  }
0x90: {  	[bflag:$0x2] =	sbarrier.arrive $0xFFFF  }
0x91: {  	p0 =	sne.s32 s1, $0x0;
	s0 =	rddreg [dreg:$0x3]  }
0x92: {  	s0 =	sadd.s32 @!p0 $0x100000, s0  }
0x93: {  	[sflag:s0] =	ssyncadd.tile.s32 @!p0 $0x1;
	_ =	shalt  }
.Lfunc_end2:
_tile_overlayer_lowered:
.L_overlay_start_2:
0x94: {  	(tag) =	ssettag $0x2  }
0x95: {  	s0 =	rddreg [dreg:$0x0];
	s2 =	stileid.u32  }
0x96: {  	s1 =	rddreg [dreg:$0x1];
	p0 =	sne.s32 s2, $0x0  }
0x97: {  	s3 =	rddreg [dreg:$0x2];
	[bflag:$0x3] =	sbarrier.arrive $0xFFFF;
	s2 =	simm.s32 @!p0 $0x1C05  }
0x98: {  	[timem:s3], [sflag:s2] =	dma.local @!p0 [hbm:s0], s1  }
0x99: {  	s0 =	simm.s32 @!p0 $0x5  }
0x9a: {  	_ =	swait.ge @!p0 [sflag:s0], s1  }
0x9b: {  	s1 =	ssub.s32 @!p0 $0x0, s1;
	[sflag:s0] =	ssyncset.done @!p0 $0x0  }
0x9c: {  	[sflag:s0] =	ssyncadd.s32 @!p0 s1  }
0x9d: {  	[bflag:$0x3] =	sbarrier.arrive $0xFFFF  }
0x9e: {  	_ =	shalt  }

</sc_bundles>
